<compile_context>
chip_gen: v7x
topology: tpu7x:2x2x1
jax: 0.10.2.dev20260603
libtpu: 0.0.44.dev20260713+nightly
codegen_flags: <defaults>
</compile_context>

<pallas_src>
import numpy as np

import jax
import jax.numpy as jnp
from jax import lax
from jax.experimental import pallas as pl
from jax.experimental.pallas import tpu as pltpu
from jax.experimental.pallas import tpu_sc as plsc

_N = 10000
_NV = _N // 16
_G = 16
_NCELL = _G * _G * _G
_CAP = 16
_CPS = _NCELL // 16
_CPW = _NCELL // 32
_STAGE = 832

_T_HI = float(np.uint32(0x3AD1B716).view(np.float32))
_T_LO = float(np.uint32(0x2B8CBCCD).view(np.float32))

_FWD = [(1, dy, dx) for dy in (-1, 0, 1) for dx in (-1, 0, 1)] + \
       [(0, 1, dx) for dx in (-1, 0, 1)] + [(0, 0, 1)]
_DX = np.array([o[2] for o in _FWD] + [0, 0, 0], np.int32)
_DY = np.array([o[1] for o in _FWD] + [0, 0, 0], np.int32)
_DZ = np.array([o[0] for o in _FWD] + [0, 0, 0], np.int32)
_DID = (_DZ * _G * _G + _DY * _G + _DX).astype(np.int32)


def _bf16r(v):
    b = plsc.bitcast(v, jnp.int32)
    r = (b + jnp.int32(0x7FFF) + ((b >> 16) & jnp.int32(1))) & jnp.int32(
        -65536)
    return plsc.bitcast(r, jnp.float32)


def _sread(ref, idx, iota):
    base = (idx // 16) * 16
    v = ref[pl.ds(base, 16)]
    lane = jnp.full((16,), idx - base, jnp.int32)
    return jnp.take_along_axis(
        v, lane, axis=0, mode=lax.GatherScatterMode.PROMISE_IN_BOUNDS)[0]


def _rot(v, iota, sh):
    return jnp.take_along_axis(
        v, (iota + sh) & 15, axis=0,
        mode=lax.GatherScatterMode.PROMISE_IN_BOUNDS)


def _sum16(v, iota):
    for sh in (8, 4, 2, 1):
        v = v + _rot(v, iota, sh)
    return v[0]


def _excl16(m, iota):
    s = jnp.where(m, jnp.int32(1), jnp.int32(0))
    mi = s
    for sh in (1, 2, 4, 8):
        t = _rot(s, iota, -sh)
        s = s + jnp.where(iota >= sh, t, jnp.int32(0))
    return s - mi, s[15]


def _max16(v, iota):
    for sh in (8, 4, 2, 1):
        v = jnp.maximum(v, _rot(v, iota, sh))
    return v[0]


def _sc_body(x0_h, x1_h, x2_h, dxc_h, dyc_h, dzc_h, didc_h, par_h, out_h,
             x0_v, x1_v, x2_v, x2s_v, cntloc_v, buckloc_v, stagei_v,
             stagec_v, counts_v, buckets_v, cand_v, dxv_v, dyv_v, dzv_v,
             didv_v, par_v, accout_v, partred_v, sh_counts, sh_buckets,
             sh_part):
    c = lax.axis_index("c")
    s = lax.axis_index("s")
    pltpu.sync_copy(x0_h, x0_v.at[pl.ds(0, _N)])
    pltpu.sync_copy(x1_h, x1_v.at[pl.ds(0, _N)])
    pltpu.sync_copy(x2_h, x2_v.at[pl.ds(0, _N)])
    pltpu.sync_copy(dxc_h, dxv_v)
    pltpu.sync_copy(dyc_h, dyv_v)
    pltpu.sync_copy(dzc_h, dzv_v)
    pltpu.sync_copy(didc_h, didv_v)
    pltpu.sync_copy(par_h, par_v)

    iota = lax.iota(jnp.int32, 16)
    zz = jnp.zeros((16,), jnp.int32)
    for k in range(_CPS // 16):
        cntloc_v[pl.ds(k * 16, 16)] = zz

    def zero_body(k, _):
        buckloc_v[pl.ds(k * 16, 16)] = zz
        return 0
    lax.fori_loop(0, _CPS * _CAP // 16, zero_body, 0)
    for k in range(16):
        cand_v[pl.ds(k * 16, 16)] = zz

    lo_cell = s * _CPS

    def scan_body(v, ns):
        base = v * 16
        xa = x0_v[pl.ds(base, 16)]
        xb = x1_v[pl.ds(base, 16)]
        xc = x2_v[pl.ds(base, 16)]
        cx = (xa * 16.0).astype(jnp.int32)
        cy = (xb * 16.0).astype(jnp.int32)
        cz = (xc * 16.0).astype(jnp.int32)
        cid = (cz * _G + cy) * _G + cx
        x2s_v[pl.ds(base, 16)] = (xa * xa + xb * xb) + xc * xc
        m = (cid >= lo_cell) & (cid < lo_cell + _CPS)
        excl, tot = _excl16(m, iota)
        ok = m & (ns <= _STAGE - 16)
        dest = jnp.where(ok, ns + excl, jnp.int32(_STAGE))
        plsc.store_scatter(stagei_v, [dest], iota + base)
        plsc.store_scatter(stagec_v, [dest], cid)
        return ns + tot

    nstage = lax.fori_loop(0, _NV, scan_body, 0)

    lane0 = iota == 0

    def ins_body(t, _):
        cid = _sread(stagec_v, t, iota)
        pid = _sread(stagei_v, t, iota)
        lcl = cid - lo_cell
        cnt = _sread(cntloc_v, lcl, iota)

        def put(_u):
            d1 = jnp.where(lane0, lcl * _CAP + cnt, jnp.int32(_CPS * _CAP))
            plsc.store_scatter(buckloc_v, [d1], jnp.full((16,), pid))
            d2 = jnp.where(lane0, lcl, jnp.int32(_CPS))
            plsc.store_scatter(cntloc_v, [d2], jnp.full((16,), cnt + 1))
            return 0
        return lax.cond(cnt < _CAP, put, lambda _u: 0, 0)
    lax.fori_loop(0, nstage, ins_body, 0)

    pltpu.sync_copy(cntloc_v.at[pl.ds(0, _CPS)],
                    sh_counts.at[pl.ds(lo_cell, _CPS)])
    pltpu.sync_copy(buckloc_v.at[pl.ds(0, _CPS * _CAP)],
                    sh_buckets.at[pl.ds(s * _CPS * _CAP, _CPS * _CAP)])
    plsc.subcore_barrier()
    pltpu.sync_copy(sh_counts, counts_v.at[pl.ds(0, _NCELL)])
    pltpu.sync_copy(sh_buckets, buckets_v.at[pl.ds(0, _NCELL * _CAP)])

    w = c * 16 + s
    dxv = dxv_v[pl.ds(0, 16)]
    dyv = dyv_v[pl.ds(0, 16)]
    dzv = dzv_v[pl.ds(0, 16)]
    didv = didv_v[pl.ds(0, 16)]
    parv = par_v[pl.ds(0, 16)]
    A = parv[0]
    B = parv[1]
    lane13 = iota < 13
    cellbase = w * _CPW

    def cell_body(ci, acc):
        cell = cellbase + ci
        na = _sread(counts_v, cell, iota)

        def do_cell(acc):
            ax = cell & (_G - 1)
            ay = (cell >> 4) & (_G - 1)
            az = cell >> 8
            nx = ax + dxv
            ny = ay + dyv
            nz = az + dzv
            valid = (lane13 & (nx >= 0) & (nx < _G) & (ny >= 0) & (ny < _G)
                     & (nz >= 0) & (nz < _G))
            ncv = jnp.clip(cell + didv, 0, _NCELL - 1)
            cnts = plsc.load_gather(counts_v, [ncv])
            cnts = jnp.where(valid, cnts, 0)
            maxc = _max16(cnts, iota)

            def asm_body(s2, ncand):
                want = valid & (s2 < cnts)
                idxs = plsc.load_gather(buckets_v, [ncv * _CAP + s2],
                                        mask=want)
                plsc.store_compressed(cand_v.at[pl.ds(ncand, 16)], idxs,
                                      mask=want)
                return ncand + jnp.sum(want.astype(jnp.int32))

            ncand = lax.fori_loop(0, maxc, asm_body, 0)
            nvreg = (ncand + 15) // 16
            selfv = buckets_v[pl.ds(cell * _CAP, 16)]

            def mem_body(aslot, acc):
                lane_a = jnp.full((16,), aslot, jnp.int32)
                ia = jnp.take_along_axis(
                    selfv, lane_a, axis=0,
                    mode=lax.GatherScatterMode.PROMISE_IN_BOUNDS)[0]
                va0 = jnp.full((16,), _sread(x0_v, ia, iota))
                va1 = jnp.full((16,), _sread(x1_v, ia, iota))
                va2 = jnp.full((16,), _sread(x2_v, ia, iota))
                v2a = jnp.full((16,), _sread(x2s_v, ia, iota))
                ba0 = _bf16r(va0)
                ba1 = _bf16r(va1)
                ba2 = _bf16r(va2)

                def evalv(jv, mv, acc):
                    xj0 = plsc.load_gather(x0_v, [jv])
                    xj1 = plsc.load_gather(x1_v, [jv])
                    xj2 = plsc.load_gather(x2_v, [jv])
                    x2j = plsc.load_gather(x2s_v, [jv])
                    jb0 = _bf16r(xj0)
                    jb1 = _bf16r(xj1)
                    jb2 = _bf16r(xj2)
                    p = (ba0 * jb0 + ba1 * jb1) + ba2 * jb2
                    d2m = (v2a + x2j) - 2.0 * p
                    mk = mv & (d2m > _T_LO) & (d2m < _T_HI)
                    d0 = va0 - xj0
                    d1 = va1 - xj1
                    d2_ = va2 - xj2
                    r2 = (d0 * d0 + d1 * d1) + d2_ * d2_
                    rec = 1.0 / r2
                    q = rec * rec * rec
                    u = q * (A * q - B)
                    return acc + jnp.where(mk, u, jnp.float32(0.0))

                ms = (iota < na) & (selfv > ia)
                acc = evalv(selfv, ms, acc)

                def fwd_body(v2, acc):
                    jv = cand_v[pl.ds(v2 * 16, 16)]
                    mv = iota < (ncand - v2 * 16)
                    return evalv(jv, mv, acc)
                return lax.fori_loop(0, nvreg, fwd_body, acc)

            return lax.fori_loop(0, na, mem_body, acc)
        return lax.cond(na > 0, do_cell, lambda a: a, acc)

    acc = lax.fori_loop(0, _CPW, cell_body, jnp.zeros((16,), jnp.float32))

    accout_v[pl.ds(0, 16)] = acc
    pltpu.sync_copy(accout_v, sh_part.at[pl.ds(s * 16, 16)])
    plsc.subcore_barrier()

    @pl.when(s == 0)
    def _reduce():
        pltpu.sync_copy(sh_part, partred_v)
        tot = jnp.zeros((16,), jnp.float32)
        for k in range(16):
            tot = tot + partred_v[pl.ds(k * 16, 16)]
        accout_v[pl.ds(0, 16)] = tot
        pltpu.sync_copy(accout_v, out_h.at[pl.ds(c * 16, 16)])


def kernel(x, eps, sigma):
    x0 = x[:, 0]
    x1 = x[:, 1]
    x2 = x[:, 2]
    epsf = eps.astype(jnp.float32)
    sigf = sigma.astype(jnp.float32)
    s2 = sigf * sigf
    s6 = s2 * s2 * s2
    par = jnp.zeros((16,), jnp.float32)
    par = par.at[0].set(4.0 * epsf * s6 * s6).at[1].set(4.0 * epsf * s6)

    mesh = plsc.VectorSubcoreMesh(core_axis_name="c", subcore_axis_name="s")
    fn = pl.kernel(
        _sc_body,
        out_type=jax.ShapeDtypeStruct((32,), jnp.float32),
        mesh=mesh,
        compiler_params=pltpu.CompilerParams(needs_layout_passes=False),
        scratch_types=[
            pltpu.VMEM((_N + 16,), jnp.float32),
            pltpu.VMEM((_N + 16,), jnp.float32),
            pltpu.VMEM((_N + 16,), jnp.float32),
            pltpu.VMEM((_N + 16,), jnp.float32),
            pltpu.VMEM((_CPS + 16,), jnp.int32),
            pltpu.VMEM((_CPS * _CAP + 16,), jnp.int32),
            pltpu.VMEM((_STAGE + 16,), jnp.int32),
            pltpu.VMEM((_STAGE + 16,), jnp.int32),
            pltpu.VMEM((_NCELL + 16,), jnp.int32),
            pltpu.VMEM((_NCELL * _CAP + 16,), jnp.int32),
            pltpu.VMEM((256,), jnp.int32),
            pltpu.VMEM((16,), jnp.int32),
            pltpu.VMEM((16,), jnp.int32),
            pltpu.VMEM((16,), jnp.int32),
            pltpu.VMEM((16,), jnp.int32),
            pltpu.VMEM((16,), jnp.float32),
            pltpu.VMEM((16,), jnp.float32),
            pltpu.VMEM((256,), jnp.float32),
            pltpu.VMEM_SHARED((_NCELL,), jnp.int32),
            pltpu.VMEM_SHARED((_NCELL * _CAP,), jnp.int32),
            pltpu.VMEM_SHARED((256,), jnp.float32),
        ],
    )
    out = fn(x0, x1, x2, jnp.asarray(_DX), jnp.asarray(_DY),
             jnp.asarray(_DZ), jnp.asarray(_DID), par)
    return jnp.sum(out)

# --- scband reference (transcript-rebuilt; emitter-appended) ---
"""Pipeline reference for scband-lennard-jones-verlet-5695126634505 (READ-ONLY COPY).

The authoritative reference and input builder live on the scoring server;
editing this copy changes nothing except your own understanding.
"""

import jax, jax.numpy as jnp
import numpy as np

CUTOFF = 0.03
SKIN = 0.01
R_CUT_SKIN = CUTOFF + SKIN


def setup_inputs(seed: int = 0) -> dict:
    key = jax.random.key(seed)
    kx = jax.random.fold_in(key, 0)
    x = jax.random.uniform(kx, (10000, 3), dtype=jnp.float32)
    eps = jnp.asarray(1.0, dtype=jnp.float32)
    sigma = jnp.asarray(0.01, dtype=jnp.float32)
    return {"x": x, "eps": eps, "sigma": sigma}


def _build_neighbor_list(x):
    # O(N^2) distance computation (torch.cdist equivalent, no PBC since box_size=None)
    n = x.shape[0]
    x2 = (x ** 2).sum(-1)
    d2 = x2[:, None] + x2[None, :] - 2.0 * (x @ x.T)
    dists = jnp.sqrt(jnp.maximum(d2, 0.0))
    mask = (dists < R_CUT_SKIN) & (dists > 1e-06)
    triu = jnp.triu(jnp.ones((n, n), dtype=bool), k=1)
    return mask & triu


def reference(x, eps, sigma):
    # energy() path for unbatched x (ndim == event_dim == 2):
    # neighbor list is stale -> update, then compute LJ energy over neighbor pairs
    pair_mask = _build_neighbor_list(x)
    diff = x[:, None, :] - x[None, :, :]  # box_size is None -> no minimum image
    r2_pairs = (diff ** 2).sum(-1)
    safe_r2 = jnp.where(pair_mask, r2_pairs, jnp.ones_like(r2_pairs))
    s2 = sigma ** 2 / safe_r2
    s6 = s2 ** 3
    u_pairs = 4.0 * eps * (s6 ** 2 - s6)
    u_masked = jnp.where(pair_mask, u_pairs, jnp.zeros_like(u_pairs))
    return u_masked.sum()

if __name__ == "__main__":
    import jax
    _d = setup_inputs()
    print(jax.jit(kernel)(*tuple(_d.values())))

</pallas_src>

<mosaic_0001>
#map = affine_map<(d0, d1) -> (0)>
module attributes {stable_mosaic.version = 14 : i64} {
  func.func @_sc_body(%arg0: i32, %arg1: i32, %arg2: memref<10000xf32, #tpu.memory_space<hbm>>, %arg3: memref<10000xf32, #tpu.memory_space<hbm>>, %arg4: memref<10000xf32, #tpu.memory_space<hbm>>, %arg5: memref<16xi32, #tpu.memory_space<hbm>>, %arg6: memref<16xi32, #tpu.memory_space<hbm>>, %arg7: memref<16xi32, #tpu.memory_space<hbm>>, %arg8: memref<16xi32, #tpu.memory_space<hbm>>, %arg9: memref<16xf32, #tpu.memory_space<hbm>>, %arg10: memref<32xf32, #tpu.memory_space<hbm>>, %arg11: memref<10016xf32, #tpu.memory_space<vmem>>, %arg12: memref<10016xf32, #tpu.memory_space<vmem>>, %arg13: memref<10016xf32, #tpu.memory_space<vmem>>, %arg14: memref<10016xf32, #tpu.memory_space<vmem>>, %arg15: memref<272xi32, #tpu.memory_space<vmem>>, %arg16: memref<4112xi32, #tpu.memory_space<vmem>>, %arg17: memref<848xi32, #tpu.memory_space<vmem>>, %arg18: memref<848xi32, #tpu.memory_space<vmem>>, %arg19: memref<4112xi32, #tpu.memory_space<vmem>>, %arg20: memref<65552xi32, #tpu.memory_space<vmem>>, %arg21: memref<256xi32, #tpu.memory_space<vmem>>, %arg22: memref<16xi32, #tpu.memory_space<vmem>>, %arg23: memref<16xi32, #tpu.memory_space<vmem>>, %arg24: memref<16xi32, #tpu.memory_space<vmem>>, %arg25: memref<16xi32, #tpu.memory_space<vmem>>, %arg26: memref<16xf32, #tpu.memory_space<vmem>>, %arg27: memref<16xf32, #tpu.memory_space<vmem>>, %arg28: memref<256xf32, #tpu.memory_space<vmem>>, %arg29: memref<4096xi32, #tpu.memory_space<vmem_shared>>, %arg30: memref<65536xi32, #tpu.memory_space<vmem_shared>>, %arg31: memref<256xf32, #tpu.memory_space<vmem_shared>>) attributes {dimension_semantics = [#tpu.dimension_semantics<core_parallel>, #tpu.dimension_semantics<subcore_parallel>], iteration_bounds = array<i64: 2, 16>, scalar_prefetch = 0 : i64, scratch_operands = 21 : i64, tpu.core_type = #tpu.core_type<sc_vector_subcore>, window_params = [{transform_indices = #map}, {transform_indices = #map}, {transform_indices = #map}, {transform_indices = #map}, {transform_indices = #map}, {transform_indices = #map}, {transform_indices = #map}, {transform_indices = #map}, {transform_indices = #map}]} {
    "tpu.region"() ({
      %run_scoped3A = tpu.sem_alloc : memref<!tpu.dma_semaphore, #tpu.memory_space<semaphore_mem>>
      %dma_start3A = arith.constant 0 : i32
      %dma_start3A_128 = tpu.memref_slice %arg11[%dma_start3A] : memref<10016xf32, #tpu.memory_space<vmem>> -> memref<10000xf32, #tpu.memory_space<vmem>>
      %dma_start3A_129 = arith.constant 0 : i32
      %dma_start3A_130 = tpu.memref_slice %arg11[%dma_start3A_129] : memref<10016xf32, #tpu.memory_space<vmem>> -> memref<10000xf32, #tpu.memory_space<vmem>>
      tpu.enqueue_dma source(%arg2 : memref<10000xf32, #tpu.memory_space<hbm>>) target(%dma_start3A_130 : memref<10000xf32, #tpu.memory_space<vmem>>) target_semaphore(%run_scoped3A : memref<!tpu.dma_semaphore, #tpu.memory_space<semaphore_mem>>)
      %dma_wait3A = arith.constant 0 : i32
      %dma_wait3A_131 = tpu.memref_slice %arg11[%dma_wait3A] : memref<10016xf32, #tpu.memory_space<vmem>> -> memref<10000xf32, #tpu.memory_space<vmem>>
      %dma_wait3A_132 = arith.constant 0 : i32
      %dma_wait3A_133 = tpu.memref_slice %arg11[%dma_wait3A_132] : memref<10016xf32, #tpu.memory_space<vmem>> -> memref<10000xf32, #tpu.memory_space<vmem>>
      tpu.wait_dma2 semaphore(%run_scoped3A : memref<!tpu.dma_semaphore, #tpu.memory_space<semaphore_mem>>) src(%arg2 : memref<10000xf32, #tpu.memory_space<hbm>>) dst(%dma_wait3A_133 : memref<10000xf32, #tpu.memory_space<vmem>>)
      tpu.yield
    }) : () -> ()
    "tpu.region"() ({
      %run_scoped3A = tpu.sem_alloc : memref<!tpu.dma_semaphore, #tpu.memory_space<semaphore_mem>>
      %dma_start3A = arith.constant 0 : i32
      %dma_start3A_128 = tpu.memref_slice %arg12[%dma_start3A] : memref<10016xf32, #tpu.memory_space<vmem>> -> memref<10000xf32, #tpu.memory_space<vmem>>
      %dma_start3A_129 = arith.constant 0 : i32
      %dma_start3A_130 = tpu.memref_slice %arg12[%dma_start3A_129] : memref<10016xf32, #tpu.memory_space<vmem>> -> memref<10000xf32, #tpu.memory_space<vmem>>
      tpu.enqueue_dma source(%arg3 : memref<10000xf32, #tpu.memory_space<hbm>>) target(%dma_start3A_130 : memref<10000xf32, #tpu.memory_space<vmem>>) target_semaphore(%run_scoped3A : memref<!tpu.dma_semaphore, #tpu.memory_space<semaphore_mem>>)
      %dma_wait3A = arith.constant 0 : i32
      %dma_wait3A_131 = tpu.memref_slice %arg12[%dma_wait3A] : memref<10016xf32, #tpu.memory_space<vmem>> -> memref<10000xf32, #tpu.memory_space<vmem>>
      %dma_wait3A_132 = arith.constant 0 : i32
      %dma_wait3A_133 = tpu.memref_slice %arg12[%dma_wait3A_132] : memref<10016xf32, #tpu.memory_space<vmem>> -> memref<10000xf32, #tpu.memory_space<vmem>>
      tpu.wait_dma2 semaphore(%run_scoped3A : memref<!tpu.dma_semaphore, #tpu.memory_space<semaphore_mem>>) src(%arg3 : memref<10000xf32, #tpu.memory_space<hbm>>) dst(%dma_wait3A_133 : memref<10000xf32, #tpu.memory_space<vmem>>)
      tpu.yield
    }) : () -> ()
    "tpu.region"() ({
      %run_scoped3A = tpu.sem_alloc : memref<!tpu.dma_semaphore, #tpu.memory_space<semaphore_mem>>
      %dma_start3A = arith.constant 0 : i32
      %dma_start3A_128 = tpu.memref_slice %arg13[%dma_start3A] : memref<10016xf32, #tpu.memory_space<vmem>> -> memref<10000xf32, #tpu.memory_space<vmem>>
      %dma_start3A_129 = arith.constant 0 : i32
      %dma_start3A_130 = tpu.memref_slice %arg13[%dma_start3A_129] : memref<10016xf32, #tpu.memory_space<vmem>> -> memref<10000xf32, #tpu.memory_space<vmem>>
      tpu.enqueue_dma source(%arg4 : memref<10000xf32, #tpu.memory_space<hbm>>) target(%dma_start3A_130 : memref<10000xf32, #tpu.memory_space<vmem>>) target_semaphore(%run_scoped3A : memref<!tpu.dma_semaphore, #tpu.memory_space<semaphore_mem>>)
      %dma_wait3A = arith.constant 0 : i32
      %dma_wait3A_131 = tpu.memref_slice %arg13[%dma_wait3A] : memref<10016xf32, #tpu.memory_space<vmem>> -> memref<10000xf32, #tpu.memory_space<vmem>>
      %dma_wait3A_132 = arith.constant 0 : i32
      %dma_wait3A_133 = tpu.memref_slice %arg13[%dma_wait3A_132] : memref<10016xf32, #tpu.memory_space<vmem>> -> memref<10000xf32, #tpu.memory_space<vmem>>
      tpu.wait_dma2 semaphore(%run_scoped3A : memref<!tpu.dma_semaphore, #tpu.memory_space<semaphore_mem>>) src(%arg4 : memref<10000xf32, #tpu.memory_space<hbm>>) dst(%dma_wait3A_133 : memref<10000xf32, #tpu.memory_space<vmem>>)
      tpu.yield
    }) : () -> ()
    "tpu.region"() ({
      %run_scoped3A = tpu.sem_alloc : memref<!tpu.dma_semaphore, #tpu.memory_space<semaphore_mem>>
      tpu.enqueue_dma source(%arg5 : memref<16xi32, #tpu.memory_space<hbm>>) target(%arg22 : memref<16xi32, #tpu.memory_space<vmem>>) target_semaphore(%run_scoped3A : memref<!tpu.dma_semaphore, #tpu.memory_space<semaphore_mem>>)
      tpu.wait_dma2 semaphore(%run_scoped3A : memref<!tpu.dma_semaphore, #tpu.memory_space<semaphore_mem>>) src(%arg5 : memref<16xi32, #tpu.memory_space<hbm>>) dst(%arg22 : memref<16xi32, #tpu.memory_space<vmem>>)
      tpu.yield
    }) : () -> ()
    "tpu.region"() ({
      %run_scoped3A = tpu.sem_alloc : memref<!tpu.dma_semaphore, #tpu.memory_space<semaphore_mem>>
      tpu.enqueue_dma source(%arg6 : memref<16xi32, #tpu.memory_space<hbm>>) target(%arg23 : memref<16xi32, #tpu.memory_space<vmem>>) target_semaphore(%run_scoped3A : memref<!tpu.dma_semaphore, #tpu.memory_space<semaphore_mem>>)
      tpu.wait_dma2 semaphore(%run_scoped3A : memref<!tpu.dma_semaphore, #tpu.memory_space<semaphore_mem>>) src(%arg6 : memref<16xi32, #tpu.memory_space<hbm>>) dst(%arg23 : memref<16xi32, #tpu.memory_space<vmem>>)
      tpu.yield
    }) : () -> ()
    "tpu.region"() ({
      %run_scoped3A = tpu.sem_alloc : memref<!tpu.dma_semaphore, #tpu.memory_space<semaphore_mem>>
      tpu.enqueue_dma source(%arg7 : memref<16xi32, #tpu.memory_space<hbm>>) target(%arg24 : memref<16xi32, #tpu.memory_space<vmem>>) target_semaphore(%run_scoped3A : memref<!tpu.dma_semaphore, #tpu.memory_space<semaphore_mem>>)
      tpu.wait_dma2 semaphore(%run_scoped3A : memref<!tpu.dma_semaphore, #tpu.memory_space<semaphore_mem>>) src(%arg7 : memref<16xi32, #tpu.memory_space<hbm>>) dst(%arg24 : memref<16xi32, #tpu.memory_space<vmem>>)
      tpu.yield
    }) : () -> ()
    "tpu.region"() ({
      %run_scoped3A = tpu.sem_alloc : memref<!tpu.dma_semaphore, #tpu.memory_space<semaphore_mem>>
      tpu.enqueue_dma source(%arg8 : memref<16xi32, #tpu.memory_space<hbm>>) target(%arg25 : memref<16xi32, #tpu.memory_space<vmem>>) target_semaphore(%run_scoped3A : memref<!tpu.dma_semaphore, #tpu.memory_space<semaphore_mem>>)
      tpu.wait_dma2 semaphore(%run_scoped3A : memref<!tpu.dma_semaphore, #tpu.memory_space<semaphore_mem>>) src(%arg8 : memref<16xi32, #tpu.memory_space<hbm>>) dst(%arg25 : memref<16xi32, #tpu.memory_space<vmem>>)
      tpu.yield
    }) : () -> ()
    "tpu.region"() ({
      %run_scoped3A = tpu.sem_alloc : memref<!tpu.dma_semaphore, #tpu.memory_space<semaphore_mem>>
      tpu.enqueue_dma source(%arg9 : memref<16xf32, #tpu.memory_space<hbm>>) target(%arg26 : memref<16xf32, #tpu.memory_space<vmem>>) target_semaphore(%run_scoped3A : memref<!tpu.dma_semaphore, #tpu.memory_space<semaphore_mem>>)
      tpu.wait_dma2 semaphore(%run_scoped3A : memref<!tpu.dma_semaphore, #tpu.memory_space<semaphore_mem>>) src(%arg9 : memref<16xf32, #tpu.memory_space<hbm>>) dst(%arg26 : memref<16xf32, #tpu.memory_space<vmem>>)
      tpu.yield
    }) : () -> ()
    %iota3A = tpu.iota {dimensions = array<i32: 0>} : vector<16xi32>
    %broadcast_in_dim3A = arith.constant 0 : i32
    %broadcast_in_dim3A_0 = vector.broadcast %broadcast_in_dim3A : i32 to vector<16xi32>
    %swap3A = arith.constant 0 : index
    %swap3A_1 = tpu.vector_load %arg15[%swap3A] {strides = array<i32>} : memref<272xi32, #tpu.memory_space<vmem>>, vector<16xi32>,
    tpu.vector_store %arg15[%swap3A], %broadcast_in_dim3A_0 {strides = array<i32>} : memref<272xi32, #tpu.memory_space<vmem>>, vector<16xi32>,
    %swap3A_2 = arith.constant 16 : index
    %swap3A_3 = tpu.vector_load %arg15[%swap3A_2] {strides = array<i32>} : memref<272xi32, #tpu.memory_space<vmem>>, vector<16xi32>,
    tpu.vector_store %arg15[%swap3A_2], %broadcast_in_dim3A_0 {strides = array<i32>} : memref<272xi32, #tpu.memory_space<vmem>>, vector<16xi32>,
    %swap3A_4 = arith.constant 32 : index
    %swap3A_5 = tpu.vector_load %arg15[%swap3A_4] {strides = array<i32>} : memref<272xi32, #tpu.memory_space<vmem>>, vector<16xi32>,
    tpu.vector_store %arg15[%swap3A_4], %broadcast_in_dim3A_0 {strides = array<i32>} : memref<272xi32, #tpu.memory_space<vmem>>, vector<16xi32>,
    %swap3A_6 = arith.constant 48 : index
    %swap3A_7 = tpu.vector_load %arg15[%swap3A_6] {strides = array<i32>} : memref<272xi32, #tpu.memory_space<vmem>>, vector<16xi32>,
    tpu.vector_store %arg15[%swap3A_6], %broadcast_in_dim3A_0 {strides = array<i32>} : memref<272xi32, #tpu.memory_space<vmem>>, vector<16xi32>,
    %swap3A_8 = arith.constant 64 : index
    %swap3A_9 = tpu.vector_load %arg15[%swap3A_8] {strides = array<i32>} : memref<272xi32, #tpu.memory_space<vmem>>, vector<16xi32>,
    tpu.vector_store %arg15[%swap3A_8], %broadcast_in_dim3A_0 {strides = array<i32>} : memref<272xi32, #tpu.memory_space<vmem>>, vector<16xi32>,
    %swap3A_10 = arith.constant 80 : index
    %swap3A_11 = tpu.vector_load %arg15[%swap3A_10] {strides = array<i32>} : memref<272xi32, #tpu.memory_space<vmem>>, vector<16xi32>,
    tpu.vector_store %arg15[%swap3A_10], %broadcast_in_dim3A_0 {strides = array<i32>} : memref<272xi32, #tpu.memory_space<vmem>>, vector<16xi32>,
    %swap3A_12 = arith.constant 96 : index
    %swap3A_13 = tpu.vector_load %arg15[%swap3A_12] {strides = array<i32>} : memref<272xi32, #tpu.memory_space<vmem>>, vector<16xi32>,
    tpu.vector_store %arg15[%swap3A_12], %broadcast_in_dim3A_0 {strides = array<i32>} : memref<272xi32, #tpu.memory_space<vmem>>, vector<16xi32>,
    %swap3A_14 = arith.constant 112 : index
    %swap3A_15 = tpu.vector_load %arg15[%swap3A_14] {strides = array<i32>} : memref<272xi32, #tpu.memory_space<vmem>>, vector<16xi32>,
    tpu.vector_store %arg15[%swap3A_14], %broadcast_in_dim3A_0 {strides = array<i32>} : memref<272xi32, #tpu.memory_space<vmem>>, vector<16xi32>,
    %swap3A_16 = arith.constant 128 : index
    %swap3A_17 = tpu.vector_load %arg15[%swap3A_16] {strides = array<i32>} : memref<272xi32, #tpu.memory_space<vmem>>, vector<16xi32>,
    tpu.vector_store %arg15[%swap3A_16], %broadcast_in_dim3A_0 {strides = array<i32>} : memref<272xi32, #tpu.memory_space<vmem>>, vector<16xi32>,
    %swap3A_18 = arith.constant 144 : index
    %swap3A_19 = tpu.vector_load %arg15[%swap3A_18] {strides = array<i32>} : memref<272xi32, #tpu.memory_space<vmem>>, vector<16xi32>,
    tpu.vector_store %arg15[%swap3A_18], %broadcast_in_dim3A_0 {strides = array<i32>} : memref<272xi32, #tpu.memory_space<vmem>>, vector<16xi32>,
    %swap3A_20 = arith.constant 160 : index
    %swap3A_21 = tpu.vector_load %arg15[%swap3A_20] {strides = array<i32>} : memref<272xi32, #tpu.memory_space<vmem>>, vector<16xi32>,
    tpu.vector_store %arg15[%swap3A_20], %broadcast_in_dim3A_0 {strides = array<i32>} : memref<272xi32, #tpu.memory_space<vmem>>, vector<16xi32>,
    %swap3A_22 = arith.constant 176 : index
    %swap3A_23 = tpu.vector_load %arg15[%swap3A_22] {strides = array<i32>} : memref<272xi32, #tpu.memory_space<vmem>>, vector<16xi32>,
    tpu.vector_store %arg15[%swap3A_22], %broadcast_in_dim3A_0 {strides = array<i32>} : memref<272xi32, #tpu.memory_space<vmem>>, vector<16xi32>,
    %swap3A_24 = arith.constant 192 : index
    %swap3A_25 = tpu.vector_load %arg15[%swap3A_24] {strides = array<i32>} : memref<272xi32, #tpu.memory_space<vmem>>, vector<16xi32>,
    tpu.vector_store %arg15[%swap3A_24], %broadcast_in_dim3A_0 {strides = array<i32>} : memref<272xi32, #tpu.memory_space<vmem>>, vector<16xi32>,
    %swap3A_26 = arith.constant 208 : index
    %swap3A_27 = tpu.vector_load %arg15[%swap3A_26] {strides = array<i32>} : memref<272xi32, #tpu.memory_space<vmem>>, vector<16xi32>,
    tpu.vector_store %arg15[%swap3A_26], %broadcast_in_dim3A_0 {strides = array<i32>} : memref<272xi32, #tpu.memory_space<vmem>>, vector<16xi32>,
    %swap3A_28 = arith.constant 224 : index
    %swap3A_29 = tpu.vector_load %arg15[%swap3A_28] {strides = array<i32>} : memref<272xi32, #tpu.memory_space<vmem>>, vector<16xi32>,
    tpu.vector_store %arg15[%swap3A_28], %broadcast_in_dim3A_0 {strides = array<i32>} : memref<272xi32, #tpu.memory_space<vmem>>, vector<16xi32>,
    %swap3A_30 = arith.constant 240 : index
    %swap3A_31 = tpu.vector_load %arg15[%swap3A_30] {strides = array<i32>} : memref<272xi32, #tpu.memory_space<vmem>>, vector<16xi32>,
    tpu.vector_store %arg15[%swap3A_30], %broadcast_in_dim3A_0 {strides = array<i32>} : memref<272xi32, #tpu.memory_space<vmem>>, vector<16xi32>,
    %scan3A = arith.constant 0 : i32
    %scan3A_32 = arith.constant 0 : i32
    %scan3A_33 = arith.constant 256 : i32
    %scan3A_34 = arith.addi %scan3A_32, %scan3A_33 : i32
    %scan3A_35 = arith.constant 1 : i32
    %scan3A_36 = scf.for %scan3A_128 = %scan3A_32 to %scan3A_34 step %scan3A_35 iter_args(%scan3A_129 = %scan3A) -> (i32)  : i32 {
      %mul3A_130 = arith.constant 16 : i32
      %mul3A_131 = arith.muli %scan3A_128, %mul3A_130 : i32
      %swap3A_132 = arith.index_cast %mul3A_131 : i32 to index
      %swap3A_133 = tpu.vector_load %arg16[%swap3A_132] {strides = array<i32>} : memref<4112xi32, #tpu.memory_space<vmem>>, vector<16xi32>,
      tpu.vector_store %arg16[%swap3A_132], %broadcast_in_dim3A_0 {strides = array<i32>} : memref<4112xi32, #tpu.memory_space<vmem>>, vector<16xi32>,
      %scan3A_134 = arith.constant 0 : i32
      scf.yield %scan3A_134 : i32
    }
    %scan3A_37 = arith.constant 256 : i32
    %swap3A_38 = arith.constant 0 : index
    %swap3A_39 = tpu.vector_load %arg21[%swap3A_38] {strides = array<i32>} : memref<256xi32, #tpu.memory_space<vmem>>, vector<16xi32>,
    tpu.vector_store %arg21[%swap3A_38], %broadcast_in_dim3A_0 {strides = array<i32>} : memref<256xi32, #tpu.memory_space<vmem>>, vector<16xi32>,
    %swap3A_40 = arith.constant 16 : index
    %swap3A_41 = tpu.vector_load %arg21[%swap3A_40] {strides = array<i32>} : memref<256xi32, #tpu.memory_space<vmem>>, vector<16xi32>,
    tpu.vector_store %arg21[%swap3A_40], %broadcast_in_dim3A_0 {strides = array<i32>} : memref<256xi32, #tpu.memory_space<vmem>>, vector<16xi32>,
    %swap3A_42 = arith.constant 32 : index
    %swap3A_43 = tpu.vector_load %arg21[%swap3A_42] {strides = array<i32>} : memref<256xi32, #tpu.memory_space<vmem>>, vector<16xi32>,
    tpu.vector_store %arg21[%swap3A_42], %broadcast_in_dim3A_0 {strides = array<i32>} : memref<256xi32, #tpu.memory_space<vmem>>, vector<16xi32>,
    %swap3A_44 = arith.constant 48 : index
    %swap3A_45 = tpu.vector_load %arg21[%swap3A_44] {strides = array<i32>} : memref<256xi32, #tpu.memory_space<vmem>>, vector<16xi32>,
    tpu.vector_store %arg21[%swap3A_44], %broadcast_in_dim3A_0 {strides = array<i32>} : memref<256xi32, #tpu.memory_space<vmem>>, vector<16xi32>,
    %swap3A_46 = arith.constant 64 : index
    %swap3A_47 = tpu.vector_load %arg21[%swap3A_46] {strides = array<i32>} : memref<256xi32, #tpu.memory_space<vmem>>, vector<16xi32>,
    tpu.vector_store %arg21[%swap3A_46], %broadcast_in_dim3A_0 {strides = array<i32>} : memref<256xi32, #tpu.memory_space<vmem>>, vector<16xi32>,
    %swap3A_48 = arith.constant 80 : index
    %swap3A_49 = tpu.vector_load %arg21[%swap3A_48] {strides = array<i32>} : memref<256xi32, #tpu.memory_space<vmem>>, vector<16xi32>,
    tpu.vector_store %arg21[%swap3A_48], %broadcast_in_dim3A_0 {strides = array<i32>} : memref<256xi32, #tpu.memory_space<vmem>>, vector<16xi32>,
    %swap3A_50 = arith.constant 96 : index
    %swap3A_51 = tpu.vector_load %arg21[%swap3A_50] {strides = array<i32>} : memref<256xi32, #tpu.memory_space<vmem>>, vector<16xi32>,
    tpu.vector_store %arg21[%swap3A_50], %broadcast_in_dim3A_0 {strides = array<i32>} : memref<256xi32, #tpu.memory_space<vmem>>, vector<16xi32>,
    %swap3A_52 = arith.constant 112 : index
    %swap3A_53 = tpu.vector_load %arg21[%swap3A_52] {strides = array<i32>} : memref<256xi32, #tpu.memory_space<vmem>>, vector<16xi32>,
    tpu.vector_store %arg21[%swap3A_52], %broadcast_in_dim3A_0 {strides = array<i32>} : memref<256xi32, #tpu.memory_space<vmem>>, vector<16xi32>,
    %swap3A_54 = arith.constant 128 : index
    %swap3A_55 = tpu.vector_load %arg21[%swap3A_54] {strides = array<i32>} : memref<256xi32, #tpu.memory_space<vmem>>, vector<16xi32>,
    tpu.vector_store %arg21[%swap3A_54], %broadcast_in_dim3A_0 {strides = array<i32>} : memref<256xi32, #tpu.memory_space<vmem>>, vector<16xi32>,
    %swap3A_56 = arith.constant 144 : index
    %swap3A_57 = tpu.vector_load %arg21[%swap3A_56] {strides = array<i32>} : memref<256xi32, #tpu.memory_space<vmem>>, vector<16xi32>,
    tpu.vector_store %arg21[%swap3A_56], %broadcast_in_dim3A_0 {strides = array<i32>} : memref<256xi32, #tpu.memory_space<vmem>>, vector<16xi32>,
    %swap3A_58 = arith.constant 160 : index
    %swap3A_59 = tpu.vector_load %arg21[%swap3A_58] {strides = array<i32>} : memref<256xi32, #tpu.memory_space<vmem>>, vector<16xi32>,
    tpu.vector_store %arg21[%swap3A_58], %broadcast_in_dim3A_0 {strides = array<i32>} : memref<256xi32, #tpu.memory_space<vmem>>, vector<16xi32>,
    %swap3A_60 = arith.constant 176 : index
    %swap3A_61 = tpu.vector_load %arg21[%swap3A_60] {strides = array<i32>} : memref<256xi32, #tpu.memory_space<vmem>>, vector<16xi32>,
    tpu.vector_store %arg21[%swap3A_60], %broadcast_in_dim3A_0 {strides = array<i32>} : memref<256xi32, #tpu.memory_space<vmem>>, vector<16xi32>,
    %swap3A_62 = arith.constant 192 : index
    %swap3A_63 = tpu.vector_load %arg21[%swap3A_62] {strides = array<i32>} : memref<256xi32, #tpu.memory_space<vmem>>, vector<16xi32>,
    tpu.vector_store %arg21[%swap3A_62], %broadcast_in_dim3A_0 {strides = array<i32>} : memref<256xi32, #tpu.memory_space<vmem>>, vector<16xi32>,
    %swap3A_64 = arith.constant 208 : index
    %swap3A_65 = tpu.vector_load %arg21[%swap3A_64] {strides = array<i32>} : memref<256xi32, #tpu.memory_space<vmem>>, vector<16xi32>,
    tpu.vector_store %arg21[%swap3A_64], %broadcast_in_dim3A_0 {strides = array<i32>} : memref<256xi32, #tpu.memory_space<vmem>>, vector<16xi32>,
    %swap3A_66 = arith.constant 224 : index
    %swap3A_67 = tpu.vector_load %arg21[%swap3A_66] {strides = array<i32>} : memref<256xi32, #tpu.memory_space<vmem>>, vector<16xi32>,
    tpu.vector_store %arg21[%swap3A_66], %broadcast_in_dim3A_0 {strides = array<i32>} : memref<256xi32, #tpu.memory_space<vmem>>, vector<16xi32>,
    %swap3A_68 = arith.constant 240 : index
    %swap3A_69 = tpu.vector_load %arg21[%swap3A_68] {strides = array<i32>} : memref<256xi32, #tpu.memory_space<vmem>>, vector<16xi32>,
    tpu.vector_store %arg21[%swap3A_68], %broadcast_in_dim3A_0 {strides = array<i32>} : memref<256xi32, #tpu.memory_space<vmem>>, vector<16xi32>,
    %mul3A = arith.constant 256 : i32
    %mul3A_70 = arith.muli %arg1, %mul3A : i32
    %scan3A_71 = arith.constant 0 : i32
    %scan3A_72 = arith.constant 0 : i32
    %scan3A_73 = arith.constant 625 : i32
    %scan3A_74 = arith.addi %scan3A_72, %scan3A_73 : i32
    %scan3A_75 = arith.constant 1 : i32
    %scan3A_76 = scf.for %scan3A_128 = %scan3A_72 to %scan3A_74 step %scan3A_75 iter_args(%scan3A_129 = %scan3A_71) -> (i32)  : i32 {
      %mul3A_130 = arith.constant 16 : i32
      %mul3A_131 = arith.muli %scan3A_128, %mul3A_130 : i32
      %get3A_132 = arith.index_cast %mul3A_131 : i32 to index
      %get3A_133 = tpu.vector_load %arg11[%get3A_132] {strides = array<i32>} : memref<10016xf32, #tpu.memory_space<vmem>>, vector<16xf32>,
      %get3A_134 = arith.index_cast %mul3A_131 : i32 to index
      %get3A_135 = tpu.vector_load %arg12[%get3A_134] {strides = array<i32>} : memref<10016xf32, #tpu.memory_space<vmem>>, vector<16xf32>,
      %get3A_136 = arith.index_cast %mul3A_131 : i32 to index
      %get3A_137 = tpu.vector_load %arg13[%get3A_136] {strides = array<i32>} : memref<10016xf32, #tpu.memory_space<vmem>>, vector<16xf32>,
      %mul3A_138 = arith.constant 1.600000e+01 : f32
      %mul3A_139 = vector.broadcast %mul3A_138 : f32 to vector<16xf32>
      %mul3A_140 = arith.mulf %get3A_133, %mul3A_139 : vector<16xf32>
      %convert_element_type3A_141 = arith.fptosi %mul3A_140 : vector<16xf32> to vector<16xi32>
      %mul3A_142 = arith.constant 1.600000e+01 : f32
      %mul3A_143 = vector.broadcast %mul3A_142 : f32 to vector<16xf32>
      %mul3A_144 = arith.mulf %get3A_135, %mul3A_143 : vector<16xf32>
      %convert_element_type3A_145 = arith.fptosi %mul3A_144 : vector<16xf32> to vector<16xi32>
      %mul3A_146 = arith.constant 1.600000e+01 : f32
      %mul3A_147 = vector.broadcast %mul3A_146 : f32 to vector<16xf32>
      %mul3A_148 = arith.mulf %get3A_137, %mul3A_147 : vector<16xf32>
      %convert_element_type3A_149 = arith.fptosi %mul3A_148 : vector<16xf32> to vector<16xi32>
      %mul3A_150 = arith.constant 16 : i32
      %mul3A_151 = vector.broadcast %mul3A_150 : i32 to vector<16xi32>
      %mul3A_152 = arith.muli %convert_element_type3A_149, %mul3A_151 : vector<16xi32>
      %add3A_153 = arith.addi %mul3A_152, %convert_element_type3A_145 : vector<16xi32>
      %mul3A_154 = arith.constant 16 : i32
      %mul3A_155 = vector.broadcast %mul3A_154 : i32 to vector<16xi32>
      %mul3A_156 = arith.muli %add3A_153, %mul3A_155 : vector<16xi32>
      %add3A_157 = arith.addi %mul3A_156, %convert_element_type3A_141 : vector<16xi32>
      %mul3A_158 = arith.mulf %get3A_133, %get3A_133 : vector<16xf32>
      %mul3A_159 = arith.mulf %get3A_135, %get3A_135 : vector<16xf32>
      %add3A_160 = arith.addf %mul3A_158, %mul3A_159 : vector<16xf32>
      %mul3A_161 = arith.mulf %get3A_137, %get3A_137 : vector<16xf32>
      %add3A_162 = arith.addf %add3A_160, %mul3A_161 : vector<16xf32>
      %swap3A_163 = arith.index_cast %mul3A_131 : i32 to index
      %swap3A_164 = tpu.vector_load %arg14[%swap3A_163] {strides = array<i32>} : memref<10016xf32, #tpu.memory_space<vmem>>, vector<16xf32>,
      tpu.vector_store %arg14[%swap3A_163], %add3A_162 {strides = array<i32>} : memref<10016xf32, #tpu.memory_space<vmem>>, vector<16xf32>,
      %ge3A = vector.broadcast %mul3A_70 : i32 to vector<16xi32>
      %ge3A_165 = arith.cmpi sge, %add3A_157, %ge3A : vector<16xi32>
      %add3A_166 = arith.constant 256 : i32
      %add3A_167 = arith.addi %mul3A_70, %add3A_166 : i32
      %lt3A_168 = vector.broadcast %add3A_167 : i32 to vector<16xi32>
      %lt3A_169 = arith.cmpi slt, %add3A_157, %lt3A_168 : vector<16xi32>
      %and3A = arith.andi %ge3A_165, %lt3A_169 : vector<16xi1>
      %jit3A = arith.constant 1 : i32
      %jit3A_170 = arith.constant 0 : i32
      %broadcast_in_dim3A_171 = vector.broadcast %jit3A : i32 to vector<16xi32>
      %broadcast_in_dim3A_172 = vector.broadcast %jit3A_170 : i32 to vector<16xi32>
      %select_n3A = arith.select %and3A, %broadcast_in_dim3A_171, %broadcast_in_dim3A_172 : vector<16xi1>, vector<16xi32>
      %add3A_173 = arith.constant -1 : i32
      %add3A_174 = vector.broadcast %add3A_173 : i32 to vector<16xi32>
      %add3A_175 = arith.addi %iota3A, %add3A_174 : vector<16xi32>
      %and3A_176 = arith.constant 15 : i32
      %and3A_177 = vector.broadcast %and3A_176 : i32 to vector<16xi32>
      %and3A_178 = arith.andi %add3A_175, %and3A_177 : vector<16xi32>
      %lt3A_179 = arith.constant 0 : i32
      %lt3A_180 = vector.broadcast %lt3A_179 : i32 to vector<16xi32>
      %lt3A_181 = arith.cmpi slt, %and3A_178, %lt3A_180 : vector<16xi32>
      %add3A_182 = arith.constant 16 : i32
      %add3A_183 = vector.broadcast %add3A_182 : i32 to vector<16xi32>
      %add3A_184 = arith.addi %and3A_178, %add3A_183 : vector<16xi32>
      %select_n3A_185 = arith.select %lt3A_181, %add3A_184, %and3A_178 : vector<16xi1>, vector<16xi32>
      %reshape3A = vector.shape_cast %select_n3A_185 : vector<16xi32> to vector<16x1xi32>
      %gather3A = vector.shape_cast %reshape3A : vector<16x1xi32> to vector<16xi32>
      %gather3A_186 = tpu.dynamic_gather %select_n3A[%gather3A] in [0] : vector<16xi32>, vector<16xi32> -> vector<16xi32>
      %ge3A_187 = arith.constant 1 : i32
      %ge3A_188 = vector.broadcast %ge3A_187 : i32 to vector<16xi32>
      %ge3A_189 = arith.cmpi sge, %iota3A, %ge3A_188 : vector<16xi32>
      %jit3A_190 = arith.constant 0 : i32
      %broadcast_in_dim3A_191 = vector.broadcast %jit3A_190 : i32 to vector<16xi32>
      %select_n3A_192 = arith.select %ge3A_189, %gather3A_186, %broadcast_in_dim3A_191 : vector<16xi1>, vector<16xi32>
      %add3A_193 = arith.addi %select_n3A, %select_n3A_192 : vector<16xi32>
      %add3A_194 = arith.constant -2 : i32
      %add3A_195 = vector.broadcast %add3A_194 : i32 to vector<16xi32>
      %add3A_196 = arith.addi %iota3A, %add3A_195 : vector<16xi32>
      %and3A_197 = arith.constant 15 : i32
      %and3A_198 = vector.broadcast %and3A_197 : i32 to vector<16xi32>
      %and3A_199 = arith.andi %add3A_196, %and3A_198 : vector<16xi32>
      %lt3A_200 = arith.constant 0 : i32
      %lt3A_201 = vector.broadcast %lt3A_200 : i32 to vector<16xi32>
      %lt3A_202 = arith.cmpi slt, %and3A_199, %lt3A_201 : vector<16xi32>
      %add3A_203 = arith.constant 16 : i32
      %add3A_204 = vector.broadcast %add3A_203 : i32 to vector<16xi32>
      %add3A_205 = arith.addi %and3A_199, %add3A_204 : vector<16xi32>
      %select_n3A_206 = arith.select %lt3A_202, %add3A_205, %and3A_199 : vector<16xi1>, vector<16xi32>
      %reshape3A_207 = vector.shape_cast %select_n3A_206 : vector<16xi32> to vector<16x1xi32>
      %gather3A_208 = vector.shape_cast %reshape3A_207 : vector<16x1xi32> to vector<16xi32>
      %gather3A_209 = tpu.dynamic_gather %add3A_193[%gather3A_208] in [0] : vector<16xi32>, vector<16xi32> -> vector<16xi32>
      %ge3A_210 = arith.constant 2 : i32
      %ge3A_211 = vector.broadcast %ge3A_210 : i32 to vector<16xi32>
      %ge3A_212 = arith.cmpi sge, %iota3A, %ge3A_211 : vector<16xi32>
      %jit3A_213 = arith.constant 0 : i32
      %broadcast_in_dim3A_214 = vector.broadcast %jit3A_213 : i32 to vector<16xi32>
      %select_n3A_215 = arith.select %ge3A_212, %gather3A_209, %broadcast_in_dim3A_214 : vector<16xi1>, vector<16xi32>
      %add3A_216 = arith.addi %add3A_193, %select_n3A_215 : vector<16xi32>
      %add3A_217 = arith.constant -4 : i32
      %add3A_218 = vector.broadcast %add3A_217 : i32 to vector<16xi32>
      %add3A_219 = arith.addi %iota3A, %add3A_218 : vector<16xi32>
      %and3A_220 = arith.constant 15 : i32
      %and3A_221 = vector.broadcast %and3A_220 : i32 to vector<16xi32>
      %and3A_222 = arith.andi %add3A_219, %and3A_221 : vector<16xi32>
      %lt3A_223 = arith.constant 0 : i32
      %lt3A_224 = vector.broadcast %lt3A_223 : i32 to vector<16xi32>
      %lt3A_225 = arith.cmpi slt, %and3A_222, %lt3A_224 : vector<16xi32>
      %add3A_226 = arith.constant 16 : i32
      %add3A_227 = vector.broadcast %add3A_226 : i32 to vector<16xi32>
      %add3A_228 = arith.addi %and3A_222, %add3A_227 : vector<16xi32>
      %select_n3A_229 = arith.select %lt3A_225, %add3A_228, %and3A_222 : vector<16xi1>, vector<16xi32>
      %reshape3A_230 = vector.shape_cast %select_n3A_229 : vector<16xi32> to vector<16x1xi32>
      %gather3A_231 = vector.shape_cast %reshape3A_230 : vector<16x1xi32> to vector<16xi32>
      %gather3A_232 = tpu.dynamic_gather %add3A_216[%gather3A_231] in [0] : vector<16xi32>, vector<16xi32> -> vector<16xi32>
      %ge3A_233 = arith.constant 4 : i32
      %ge3A_234 = vector.broadcast %ge3A_233 : i32 to vector<16xi32>
      %ge3A_235 = arith.cmpi sge, %iota3A, %ge3A_234 : vector<16xi32>
      %jit3A_236 = arith.constant 0 : i32
      %broadcast_in_dim3A_237 = vector.broadcast %jit3A_236 : i32 to vector<16xi32>
      %select_n3A_238 = arith.select %ge3A_235, %gather3A_232, %broadcast_in_dim3A_237 : vector<16xi1>, vector<16xi32>
      %add3A_239 = arith.addi %add3A_216, %select_n3A_238 : vector<16xi32>
      %add3A_240 = arith.constant -8 : i32
      %add3A_241 = vector.broadcast %add3A_240 : i32 to vector<16xi32>
      %add3A_242 = arith.addi %iota3A, %add3A_241 : vector<16xi32>
      %and3A_243 = arith.constant 15 : i32
      %and3A_244 = vector.broadcast %and3A_243 : i32 to vector<16xi32>
      %and3A_245 = arith.andi %add3A_242, %and3A_244 : vector<16xi32>
      %lt3A_246 = arith.constant 0 : i32
      %lt3A_247 = vector.broadcast %lt3A_246 : i32 to vector<16xi32>
      %lt3A_248 = arith.cmpi slt, %and3A_245, %lt3A_247 : vector<16xi32>
      %add3A_249 = arith.constant 16 : i32
      %add3A_250 = vector.broadcast %add3A_249 : i32 to vector<16xi32>
      %add3A_251 = arith.addi %and3A_245, %add3A_250 : vector<16xi32>
      %select_n3A_252 = arith.select %lt3A_248, %add3A_251, %and3A_245 : vector<16xi1>, vector<16xi32>
      %reshape3A_253 = vector.shape_cast %select_n3A_252 : vector<16xi32> to vector<16x1xi32>
      %gather3A_254 = vector.shape_cast %reshape3A_253 : vector<16x1xi32> to vector<16xi32>
      %gather3A_255 = tpu.dynamic_gather %add3A_239[%gather3A_254] in [0] : vector<16xi32>, vector<16xi32> -> vector<16xi32>
      %ge3A_256 = arith.constant 8 : i32
      %ge3A_257 = vector.broadcast %ge3A_256 : i32 to vector<16xi32>
      %ge3A_258 = arith.cmpi sge, %iota3A, %ge3A_257 : vector<16xi32>
      %jit3A_259 = arith.constant 0 : i32
      %broadcast_in_dim3A_260 = vector.broadcast %jit3A_259 : i32 to vector<16xi32>
      %select_n3A_261 = arith.select %ge3A_258, %gather3A_255, %broadcast_in_dim3A_260 : vector<16xi1>, vector<16xi32>
      %add3A_262 = arith.addi %add3A_239, %select_n3A_261 : vector<16xi32>
      %sub3A = arith.subi %add3A_262, %select_n3A : vector<16xi32>
      %slice3A_263 = vector.extract_strided_slice %add3A_262 {offsets = [15], sizes = [1], strides = [1]} : vector<16xi32> to vector<1xi32>
      %squeeze3A_264 = vector.extract %slice3A_263[0] : i32 from vector<1xi32>
      %le3A = arith.constant 816 : i32
      %le3A_265 = arith.cmpi sle, %scan3A_129, %le3A : i32
      %and3A_266 = vector.broadcast %le3A_265 : i1 to vector<16xi1>
      %and3A_267 = arith.andi %and3A, %and3A_266 : vector<16xi1>
      %add3A_268 = vector.broadcast %scan3A_129 : i32 to vector<16xi32>
      %add3A_269 = arith.addi %add3A_268, %sub3A : vector<16xi32>
      %jit3A_270 = arith.constant 832 : i32
      %broadcast_in_dim3A_271 = vector.broadcast %jit3A_270 : i32 to vector<16xi32>
      %select_n3A_272 = arith.select %and3A_267, %add3A_269, %broadcast_in_dim3A_271 : vector<16xi1>, vector<16xi32>
      %add3A_273 = vector.broadcast %mul3A_131 : i32 to vector<16xi32>
      %add3A_274 = arith.addi %iota3A, %add3A_273 : vector<16xi32>
      tpu.vector_store_idx %arg17[%select_n3A_272], %add3A_274 : memref<848xi32, #tpu.memory_space<vmem>>[vector<16xi32>], vector<16xi32>,
      tpu.vector_store_idx %arg18[%select_n3A_272], %add3A_157 : memref<848xi32, #tpu.memory_space<vmem>>[vector<16xi32>], vector<16xi32>,
      %add3A_275 = arith.addi %scan3A_129, %squeeze3A_264 : i32
      scf.yield %add3A_275 : i32
    }
    %scan3A_77 = arith.constant 625 : i32
    %eq3A = arith.constant 0 : i32
    %eq3A_78 = vector.broadcast %eq3A : i32 to vector<16xi32>
    %eq3A_79 = arith.cmpi eq, %iota3A, %eq3A_78 : vector<16xi32>
    %while3A = arith.constant 0 : i32
    %while3A_80 = arith.constant 0 : i32
    %while3A_81 = arith.subi %scan3A_76, %while3A : i32
    %while3A_82 = arith.addi %while3A, %while3A_81 : i32
    %while3A_83 = arith.constant 1 : i32
    %while3A_84 = arith.divsi %while3A_81, %while3A_83 : i32
    %while3A_85 = arith.muli %while3A_84, %while3A_83 : i32
    %while3A_86 = arith.addi %while3A, %while3A_85 : i32
    %while3A_87 = arith.constant 1 : i32
    %while3A_88 = scf.for %while3A_128 = %while3A to %while3A_86 step %while3A_87 iter_args(%while3A_129 = %while3A_80) -> (i32)  : i32 {
      %jit3A = arith.constant 16 : i32
      %div3A = arith.divsi %while3A_128, %jit3A : i32
      %sign3A = arith.constant 0 : i32
      %sign3A_130 = arith.cmpi sgt, %while3A_128, %sign3A : i32
      %sign3A_131 = arith.extui %sign3A_130 : i1 to i32
      %sign3A_132 = arith.constant 0 : i32
      %sign3A_133 = arith.cmpi slt, %while3A_128, %sign3A_132 : i32
      %sign3A_134 = arith.extui %sign3A_133 : i1 to i32
      %sign3A_135 = arith.subi %sign3A_131, %sign3A_134 : i32
      %sign3A_136 = arith.constant 0 : i32
      %sign3A_137 = arith.cmpi sgt, %jit3A, %sign3A_136 : i32
      %sign3A_138 = arith.extui %sign3A_137 : i1 to i32
      %sign3A_139 = arith.constant 0 : i32
      %sign3A_140 = arith.cmpi slt, %jit3A, %sign3A_139 : i32
      %sign3A_141 = arith.extui %sign3A_140 : i1 to i32
      %sign3A_142 = arith.subi %sign3A_138, %sign3A_141 : i32
      %ne3A = arith.cmpi ne, %sign3A_135, %sign3A_142 : i32
      %rem3A = arith.remsi %while3A_128, %jit3A : i32
      %ne3A_143 = arith.constant 0 : i32
      %ne3A_144 = arith.cmpi ne, %rem3A, %ne3A_143 : i32
      %and3A = arith.andi %ne3A, %ne3A_144 : i1
      %sub3A = arith.constant 1 : i32
      %sub3A_145 = arith.subi %div3A, %sub3A : i32
      %select_n3A = arith.select %and3A, %sub3A_145, %div3A : i32
      %mul3A_146 = arith.constant 16 : i32
      %mul3A_147 = arith.muli %select_n3A, %mul3A_146 : i32
      %get3A_148 = arith.index_cast %mul3A_147 : i32 to index
      %get3A_149 = tpu.vector_load %arg18[%get3A_148] {strides = array<i32>} : memref<848xi32, #tpu.memory_space<vmem>>, vector<16xi32>,
      %sub3A_150 = arith.subi %while3A_128, %mul3A_147 : i32
      %broadcast_in_dim3A_151 = vector.broadcast %sub3A_150 : i32 to vector<16xi32>
      %lt3A_152 = arith.constant 0 : i32
      %lt3A_153 = vector.broadcast %lt3A_152 : i32 to vector<16xi32>
      %lt3A_154 = arith.cmpi slt, %broadcast_in_dim3A_151, %lt3A_153 : vector<16xi32>
      %add3A_155 = arith.constant 16 : i32
      %add3A_156 = vector.broadcast %add3A_155 : i32 to vector<16xi32>
      %add3A_157 = arith.addi %broadcast_in_dim3A_151, %add3A_156 : vector<16xi32>
      %select_n3A_158 = arith.select %lt3A_154, %add3A_157, %broadcast_in_dim3A_151 : vector<16xi1>, vector<16xi32>
      %reshape3A = vector.shape_cast %select_n3A_158 : vector<16xi32> to vector<16x1xi32>
      %gather3A = vector.shape_cast %reshape3A : vector<16x1xi32> to vector<16xi32>
      %gather3A_159 = tpu.dynamic_gather %get3A_149[%gather3A] in [0] : vector<16xi32>, vector<16xi32> -> vector<16xi32>
      %slice3A_160 = vector.extract_strided_slice %gather3A_159 {offsets = [0], sizes = [1], strides = [1]} : vector<16xi32> to vector<1xi32>
      %squeeze3A_161 = vector.extract %slice3A_160[0] : i32 from vector<1xi32>
      %jit3A_162 = arith.constant 16 : i32
      %div3A_163 = arith.divsi %while3A_128, %jit3A_162 : i32
      %sign3A_164 = arith.constant 0 : i32
      %sign3A_165 = arith.cmpi sgt, %while3A_128, %sign3A_164 : i32
      %sign3A_166 = arith.extui %sign3A_165 : i1 to i32
      %sign3A_167 = arith.constant 0 : i32
      %sign3A_168 = arith.cmpi slt, %while3A_128, %sign3A_167 : i32
      %sign3A_169 = arith.extui %sign3A_168 : i1 to i32
      %sign3A_170 = arith.subi %sign3A_166, %sign3A_169 : i32
      %sign3A_171 = arith.constant 0 : i32
      %sign3A_172 = arith.cmpi sgt, %jit3A_162, %sign3A_171 : i32
      %sign3A_173 = arith.extui %sign3A_172 : i1 to i32
      %sign3A_174 = arith.constant 0 : i32
      %sign3A_175 = arith.cmpi slt, %jit3A_162, %sign3A_174 : i32
      %sign3A_176 = arith.extui %sign3A_175 : i1 to i32
      %sign3A_177 = arith.subi %sign3A_173, %sign3A_176 : i32
      %ne3A_178 = arith.cmpi ne, %sign3A_170, %sign3A_177 : i32
      %rem3A_179 = arith.remsi %while3A_128, %jit3A_162 : i32
      %ne3A_180 = arith.constant 0 : i32
      %ne3A_181 = arith.cmpi ne, %rem3A_179, %ne3A_180 : i32
      %and3A_182 = arith.andi %ne3A_178, %ne3A_181 : i1
      %sub3A_183 = arith.constant 1 : i32
      %sub3A_184 = arith.subi %div3A_163, %sub3A_183 : i32
      %select_n3A_185 = arith.select %and3A_182, %sub3A_184, %div3A_163 : i32
      %mul3A_186 = arith.constant 16 : i32
      %mul3A_187 = arith.muli %select_n3A_185, %mul3A_186 : i32
      %get3A_188 = arith.index_cast %mul3A_187 : i32 to index
      %get3A_189 = tpu.vector_load %arg17[%get3A_188] {strides = array<i32>} : memref<848xi32, #tpu.memory_space<vmem>>, vector<16xi32>,
      %sub3A_190 = arith.subi %while3A_128, %mul3A_187 : i32
      %broadcast_in_dim3A_191 = vector.broadcast %sub3A_190 : i32 to vector<16xi32>
      %lt3A_192 = arith.constant 0 : i32
      %lt3A_193 = vector.broadcast %lt3A_192 : i32 to vector<16xi32>
      %lt3A_194 = arith.cmpi slt, %broadcast_in_dim3A_191, %lt3A_193 : vector<16xi32>
      %add3A_195 = arith.constant 16 : i32
      %add3A_196 = vector.broadcast %add3A_195 : i32 to vector<16xi32>
      %add3A_197 = arith.addi %broadcast_in_dim3A_191, %add3A_196 : vector<16xi32>
      %select_n3A_198 = arith.select %lt3A_194, %add3A_197, %broadcast_in_dim3A_191 : vector<16xi1>, vector<16xi32>
      %reshape3A_199 = vector.shape_cast %select_n3A_198 : vector<16xi32> to vector<16x1xi32>
      %gather3A_200 = vector.shape_cast %reshape3A_199 : vector<16x1xi32> to vector<16xi32>
      %gather3A_201 = tpu.dynamic_gather %get3A_189[%gather3A_200] in [0] : vector<16xi32>, vector<16xi32> -> vector<16xi32>
      %slice3A_202 = vector.extract_strided_slice %gather3A_201 {offsets = [0], sizes = [1], strides = [1]} : vector<16xi32> to vector<1xi32>
      %squeeze3A_203 = vector.extract %slice3A_202[0] : i32 from vector<1xi32>
      %sub3A_204 = arith.subi %squeeze3A_161, %mul3A_70 : i32
      %jit3A_205 = arith.constant 16 : i32
      %div3A_206 = arith.divsi %sub3A_204, %jit3A_205 : i32
      %sign3A_207 = arith.constant 0 : i32
      %sign3A_208 = arith.cmpi sgt, %sub3A_204, %sign3A_207 : i32
      %sign3A_209 = arith.extui %sign3A_208 : i1 to i32
      %sign3A_210 = arith.constant 0 : i32
      %sign3A_211 = arith.cmpi slt, %sub3A_204, %sign3A_210 : i32
      %sign3A_212 = arith.extui %sign3A_211 : i1 to i32
      %sign3A_213 = arith.subi %sign3A_209, %sign3A_212 : i32
      %sign3A_214 = arith.constant 0 : i32
      %sign3A_215 = arith.cmpi sgt, %jit3A_205, %sign3A_214 : i32
      %sign3A_216 = arith.extui %sign3A_215 : i1 to i32
      %sign3A_217 = arith.constant 0 : i32
      %sign3A_218 = arith.cmpi slt, %jit3A_205, %sign3A_217 : i32
      %sign3A_219 = arith.extui %sign3A_218 : i1 to i32
      %sign3A_220 = arith.subi %sign3A_216, %sign3A_219 : i32
      %ne3A_221 = arith.cmpi ne, %sign3A_213, %sign3A_220 : i32
      %rem3A_222 = arith.remsi %sub3A_204, %jit3A_205 : i32
      %ne3A_223 = arith.constant 0 : i32
      %ne3A_224 = arith.cmpi ne, %rem3A_222, %ne3A_223 : i32
      %and3A_225 = arith.andi %ne3A_221, %ne3A_224 : i1
      %sub3A_226 = arith.constant 1 : i32
      %sub3A_227 = arith.subi %div3A_206, %sub3A_226 : i32
      %select_n3A_228 = arith.select %and3A_225, %sub3A_227, %div3A_206 : i32
      %mul3A_229 = arith.constant 16 : i32
      %mul3A_230 = arith.muli %select_n3A_228, %mul3A_229 : i32
      %get3A_231 = arith.index_cast %mul3A_230 : i32 to index
      %get3A_232 = tpu.vector_load %arg15[%get3A_231] {strides = array<i32>} : memref<272xi32, #tpu.memory_space<vmem>>, vector<16xi32>,
      %sub3A_233 = arith.subi %sub3A_204, %mul3A_230 : i32
      %broadcast_in_dim3A_234 = vector.broadcast %sub3A_233 : i32 to vector<16xi32>
      %lt3A_235 = arith.constant 0 : i32
      %lt3A_236 = vector.broadcast %lt3A_235 : i32 to vector<16xi32>
      %lt3A_237 = arith.cmpi slt, %broadcast_in_dim3A_234, %lt3A_236 : vector<16xi32>
      %add3A_238 = arith.constant 16 : i32
      %add3A_239 = vector.broadcast %add3A_238 : i32 to vector<16xi32>
      %add3A_240 = arith.addi %broadcast_in_dim3A_234, %add3A_239 : vector<16xi32>
      %select_n3A_241 = arith.select %lt3A_237, %add3A_240, %broadcast_in_dim3A_234 : vector<16xi1>, vector<16xi32>
      %reshape3A_242 = vector.shape_cast %select_n3A_241 : vector<16xi32> to vector<16x1xi32>
      %gather3A_243 = vector.shape_cast %reshape3A_242 : vector<16x1xi32> to vector<16xi32>
      %gather3A_244 = tpu.dynamic_gather %get3A_232[%gather3A_243] in [0] : vector<16xi32>, vector<16xi32> -> vector<16xi32>
      %slice3A_245 = vector.extract_strided_slice %gather3A_244 {offsets = [0], sizes = [1], strides = [1]} : vector<16xi32> to vector<1xi32>
      %squeeze3A_246 = vector.extract %slice3A_245[0] : i32 from vector<1xi32>
      %lt3A_247 = arith.constant 16 : i32
      %lt3A_248 = arith.cmpi slt, %squeeze3A_246, %lt3A_247 : i32
      %convert_element_type3A_249 = arith.extui %lt3A_248 : i1 to i32
      %cond3A_250 = arith.constant 0 : i32
      %cond3A_251 = arith.constant 0 : i32
      %cond3A_252 = arith.cmpi ne, %convert_element_type3A_249, %cond3A_251 : i32
      %cond3A_253 = scf.if %cond3A_252 -> (i32) {
        %mul3A_254 = arith.constant 16 : i32
        %mul3A_255 = arith.muli %sub3A_204, %mul3A_254 : i32
        %add3A_256 = arith.addi %mul3A_255, %squeeze3A_246 : i32
        %jit3A_257 = arith.constant 4096 : i32
        %broadcast_in_dim3A_258 = vector.broadcast %add3A_256 : i32 to vector<16xi32>
        %broadcast_in_dim3A_259 = vector.broadcast %jit3A_257 : i32 to vector<16xi32>
        %select_n3A_260 = arith.select %eq3A_79, %broadcast_in_dim3A_258, %broadcast_in_dim3A_259 : vector<16xi1>, vector<16xi32>
        %broadcast_in_dim3A_261 = vector.broadcast %squeeze3A_203 : i32 to vector<16xi32>
        tpu.vector_store_idx %arg16[%select_n3A_260], %broadcast_in_dim3A_261 : memref<4112xi32, #tpu.memory_space<vmem>>[vector<16xi32>], vector<16xi32>,
        %jit3A_262 = arith.constant 256 : i32
        %broadcast_in_dim3A_263 = vector.broadcast %sub3A_204 : i32 to vector<16xi32>
        %broadcast_in_dim3A_264 = vector.broadcast %jit3A_262 : i32 to vector<16xi32>
        %select_n3A_265 = arith.select %eq3A_79, %broadcast_in_dim3A_263, %broadcast_in_dim3A_264 : vector<16xi1>, vector<16xi32>
        %add3A_266 = arith.constant 1 : i32
        %add3A_267 = arith.addi %squeeze3A_246, %add3A_266 : i32
        %broadcast_in_dim3A_268 = vector.broadcast %add3A_267 : i32 to vector<16xi32>
        tpu.vector_store_idx %arg15[%select_n3A_265], %broadcast_in_dim3A_268 : memref<272xi32, #tpu.memory_space<vmem>>[vector<16xi32>], vector<16xi32>,
        %cond3A_269 = arith.constant 0 : i32
        scf.yield %cond3A_269 : i32
      } else {
        %cond3A_254 = arith.constant 0 : i32
        scf.yield %cond3A_254 : i32
      }
      scf.yield %cond3A_253 : i32
    }
    %while3A_89 = arith.constant 1 : i32
    %while3A_90 = scf.for %while3A_128 = %while3A_86 to %while3A_82 step %while3A_89 iter_args(%while3A_129 = %while3A_88) -> (i32)  : i32 {
      %jit3A = arith.constant 16 : i32
      %div3A = arith.divsi %while3A_128, %jit3A : i32
      %sign3A = arith.constant 0 : i32
      %sign3A_130 = arith.cmpi sgt, %while3A_128, %sign3A : i32
      %sign3A_131 = arith.extui %sign3A_130 : i1 to i32
      %sign3A_132 = arith.constant 0 : i32
      %sign3A_133 = arith.cmpi slt, %while3A_128, %sign3A_132 : i32
      %sign3A_134 = arith.extui %sign3A_133 : i1 to i32
      %sign3A_135 = arith.subi %sign3A_131, %sign3A_134 : i32
      %sign3A_136 = arith.constant 0 : i32
      %sign3A_137 = arith.cmpi sgt, %jit3A, %sign3A_136 : i32
      %sign3A_138 = arith.extui %sign3A_137 : i1 to i32
      %sign3A_139 = arith.constant 0 : i32
      %sign3A_140 = arith.cmpi slt, %jit3A, %sign3A_139 : i32
      %sign3A_141 = arith.extui %sign3A_140 : i1 to i32
      %sign3A_142 = arith.subi %sign3A_138, %sign3A_141 : i32
      %ne3A = arith.cmpi ne, %sign3A_135, %sign3A_142 : i32
      %rem3A = arith.remsi %while3A_128, %jit3A : i32
      %ne3A_143 = arith.constant 0 : i32
      %ne3A_144 = arith.cmpi ne, %rem3A, %ne3A_143 : i32
      %and3A = arith.andi %ne3A, %ne3A_144 : i1
      %sub3A = arith.constant 1 : i32
      %sub3A_145 = arith.subi %div3A, %sub3A : i32
      %select_n3A = arith.select %and3A, %sub3A_145, %div3A : i32
      %mul3A_146 = arith.constant 16 : i32
      %mul3A_147 = arith.muli %select_n3A, %mul3A_146 : i32
      %get3A_148 = arith.index_cast %mul3A_147 : i32 to index
      %get3A_149 = tpu.vector_load %arg18[%get3A_148] {strides = array<i32>} : memref<848xi32, #tpu.memory_space<vmem>>, vector<16xi32>,
      %sub3A_150 = arith.subi %while3A_128, %mul3A_147 : i32
      %broadcast_in_dim3A_151 = vector.broadcast %sub3A_150 : i32 to vector<16xi32>
      %lt3A_152 = arith.constant 0 : i32
      %lt3A_153 = vector.broadcast %lt3A_152 : i32 to vector<16xi32>
      %lt3A_154 = arith.cmpi slt, %broadcast_in_dim3A_151, %lt3A_153 : vector<16xi32>
      %add3A_155 = arith.constant 16 : i32
      %add3A_156 = vector.broadcast %add3A_155 : i32 to vector<16xi32>
      %add3A_157 = arith.addi %broadcast_in_dim3A_151, %add3A_156 : vector<16xi32>
      %select_n3A_158 = arith.select %lt3A_154, %add3A_157, %broadcast_in_dim3A_151 : vector<16xi1>, vector<16xi32>
      %reshape3A = vector.shape_cast %select_n3A_158 : vector<16xi32> to vector<16x1xi32>
      %gather3A = vector.shape_cast %reshape3A : vector<16x1xi32> to vector<16xi32>
      %gather3A_159 = tpu.dynamic_gather %get3A_149[%gather3A] in [0] : vector<16xi32>, vector<16xi32> -> vector<16xi32>
      %slice3A_160 = vector.extract_strided_slice %gather3A_159 {offsets = [0], sizes = [1], strides = [1]} : vector<16xi32> to vector<1xi32>
      %squeeze3A_161 = vector.extract %slice3A_160[0] : i32 from vector<1xi32>
      %jit3A_162 = arith.constant 16 : i32
      %div3A_163 = arith.divsi %while3A_128, %jit3A_162 : i32
      %sign3A_164 = arith.constant 0 : i32
      %sign3A_165 = arith.cmpi sgt, %while3A_128, %sign3A_164 : i32
      %sign3A_166 = arith.extui %sign3A_165 : i1 to i32
      %sign3A_167 = arith.constant 0 : i32
      %sign3A_168 = arith.cmpi slt, %while3A_128, %sign3A_167 : i32
      %sign3A_169 = arith.extui %sign3A_168 : i1 to i32
      %sign3A_170 = arith.subi %sign3A_166, %sign3A_169 : i32
      %sign3A_171 = arith.constant 0 : i32
      %sign3A_172 = arith.cmpi sgt, %jit3A_162, %sign3A_171 : i32
      %sign3A_173 = arith.extui %sign3A_172 : i1 to i32
      %sign3A_174 = arith.constant 0 : i32
      %sign3A_175 = arith.cmpi slt, %jit3A_162, %sign3A_174 : i32
      %sign3A_176 = arith.extui %sign3A_175 : i1 to i32
      %sign3A_177 = arith.subi %sign3A_173, %sign3A_176 : i32
      %ne3A_178 = arith.cmpi ne, %sign3A_170, %sign3A_177 : i32
      %rem3A_179 = arith.remsi %while3A_128, %jit3A_162 : i32
      %ne3A_180 = arith.constant 0 : i32
      %ne3A_181 = arith.cmpi ne, %rem3A_179, %ne3A_180 : i32
      %and3A_182 = arith.andi %ne3A_178, %ne3A_181 : i1
      %sub3A_183 = arith.constant 1 : i32
      %sub3A_184 = arith.subi %div3A_163, %sub3A_183 : i32
      %select_n3A_185 = arith.select %and3A_182, %sub3A_184, %div3A_163 : i32
      %mul3A_186 = arith.constant 16 : i32
      %mul3A_187 = arith.muli %select_n3A_185, %mul3A_186 : i32
      %get3A_188 = arith.index_cast %mul3A_187 : i32 to index
      %get3A_189 = tpu.vector_load %arg17[%get3A_188] {strides = array<i32>} : memref<848xi32, #tpu.memory_space<vmem>>, vector<16xi32>,
      %sub3A_190 = arith.subi %while3A_128, %mul3A_187 : i32
      %broadcast_in_dim3A_191 = vector.broadcast %sub3A_190 : i32 to vector<16xi32>
      %lt3A_192 = arith.constant 0 : i32
      %lt3A_193 = vector.broadcast %lt3A_192 : i32 to vector<16xi32>
      %lt3A_194 = arith.cmpi slt, %broadcast_in_dim3A_191, %lt3A_193 : vector<16xi32>
      %add3A_195 = arith.constant 16 : i32
      %add3A_196 = vector.broadcast %add3A_195 : i32 to vector<16xi32>
      %add3A_197 = arith.addi %broadcast_in_dim3A_191, %add3A_196 : vector<16xi32>
      %select_n3A_198 = arith.select %lt3A_194, %add3A_197, %broadcast_in_dim3A_191 : vector<16xi1>, vector<16xi32>
      %reshape3A_199 = vector.shape_cast %select_n3A_198 : vector<16xi32> to vector<16x1xi32>
      %gather3A_200 = vector.shape_cast %reshape3A_199 : vector<16x1xi32> to vector<16xi32>
      %gather3A_201 = tpu.dynamic_gather %get3A_189[%gather3A_200] in [0] : vector<16xi32>, vector<16xi32> -> vector<16xi32>
      %slice3A_202 = vector.extract_strided_slice %gather3A_201 {offsets = [0], sizes = [1], strides = [1]} : vector<16xi32> to vector<1xi32>
      %squeeze3A_203 = vector.extract %slice3A_202[0] : i32 from vector<1xi32>
      %sub3A_204 = arith.subi %squeeze3A_161, %mul3A_70 : i32
      %jit3A_205 = arith.constant 16 : i32
      %div3A_206 = arith.divsi %sub3A_204, %jit3A_205 : i32
      %sign3A_207 = arith.constant 0 : i32
      %sign3A_208 = arith.cmpi sgt, %sub3A_204, %sign3A_207 : i32
      %sign3A_209 = arith.extui %sign3A_208 : i1 to i32
      %sign3A_210 = arith.constant 0 : i32
      %sign3A_211 = arith.cmpi slt, %sub3A_204, %sign3A_210 : i32
      %sign3A_212 = arith.extui %sign3A_211 : i1 to i32
      %sign3A_213 = arith.subi %sign3A_209, %sign3A_212 : i32
      %sign3A_214 = arith.constant 0 : i32
      %sign3A_215 = arith.cmpi sgt, %jit3A_205, %sign3A_214 : i32
      %sign3A_216 = arith.extui %sign3A_215 : i1 to i32
      %sign3A_217 = arith.constant 0 : i32
      %sign3A_218 = arith.cmpi slt, %jit3A_205, %sign3A_217 : i32
      %sign3A_219 = arith.extui %sign3A_218 : i1 to i32
      %sign3A_220 = arith.subi %sign3A_216, %sign3A_219 : i32
      %ne3A_221 = arith.cmpi ne, %sign3A_213, %sign3A_220 : i32
      %rem3A_222 = arith.remsi %sub3A_204, %jit3A_205 : i32
      %ne3A_223 = arith.constant 0 : i32
      %ne3A_224 = arith.cmpi ne, %rem3A_222, %ne3A_223 : i32
      %and3A_225 = arith.andi %ne3A_221, %ne3A_224 : i1
      %sub3A_226 = arith.constant 1 : i32
      %sub3A_227 = arith.subi %div3A_206, %sub3A_226 : i32
      %select_n3A_228 = arith.select %and3A_225, %sub3A_227, %div3A_206 : i32
      %mul3A_229 = arith.constant 16 : i32
      %mul3A_230 = arith.muli %select_n3A_228, %mul3A_229 : i32
      %get3A_231 = arith.index_cast %mul3A_230 : i32 to index
      %get3A_232 = tpu.vector_load %arg15[%get3A_231] {strides = array<i32>} : memref<272xi32, #tpu.memory_space<vmem>>, vector<16xi32>,
      %sub3A_233 = arith.subi %sub3A_204, %mul3A_230 : i32
      %broadcast_in_dim3A_234 = vector.broadcast %sub3A_233 : i32 to vector<16xi32>
      %lt3A_235 = arith.constant 0 : i32
      %lt3A_236 = vector.broadcast %lt3A_235 : i32 to vector<16xi32>
      %lt3A_237 = arith.cmpi slt, %broadcast_in_dim3A_234, %lt3A_236 : vector<16xi32>
      %add3A_238 = arith.constant 16 : i32
      %add3A_239 = vector.broadcast %add3A_238 : i32 to vector<16xi32>
      %add3A_240 = arith.addi %broadcast_in_dim3A_234, %add3A_239 : vector<16xi32>
      %select_n3A_241 = arith.select %lt3A_237, %add3A_240, %broadcast_in_dim3A_234 : vector<16xi1>, vector<16xi32>
      %reshape3A_242 = vector.shape_cast %select_n3A_241 : vector<16xi32> to vector<16x1xi32>
      %gather3A_243 = vector.shape_cast %reshape3A_242 : vector<16x1xi32> to vector<16xi32>
      %gather3A_244 = tpu.dynamic_gather %get3A_232[%gather3A_243] in [0] : vector<16xi32>, vector<16xi32> -> vector<16xi32>
      %slice3A_245 = vector.extract_strided_slice %gather3A_244 {offsets = [0], sizes = [1], strides = [1]} : vector<16xi32> to vector<1xi32>
      %squeeze3A_246 = vector.extract %slice3A_245[0] : i32 from vector<1xi32>
      %lt3A_247 = arith.constant 16 : i32
      %lt3A_248 = arith.cmpi slt, %squeeze3A_246, %lt3A_247 : i32
      %convert_element_type3A_249 = arith.extui %lt3A_248 : i1 to i32
      %cond3A_250 = arith.constant 0 : i32
      %cond3A_251 = arith.constant 0 : i32
      %cond3A_252 = arith.cmpi ne, %convert_element_type3A_249, %cond3A_251 : i32
      %cond3A_253 = scf.if %cond3A_252 -> (i32) {
        %mul3A_254 = arith.constant 16 : i32
        %mul3A_255 = arith.muli %sub3A_204, %mul3A_254 : i32
        %add3A_256 = arith.addi %mul3A_255, %squeeze3A_246 : i32
        %jit3A_257 = arith.constant 4096 : i32
        %broadcast_in_dim3A_258 = vector.broadcast %add3A_256 : i32 to vector<16xi32>
        %broadcast_in_dim3A_259 = vector.broadcast %jit3A_257 : i32 to vector<16xi32>
        %select_n3A_260 = arith.select %eq3A_79, %broadcast_in_dim3A_258, %broadcast_in_dim3A_259 : vector<16xi1>, vector<16xi32>
        %broadcast_in_dim3A_261 = vector.broadcast %squeeze3A_203 : i32 to vector<16xi32>
        tpu.vector_store_idx %arg16[%select_n3A_260], %broadcast_in_dim3A_261 : memref<4112xi32, #tpu.memory_space<vmem>>[vector<16xi32>], vector<16xi32>,
        %jit3A_262 = arith.constant 256 : i32
        %broadcast_in_dim3A_263 = vector.broadcast %sub3A_204 : i32 to vector<16xi32>
        %broadcast_in_dim3A_264 = vector.broadcast %jit3A_262 : i32 to vector<16xi32>
        %select_n3A_265 = arith.select %eq3A_79, %broadcast_in_dim3A_263, %broadcast_in_dim3A_264 : vector<16xi1>, vector<16xi32>
        %add3A_266 = arith.constant 1 : i32
        %add3A_267 = arith.addi %squeeze3A_246, %add3A_266 : i32
        %broadcast_in_dim3A_268 = vector.broadcast %add3A_267 : i32 to vector<16xi32>
        tpu.vector_store_idx %arg15[%select_n3A_265], %broadcast_in_dim3A_268 : memref<272xi32, #tpu.memory_space<vmem>>[vector<16xi32>], vector<16xi32>,
        %cond3A_269 = arith.constant 0 : i32
        scf.yield %cond3A_269 : i32
      } else {
        %cond3A_254 = arith.constant 0 : i32
        scf.yield %cond3A_254 : i32
      }
      scf.yield %cond3A_253 : i32
    }
    "tpu.region"() ({
      %run_scoped3A = tpu.sem_alloc : memref<!tpu.dma_semaphore, #tpu.memory_space<semaphore_mem>>
      %dma_start3A = arith.constant 0 : i32
      %dma_start3A_128 = tpu.memref_slice %arg15[%dma_start3A] : memref<272xi32, #tpu.memory_space<vmem>> -> memref<256xi32, #tpu.memory_space<vmem>>
      %dma_start3A_129 = tpu.memref_slice %arg29[%mul3A_70] : memref<4096xi32, #tpu.memory_space<vmem_shared>> -> memref<256xi32, #tpu.memory_space<vmem_shared>>
      %dma_start3A_130 = tpu.memref_slice %arg29[%mul3A_70] : memref<4096xi32, #tpu.memory_space<vmem_shared>> -> memref<256xi32, #tpu.memory_space<vmem_shared>>
      %dma_start3A_131 = arith.constant 0 : i32
      %dma_start3A_132 = tpu.memref_slice %arg15[%dma_start3A_131] : memref<272xi32, #tpu.memory_space<vmem>> -> memref<256xi32, #tpu.memory_space<vmem>>
      tpu.enqueue_dma source(%dma_start3A_132 : memref<256xi32, #tpu.memory_space<vmem>>) target(%dma_start3A_130 : memref<256xi32, #tpu.memory_space<vmem_shared>>) target_semaphore(%run_scoped3A : memref<!tpu.dma_semaphore, #tpu.memory_space<semaphore_mem>>)
      %dma_wait3A = arith.constant 0 : i32
      %dma_wait3A_133 = tpu.memref_slice %arg15[%dma_wait3A] : memref<272xi32, #tpu.memory_space<vmem>> -> memref<256xi32, #tpu.memory_space<vmem>>
      %dma_wait3A_134 = tpu.memref_slice %arg29[%mul3A_70] : memref<4096xi32, #tpu.memory_space<vmem_shared>> -> memref<256xi32, #tpu.memory_space<vmem_shared>>
      %dma_wait3A_135 = tpu.memref_slice %arg29[%mul3A_70] : memref<4096xi32, #tpu.memory_space<vmem_shared>> -> memref<256xi32, #tpu.memory_space<vmem_shared>>
      %dma_wait3A_136 = arith.constant 0 : i32
      %dma_wait3A_137 = tpu.memref_slice %arg15[%dma_wait3A_136] : memref<272xi32, #tpu.memory_space<vmem>> -> memref<256xi32, #tpu.memory_space<vmem>>
      tpu.wait_dma2 semaphore(%run_scoped3A : memref<!tpu.dma_semaphore, #tpu.memory_space<semaphore_mem>>) src(%dma_wait3A_137 : memref<256xi32, #tpu.memory_space<vmem>>) dst(%dma_wait3A_135 : memref<256xi32, #tpu.memory_space<vmem_shared>>)
      tpu.yield
    }) : () -> ()
    %mul3A_91 = arith.constant 256 : i32
    %mul3A_92 = arith.muli %arg1, %mul3A_91 : i32
    %mul3A_93 = arith.constant 16 : i32
    %mul3A_94 = arith.muli %mul3A_92, %mul3A_93 : i32
    "tpu.region"() ({
      %run_scoped3A = tpu.sem_alloc : memref<!tpu.dma_semaphore, #tpu.memory_space<semaphore_mem>>
      %dma_start3A = arith.constant 0 : i32
      %dma_start3A_128 = tpu.memref_slice %arg16[%dma_start3A] : memref<4112xi32, #tpu.memory_space<vmem>> -> memref<4096xi32, #tpu.memory_space<vmem>>
      %dma_start3A_129 = tpu.memref_slice %arg30[%mul3A_94] : memref<65536xi32, #tpu.memory_space<vmem_shared>> -> memref<4096xi32, #tpu.memory_space<vmem_shared>>
      %dma_start3A_130 = tpu.memref_slice %arg30[%mul3A_94] : memref<65536xi32, #tpu.memory_space<vmem_shared>> -> memref<4096xi32, #tpu.memory_space<vmem_shared>>
      %dma_start3A_131 = arith.constant 0 : i32
      %dma_start3A_132 = tpu.memref_slice %arg16[%dma_start3A_131] : memref<4112xi32, #tpu.memory_space<vmem>> -> memref<4096xi32, #tpu.memory_space<vmem>>
      tpu.enqueue_dma source(%dma_start3A_132 : memref<4096xi32, #tpu.memory_space<vmem>>) target(%dma_start3A_130 : memref<4096xi32, #tpu.memory_space<vmem_shared>>) target_semaphore(%run_scoped3A : memref<!tpu.dma_semaphore, #tpu.memory_space<semaphore_mem>>)
      %dma_wait3A = arith.constant 0 : i32
      %dma_wait3A_133 = tpu.memref_slice %arg16[%dma_wait3A] : memref<4112xi32, #tpu.memory_space<vmem>> -> memref<4096xi32, #tpu.memory_space<vmem>>
      %dma_wait3A_134 = tpu.memref_slice %arg30[%mul3A_94] : memref<65536xi32, #tpu.memory_space<vmem_shared>> -> memref<4096xi32, #tpu.memory_space<vmem_shared>>
      %dma_wait3A_135 = tpu.memref_slice %arg30[%mul3A_94] : memref<65536xi32, #tpu.memory_space<vmem_shared>> -> memref<4096xi32, #tpu.memory_space<vmem_shared>>
      %dma_wait3A_136 = arith.constant 0 : i32
      %dma_wait3A_137 = tpu.memref_slice %arg16[%dma_wait3A_136] : memref<4112xi32, #tpu.memory_space<vmem>> -> memref<4096xi32, #tpu.memory_space<vmem>>
      tpu.wait_dma2 semaphore(%run_scoped3A : memref<!tpu.dma_semaphore, #tpu.memory_space<semaphore_mem>>) src(%dma_wait3A_137 : memref<4096xi32, #tpu.memory_space<vmem>>) dst(%dma_wait3A_135 : memref<4096xi32, #tpu.memory_space<vmem_shared>>)
      tpu.yield
    }) : () -> ()
    %barrier3A = arith.constant 0 : index
    tpu.barrier barrier_id(%barrier3A)
    "tpu.region"() ({
      %run_scoped3A = tpu.sem_alloc : memref<!tpu.dma_semaphore, #tpu.memory_space<semaphore_mem>>
      %dma_start3A = arith.constant 0 : i32
      %dma_start3A_128 = tpu.memref_slice %arg19[%dma_start3A] : memref<4112xi32, #tpu.memory_space<vmem>> -> memref<4096xi32, #tpu.memory_space<vmem>>
      %dma_start3A_129 = arith.constant 0 : i32
      %dma_start3A_130 = tpu.memref_slice %arg19[%dma_start3A_129] : memref<4112xi32, #tpu.memory_space<vmem>> -> memref<4096xi32, #tpu.memory_space<vmem>>
      tpu.enqueue_dma source(%arg29 : memref<4096xi32, #tpu.memory_space<vmem_shared>>) target(%dma_start3A_130 : memref<4096xi32, #tpu.memory_space<vmem>>) target_semaphore(%run_scoped3A : memref<!tpu.dma_semaphore, #tpu.memory_space<semaphore_mem>>)
      %dma_wait3A = arith.constant 0 : i32
      %dma_wait3A_131 = tpu.memref_slice %arg19[%dma_wait3A] : memref<4112xi32, #tpu.memory_space<vmem>> -> memref<4096xi32, #tpu.memory_space<vmem>>
      %dma_wait3A_132 = arith.constant 0 : i32
      %dma_wait3A_133 = tpu.memref_slice %arg19[%dma_wait3A_132] : memref<4112xi32, #tpu.memory_space<vmem>> -> memref<4096xi32, #tpu.memory_space<vmem>>
      tpu.wait_dma2 semaphore(%run_scoped3A : memref<!tpu.dma_semaphore, #tpu.memory_space<semaphore_mem>>) src(%arg29 : memref<4096xi32, #tpu.memory_space<vmem_shared>>) dst(%dma_wait3A_133 : memref<4096xi32, #tpu.memory_space<vmem>>)
      tpu.yield
    }) : () -> ()
    "tpu.region"() ({
      %run_scoped3A = tpu.sem_alloc : memref<!tpu.dma_semaphore, #tpu.memory_space<semaphore_mem>>
      %dma_start3A = arith.constant 0 : i32
      %dma_start3A_128 = tpu.memref_slice %arg20[%dma_start3A] : memref<65552xi32, #tpu.memory_space<vmem>> -> memref<65536xi32, #tpu.memory_space<vmem>>
      %dma_start3A_129 = arith.constant 0 : i32
      %dma_start3A_130 = tpu.memref_slice %arg20[%dma_start3A_129] : memref<65552xi32, #tpu.memory_space<vmem>> -> memref<65536xi32, #tpu.memory_space<vmem>>
      tpu.enqueue_dma source(%arg30 : memref<65536xi32, #tpu.memory_space<vmem_shared>>) target(%dma_start3A_130 : memref<65536xi32, #tpu.memory_space<vmem>>) target_semaphore(%run_scoped3A : memref<!tpu.dma_semaphore, #tpu.memory_space<semaphore_mem>>)
      %dma_wait3A = arith.constant 0 : i32
      %dma_wait3A_131 = tpu.memref_slice %arg20[%dma_wait3A] : memref<65552xi32, #tpu.memory_space<vmem>> -> memref<65536xi32, #tpu.memory_space<vmem>>
      %dma_wait3A_132 = arith.constant 0 : i32
      %dma_wait3A_133 = tpu.memref_slice %arg20[%dma_wait3A_132] : memref<65552xi32, #tpu.memory_space<vmem>> -> memref<65536xi32, #tpu.memory_space<vmem>>
      tpu.wait_dma2 semaphore(%run_scoped3A : memref<!tpu.dma_semaphore, #tpu.memory_space<semaphore_mem>>) src(%arg30 : memref<65536xi32, #tpu.memory_space<vmem_shared>>) dst(%dma_wait3A_133 : memref<65536xi32, #tpu.memory_space<vmem>>)
      tpu.yield
    }) : () -> ()
    %mul3A_95 = arith.constant 16 : i32
    %mul3A_96 = arith.muli %arg0, %mul3A_95 : i32
    %add3A = arith.addi %mul3A_96, %arg1 : i32
    %get3A = arith.constant 0 : index
    %get3A_97 = tpu.vector_load %arg22[%get3A] {strides = array<i32>} : memref<16xi32, #tpu.memory_space<vmem>>, vector<16xi32>,
    %get3A_98 = arith.constant 0 : index
    %get3A_99 = tpu.vector_load %arg23[%get3A_98] {strides = array<i32>} : memref<16xi32, #tpu.memory_space<vmem>>, vector<16xi32>,
    %get3A_100 = arith.constant 0 : index
    %get3A_101 = tpu.vector_load %arg24[%get3A_100] {strides = array<i32>} : memref<16xi32, #tpu.memory_space<vmem>>, vector<16xi32>,
    %get3A_102 = arith.constant 0 : index
    %get3A_103 = tpu.vector_load %arg25[%get3A_102] {strides = array<i32>} : memref<16xi32, #tpu.memory_space<vmem>>, vector<16xi32>,
    %get3A_104 = arith.constant 0 : index
    %get3A_105 = tpu.vector_load %arg26[%get3A_104] {strides = array<i32>} : memref<16xf32, #tpu.memory_space<vmem>>, vector<16xf32>,
    %slice3A = vector.extract_strided_slice %get3A_105 {offsets = [0], sizes = [1], strides = [1]} : vector<16xf32> to vector<1xf32>
    %squeeze3A = vector.extract %slice3A[0] : f32 from vector<1xf32>
    %slice3A_106 = vector.extract_strided_slice %get3A_105 {offsets = [1], sizes = [1], strides = [1]} : vector<16xf32> to vector<1xf32>
    %squeeze3A_107 = vector.extract %slice3A_106[0] : f32 from vector<1xf32>
    %lt3A = arith.constant 13 : i32
    %lt3A_108 = vector.broadcast %lt3A : i32 to vector<16xi32>
    %lt3A_109 = arith.cmpi slt, %iota3A, %lt3A_108 : vector<16xi32>
    %mul3A_110 = arith.constant 128 : i32
    %mul3A_111 = arith.muli %add3A, %mul3A_110 : i32
    %broadcast_in_dim3A_112 = arith.constant 0.000000e+00 : f32
    %broadcast_in_dim3A_113 = vector.broadcast %broadcast_in_dim3A_112 : f32 to vector<16xf32>
    %scan3A_114 = arith.constant 0 : i32
    %scan3A_115 = arith.constant 128 : i32
    %scan3A_116 = arith.addi %scan3A_114, %scan3A_115 : i32
    %scan3A_117 = arith.constant 1 : i32
    %scan3A_118 = scf.for %scan3A_128 = %scan3A_114 to %scan3A_116 step %scan3A_117 iter_args(%scan3A_129 = %broadcast_in_dim3A_113) -> (vector<16xf32>)  : i32 {
      %add3A_130 = arith.addi %mul3A_111, %scan3A_128 : i32
      %jit3A = arith.constant 16 : i32
      %div3A = arith.divsi %add3A_130, %jit3A : i32
      %sign3A = arith.constant 0 : i32
      %sign3A_131 = arith.cmpi sgt, %add3A_130, %sign3A : i32
      %sign3A_132 = arith.extui %sign3A_131 : i1 to i32
      %sign3A_133 = arith.constant 0 : i32
      %sign3A_134 = arith.cmpi slt, %add3A_130, %sign3A_133 : i32
      %sign3A_135 = arith.extui %sign3A_134 : i1 to i32
      %sign3A_136 = arith.subi %sign3A_132, %sign3A_135 : i32
      %sign3A_137 = arith.constant 0 : i32
      %sign3A_138 = arith.cmpi sgt, %jit3A, %sign3A_137 : i32
      %sign3A_139 = arith.extui %sign3A_138 : i1 to i32
      %sign3A_140 = arith.constant 0 : i32
      %sign3A_141 = arith.cmpi slt, %jit3A, %sign3A_140 : i32
      %sign3A_142 = arith.extui %sign3A_141 : i1 to i32
      %sign3A_143 = arith.subi %sign3A_139, %sign3A_142 : i32
      %ne3A = arith.cmpi ne, %sign3A_136, %sign3A_143 : i32
      %rem3A = arith.remsi %add3A_130, %jit3A : i32
      %ne3A_144 = arith.constant 0 : i32
      %ne3A_145 = arith.cmpi ne, %rem3A, %ne3A_144 : i32
      %and3A = arith.andi %ne3A, %ne3A_145 : i1
      %sub3A = arith.constant 1 : i32
      %sub3A_146 = arith.subi %div3A, %sub3A : i32
      %select_n3A = arith.select %and3A, %sub3A_146, %div3A : i32
      %mul3A_147 = arith.constant 16 : i32
      %mul3A_148 = arith.muli %select_n3A, %mul3A_147 : i32
      %get3A_149 = arith.index_cast %mul3A_148 : i32 to index
      %get3A_150 = tpu.vector_load %arg19[%get3A_149] {strides = array<i32>} : memref<4112xi32, #tpu.memory_space<vmem>>, vector<16xi32>,
      %sub3A_151 = arith.subi %add3A_130, %mul3A_148 : i32
      %broadcast_in_dim3A_152 = vector.broadcast %sub3A_151 : i32 to vector<16xi32>
      %lt3A_153 = arith.constant 0 : i32
      %lt3A_154 = vector.broadcast %lt3A_153 : i32 to vector<16xi32>
      %lt3A_155 = arith.cmpi slt, %broadcast_in_dim3A_152, %lt3A_154 : vector<16xi32>
      %add3A_156 = arith.constant 16 : i32
      %add3A_157 = vector.broadcast %add3A_156 : i32 to vector<16xi32>
      %add3A_158 = arith.addi %broadcast_in_dim3A_152, %add3A_157 : vector<16xi32>
      %select_n3A_159 = arith.select %lt3A_155, %add3A_158, %broadcast_in_dim3A_152 : vector<16xi1>, vector<16xi32>
      %reshape3A = vector.shape_cast %select_n3A_159 : vector<16xi32> to vector<16x1xi32>
      %gather3A = vector.shape_cast %reshape3A : vector<16x1xi32> to vector<16xi32>
      %gather3A_160 = tpu.dynamic_gather %get3A_150[%gather3A] in [0] : vector<16xi32>, vector<16xi32> -> vector<16xi32>
      %slice3A_161 = vector.extract_strided_slice %gather3A_160 {offsets = [0], sizes = [1], strides = [1]} : vector<16xi32> to vector<1xi32>
      %squeeze3A_162 = vector.extract %slice3A_161[0] : i32 from vector<1xi32>
      %gt3A = arith.constant 0 : i32
      %gt3A_163 = arith.cmpi sgt, %squeeze3A_162, %gt3A : i32
      %convert_element_type3A_164 = arith.extui %gt3A_163 : i1 to i32
      %cond3A_165 = arith.constant 0 : i32
      %cond3A_166 = arith.cmpi ne, %convert_element_type3A_164, %cond3A_165 : i32
      %cond3A_167 = scf.if %cond3A_166 -> (vector<16xf32>) {
        %and3A_168 = arith.constant 15 : i32
        %and3A_169 = arith.andi %add3A_130, %and3A_168 : i32
        %shift_right_arithmetic3A = arith.constant 4 : i32
        %shift_right_arithmetic3A_170 = arith.shrsi %add3A_130, %shift_right_arithmetic3A : i32
        %and3A_171 = arith.constant 15 : i32
        %and3A_172 = arith.andi %shift_right_arithmetic3A_170, %and3A_171 : i32
        %shift_right_arithmetic3A_173 = arith.constant 8 : i32
        %shift_right_arithmetic3A_174 = arith.shrsi %add3A_130, %shift_right_arithmetic3A_173 : i32
        %add3A_175 = vector.broadcast %and3A_169 : i32 to vector<16xi32>
        %add3A_176 = arith.addi %add3A_175, %get3A_97 : vector<16xi32>
        %add3A_177 = vector.broadcast %and3A_172 : i32 to vector<16xi32>
        %add3A_178 = arith.addi %add3A_177, %get3A_99 : vector<16xi32>
        %add3A_179 = vector.broadcast %shift_right_arithmetic3A_174 : i32 to vector<16xi32>
        %add3A_180 = arith.addi %add3A_179, %get3A_101 : vector<16xi32>
        %ge3A = arith.constant 0 : i32
        %ge3A_181 = vector.broadcast %ge3A : i32 to vector<16xi32>
        %ge3A_182 = arith.cmpi sge, %add3A_176, %ge3A_181 : vector<16xi32>
        %and3A_183 = arith.andi %lt3A_109, %ge3A_182 : vector<16xi1>
        %lt3A_184 = arith.constant 16 : i32
        %lt3A_185 = vector.broadcast %lt3A_184 : i32 to vector<16xi32>
        %lt3A_186 = arith.cmpi slt, %add3A_176, %lt3A_185 : vector<16xi32>
        %and3A_187 = arith.andi %and3A_183, %lt3A_186 : vector<16xi1>
        %ge3A_188 = arith.constant 0 : i32
        %ge3A_189 = vector.broadcast %ge3A_188 : i32 to vector<16xi32>
        %ge3A_190 = arith.cmpi sge, %add3A_178, %ge3A_189 : vector<16xi32>
        %and3A_191 = arith.andi %and3A_187, %ge3A_190 : vector<16xi1>
        %lt3A_192 = arith.constant 16 : i32
        %lt3A_193 = vector.broadcast %lt3A_192 : i32 to vector<16xi32>
        %lt3A_194 = arith.cmpi slt, %add3A_178, %lt3A_193 : vector<16xi32>
        %and3A_195 = arith.andi %and3A_191, %lt3A_194 : vector<16xi1>
        %ge3A_196 = arith.constant 0 : i32
        %ge3A_197 = vector.broadcast %ge3A_196 : i32 to vector<16xi32>
        %ge3A_198 = arith.cmpi sge, %add3A_180, %ge3A_197 : vector<16xi32>
        %and3A_199 = arith.andi %and3A_195, %ge3A_198 : vector<16xi1>
        %lt3A_200 = arith.constant 16 : i32
        %lt3A_201 = vector.broadcast %lt3A_200 : i32 to vector<16xi32>
        %lt3A_202 = arith.cmpi slt, %add3A_180, %lt3A_201 : vector<16xi32>
        %and3A_203 = arith.andi %and3A_199, %lt3A_202 : vector<16xi1>
        %add3A_204 = vector.broadcast %add3A_130 : i32 to vector<16xi32>
        %add3A_205 = arith.addi %add3A_204, %get3A_103 : vector<16xi32>
        %jit3A_206 = arith.constant 0 : i32
        %jit3A_207 = arith.constant 4095 : i32
        %max3A = vector.broadcast %jit3A_206 : i32 to vector<16xi32>
        %max3A_208 = arith.maxsi %max3A, %add3A_205 : vector<16xi32>
        %min3A = vector.broadcast %jit3A_207 : i32 to vector<16xi32>
        %min3A_209 = arith.minsi %min3A, %max3A_208 : vector<16xi32>
        %gather3A_210 = tpu.vector_load_idx %arg19[%min3A_209] : memref<4112xi32, #tpu.memory_space<vmem>>[vector<16xi32>], vector<16xi32>,
        %jit3A_211 = arith.constant 0 : i32
        %broadcast_in_dim3A_212 = vector.broadcast %jit3A_211 : i32 to vector<16xi32>
        %select_n3A_213 = arith.select %and3A_203, %gather3A_210, %broadcast_in_dim3A_212 : vector<16xi1>, vector<16xi32>
        %add3A_214 = arith.constant 8 : i32
        %add3A_215 = vector.broadcast %add3A_214 : i32 to vector<16xi32>
        %add3A_216 = arith.addi %iota3A, %add3A_215 : vector<16xi32>
        %and3A_217 = arith.constant 15 : i32
        %and3A_218 = vector.broadcast %and3A_217 : i32 to vector<16xi32>
        %and3A_219 = arith.andi %add3A_216, %and3A_218 : vector<16xi32>
        %lt3A_220 = arith.constant 0 : i32
        %lt3A_221 = vector.broadcast %lt3A_220 : i32 to vector<16xi32>
        %lt3A_222 = arith.cmpi slt, %and3A_219, %lt3A_221 : vector<16xi32>
        %add3A_223 = arith.constant 16 : i32
        %add3A_224 = vector.broadcast %add3A_223 : i32 to vector<16xi32>
        %add3A_225 = arith.addi %and3A_219, %add3A_224 : vector<16xi32>
        %select_n3A_226 = arith.select %lt3A_222, %add3A_225, %and3A_219 : vector<16xi1>, vector<16xi32>
        %reshape3A_227 = vector.shape_cast %select_n3A_226 : vector<16xi32> to vector<16x1xi32>
        %gather3A_228 = vector.shape_cast %reshape3A_227 : vector<16x1xi32> to vector<16xi32>
        %gather3A_229 = tpu.dynamic_gather %select_n3A_213[%gather3A_228] in [0] : vector<16xi32>, vector<16xi32> -> vector<16xi32>
        %max3A_230 = arith.maxsi %select_n3A_213, %gather3A_229 : vector<16xi32>
        %add3A_231 = arith.constant 4 : i32
        %add3A_232 = vector.broadcast %add3A_231 : i32 to vector<16xi32>
        %add3A_233 = arith.addi %iota3A, %add3A_232 : vector<16xi32>
        %and3A_234 = arith.constant 15 : i32
        %and3A_235 = vector.broadcast %and3A_234 : i32 to vector<16xi32>
        %and3A_236 = arith.andi %add3A_233, %and3A_235 : vector<16xi32>
        %lt3A_237 = arith.constant 0 : i32
        %lt3A_238 = vector.broadcast %lt3A_237 : i32 to vector<16xi32>
        %lt3A_239 = arith.cmpi slt, %and3A_236, %lt3A_238 : vector<16xi32>
        %add3A_240 = arith.constant 16 : i32
        %add3A_241 = vector.broadcast %add3A_240 : i32 to vector<16xi32>
        %add3A_242 = arith.addi %and3A_236, %add3A_241 : vector<16xi32>
        %select_n3A_243 = arith.select %lt3A_239, %add3A_242, %and3A_236 : vector<16xi1>, vector<16xi32>
        %reshape3A_244 = vector.shape_cast %select_n3A_243 : vector<16xi32> to vector<16x1xi32>
        %gather3A_245 = vector.shape_cast %reshape3A_244 : vector<16x1xi32> to vector<16xi32>
        %gather3A_246 = tpu.dynamic_gather %max3A_230[%gather3A_245] in [0] : vector<16xi32>, vector<16xi32> -> vector<16xi32>
        %max3A_247 = arith.maxsi %max3A_230, %gather3A_246 : vector<16xi32>
        %add3A_248 = arith.constant 2 : i32
        %add3A_249 = vector.broadcast %add3A_248 : i32 to vector<16xi32>
        %add3A_250 = arith.addi %iota3A, %add3A_249 : vector<16xi32>
        %and3A_251 = arith.constant 15 : i32
        %and3A_252 = vector.broadcast %and3A_251 : i32 to vector<16xi32>
        %and3A_253 = arith.andi %add3A_250, %and3A_252 : vector<16xi32>
        %lt3A_254 = arith.constant 0 : i32
        %lt3A_255 = vector.broadcast %lt3A_254 : i32 to vector<16xi32>
        %lt3A_256 = arith.cmpi slt, %and3A_253, %lt3A_255 : vector<16xi32>
        %add3A_257 = arith.constant 16 : i32
        %add3A_258 = vector.broadcast %add3A_257 : i32 to vector<16xi32>
        %add3A_259 = arith.addi %and3A_253, %add3A_258 : vector<16xi32>
        %select_n3A_260 = arith.select %lt3A_256, %add3A_259, %and3A_253 : vector<16xi1>, vector<16xi32>
        %reshape3A_261 = vector.shape_cast %select_n3A_260 : vector<16xi32> to vector<16x1xi32>
        %gather3A_262 = vector.shape_cast %reshape3A_261 : vector<16x1xi32> to vector<16xi32>
        %gather3A_263 = tpu.dynamic_gather %max3A_247[%gather3A_262] in [0] : vector<16xi32>, vector<16xi32> -> vector<16xi32>
        %max3A_264 = arith.maxsi %max3A_247, %gather3A_263 : vector<16xi32>
        %add3A_265 = arith.constant 1 : i32
        %add3A_266 = vector.broadcast %add3A_265 : i32 to vector<16xi32>
        %add3A_267 = arith.addi %iota3A, %add3A_266 : vector<16xi32>
        %and3A_268 = arith.constant 15 : i32
        %and3A_269 = vector.broadcast %and3A_268 : i32 to vector<16xi32>
        %and3A_270 = arith.andi %add3A_267, %and3A_269 : vector<16xi32>
        %lt3A_271 = arith.constant 0 : i32
        %lt3A_272 = vector.broadcast %lt3A_271 : i32 to vector<16xi32>
        %lt3A_273 = arith.cmpi slt, %and3A_270, %lt3A_272 : vector<16xi32>
        %add3A_274 = arith.constant 16 : i32
        %add3A_275 = vector.broadcast %add3A_274 : i32 to vector<16xi32>
        %add3A_276 = arith.addi %and3A_270, %add3A_275 : vector<16xi32>
        %select_n3A_277 = arith.select %lt3A_273, %add3A_276, %and3A_270 : vector<16xi1>, vector<16xi32>
        %reshape3A_278 = vector.shape_cast %select_n3A_277 : vector<16xi32> to vector<16x1xi32>
        %gather3A_279 = vector.shape_cast %reshape3A_278 : vector<16x1xi32> to vector<16xi32>
        %gather3A_280 = tpu.dynamic_gather %max3A_264[%gather3A_279] in [0] : vector<16xi32>, vector<16xi32> -> vector<16xi32>
        %max3A_281 = arith.maxsi %max3A_264, %gather3A_280 : vector<16xi32>
        %slice3A_282 = vector.extract_strided_slice %max3A_281 {offsets = [0], sizes = [1], strides = [1]} : vector<16xi32> to vector<1xi32>
        %squeeze3A_283 = vector.extract %slice3A_282[0] : i32 from vector<1xi32>
        %while3A_284 = arith.constant 0 : i32
        %while3A_285 = arith.constant 0 : i32
        %while3A_286 = arith.subi %squeeze3A_283, %while3A_284 : i32
        %while3A_287 = arith.addi %while3A_284, %while3A_286 : i32
        %while3A_288 = arith.constant 1 : i32
        %while3A_289 = arith.divsi %while3A_286, %while3A_288 : i32
        %while3A_290 = arith.muli %while3A_289, %while3A_288 : i32
        %while3A_291 = arith.addi %while3A_284, %while3A_290 : i32
        %while3A_292 = arith.constant 1 : i32
        %while3A_293 = scf.for %while3A_337 = %while3A_284 to %while3A_291 step %while3A_292 iter_args(%while3A_338 = %while3A_285) -> (i32)  : i32 {
          %lt3A_339 = vector.broadcast %while3A_337 : i32 to vector<16xi32>
          %lt3A_340 = arith.cmpi slt, %lt3A_339, %select_n3A_213 : vector<16xi32>
          %and3A_341 = arith.andi %and3A_203, %lt3A_340 : vector<16xi1>
          %mul3A_342 = arith.constant 16 : i32
          %mul3A_343 = vector.broadcast %mul3A_342 : i32 to vector<16xi32>
          %mul3A_344 = arith.muli %min3A_209, %mul3A_343 : vector<16xi32>
          %add3A_345 = vector.broadcast %while3A_337 : i32 to vector<16xi32>
          %add3A_346 = arith.addi %mul3A_344, %add3A_345 : vector<16xi32>
          %gather3A_347 = tpu.vector_load_idx %arg20[%add3A_346] masked %and3A_341 : memref<65552xi32, #tpu.memory_space<vmem>>[vector<16xi32>], vector<16xi32>, vector<16xi1>
          %swap3A_348 = arith.index_cast %while3A_338 : i32 to index
          %swap3A_349 = tpu.vector_load %arg21[%swap3A_348] masked %and3A_341 {strides = array<i32>} : memref<256xi32, #tpu.memory_space<vmem>>, vector<16xi32>, vector<16xi1>
          tpu.vector_store %arg21[%swap3A_348], %gather3A_347 masked %and3A_341 {strides = array<i32>} : memref<256xi32, #tpu.memory_space<vmem>>, vector<16xi32>, vector<16xi1>
          %convert_element_type3A_350 = arith.extui %and3A_341 : vector<16xi1> to vector<16xi32>
          %reduce_sum3A = arith.constant true
          %reduce_sum3A_351 = vector.broadcast %reduce_sum3A : i1 to vector<16xi1>
          %reduce_sum3A_352 = tpu.scan <sum>, %convert_element_type3A_350 masked %reduce_sum3A_351 : vector<16xi32>, vector<16xi1> -> vector<16xi32>
          %reduce_sum3A_353 = vector.extract %reduce_sum3A_352[15] : i32 from vector<16xi32>
          %add3A_354 = arith.addi %while3A_338, %reduce_sum3A_353 : i32
          scf.yield %add3A_354 : i32
        }
        %while3A_294 = arith.constant 1 : i32
        %while3A_295 = scf.for %while3A_337 = %while3A_291 to %while3A_287 step %while3A_294 iter_args(%while3A_338 = %while3A_293) -> (i32)  : i32 {
          %lt3A_339 = vector.broadcast %while3A_337 : i32 to vector<16xi32>
          %lt3A_340 = arith.cmpi slt, %lt3A_339, %select_n3A_213 : vector<16xi32>
          %and3A_341 = arith.andi %and3A_203, %lt3A_340 : vector<16xi1>
          %mul3A_342 = arith.constant 16 : i32
          %mul3A_343 = vector.broadcast %mul3A_342 : i32 to vector<16xi32>
          %mul3A_344 = arith.muli %min3A_209, %mul3A_343 : vector<16xi32>
          %add3A_345 = vector.broadcast %while3A_337 : i32 to vector<16xi32>
          %add3A_346 = arith.addi %mul3A_344, %add3A_345 : vector<16xi32>
          %gather3A_347 = tpu.vector_load_idx %arg20[%add3A_346] masked %and3A_341 : memref<65552xi32, #tpu.memory_space<vmem>>[vector<16xi32>], vector<16xi32>, vector<16xi1>
          %swap3A_348 = arith.index_cast %while3A_338 : i32 to index
          %swap3A_349 = tpu.vector_load %arg21[%swap3A_348] masked %and3A_341 {strides = array<i32>} : memref<256xi32, #tpu.memory_space<vmem>>, vector<16xi32>, vector<16xi1>
          tpu.vector_store %arg21[%swap3A_348], %gather3A_347 masked %and3A_341 {strides = array<i32>} : memref<256xi32, #tpu.memory_space<vmem>>, vector<16xi32>, vector<16xi1>
          %convert_element_type3A_350 = arith.extui %and3A_341 : vector<16xi1> to vector<16xi32>
          %reduce_sum3A = arith.constant true
          %reduce_sum3A_351 = vector.broadcast %reduce_sum3A : i1 to vector<16xi1>
          %reduce_sum3A_352 = tpu.scan <sum>, %convert_element_type3A_350 masked %reduce_sum3A_351 : vector<16xi32>, vector<16xi1> -> vector<16xi32>
          %reduce_sum3A_353 = vector.extract %reduce_sum3A_352[15] : i32 from vector<16xi32>
          %add3A_354 = arith.addi %while3A_338, %reduce_sum3A_353 : i32
          scf.yield %add3A_354 : i32
        }
        %add3A_296 = arith.constant 15 : i32
        %add3A_297 = arith.addi %while3A_295, %add3A_296 : i32
        %jit3A_298 = arith.constant 16 : i32
        %div3A_299 = arith.divsi %add3A_297, %jit3A_298 : i32
        %sign3A_300 = arith.constant 0 : i32
        %sign3A_301 = arith.cmpi sgt, %add3A_297, %sign3A_300 : i32
        %sign3A_302 = arith.extui %sign3A_301 : i1 to i32
        %sign3A_303 = arith.constant 0 : i32
        %sign3A_304 = arith.cmpi slt, %add3A_297, %sign3A_303 : i32
        %sign3A_305 = arith.extui %sign3A_304 : i1 to i32
        %sign3A_306 = arith.subi %sign3A_302, %sign3A_305 : i32
        %sign3A_307 = arith.constant 0 : i32
        %sign3A_308 = arith.cmpi sgt, %jit3A_298, %sign3A_307 : i32
        %sign3A_309 = arith.extui %sign3A_308 : i1 to i32
        %sign3A_310 = arith.constant 0 : i32
        %sign3A_311 = arith.cmpi slt, %jit3A_298, %sign3A_310 : i32
        %sign3A_312 = arith.extui %sign3A_311 : i1 to i32
        %sign3A_313 = arith.subi %sign3A_309, %sign3A_312 : i32
        %ne3A_314 = arith.cmpi ne, %sign3A_306, %sign3A_313 : i32
        %rem3A_315 = arith.remsi %add3A_297, %jit3A_298 : i32
        %ne3A_316 = arith.constant 0 : i32
        %ne3A_317 = arith.cmpi ne, %rem3A_315, %ne3A_316 : i32
        %and3A_318 = arith.andi %ne3A_314, %ne3A_317 : i1
        %sub3A_319 = arith.constant 1 : i32
        %sub3A_320 = arith.subi %div3A_299, %sub3A_319 : i32
        %select_n3A_321 = arith.select %and3A_318, %sub3A_320, %div3A_299 : i32
        %mul3A_322 = arith.constant 16 : i32
        %mul3A_323 = arith.muli %add3A_130, %mul3A_322 : i32
        %get3A_324 = arith.index_cast %mul3A_323 : i32 to index
        %get3A_325 = tpu.vector_load %arg20[%get3A_324] {strides = array<i32>} : memref<65552xi32, #tpu.memory_space<vmem>>, vector<16xi32>,
        %while3A_326 = arith.constant 0 : i32
        %while3A_327 = arith.subi %squeeze3A_162, %while3A_326 : i32
        %while3A_328 = arith.addi %while3A_326, %while3A_327 : i32
        %while3A_329 = arith.constant 1 : i32
        %while3A_330 = arith.divsi %while3A_327, %while3A_329 : i32
        %while3A_331 = arith.muli %while3A_330, %while3A_329 : i32
        %while3A_332 = arith.addi %while3A_326, %while3A_331 : i32
        %while3A_333 = arith.constant 1 : i32
        %while3A_334 = scf.for %while3A_337 = %while3A_326 to %while3A_332 step %while3A_333 iter_args(%while3A_338 = %scan3A_129) -> (vector<16xf32>)  : i32 {
          %broadcast_in_dim3A_339 = vector.broadcast %while3A_337 : i32 to vector<16xi32>
          %lt3A_340 = arith.constant 0 : i32
          %lt3A_341 = vector.broadcast %lt3A_340 : i32 to vector<16xi32>
          %lt3A_342 = arith.cmpi slt, %broadcast_in_dim3A_339, %lt3A_341 : vector<16xi32>
          %add3A_343 = arith.constant 16 : i32
          %add3A_344 = vector.broadcast %add3A_343 : i32 to vector<16xi32>
          %add3A_345 = arith.addi %broadcast_in_dim3A_339, %add3A_344 : vector<16xi32>
          %select_n3A_346 = arith.select %lt3A_342, %add3A_345, %broadcast_in_dim3A_339 : vector<16xi1>, vector<16xi32>
          %reshape3A_347 = vector.shape_cast %select_n3A_346 : vector<16xi32> to vector<16x1xi32>
          %gather3A_348 = vector.shape_cast %reshape3A_347 : vector<16x1xi32> to vector<16xi32>
          %gather3A_349 = tpu.dynamic_gather %get3A_325[%gather3A_348] in [0] : vector<16xi32>, vector<16xi32> -> vector<16xi32>
          %slice3A_350 = vector.extract_strided_slice %gather3A_349 {offsets = [0], sizes = [1], strides = [1]} : vector<16xi32> to vector<1xi32>
          %squeeze3A_351 = vector.extract %slice3A_350[0] : i32 from vector<1xi32>
          %jit3A_352 = arith.constant 16 : i32
          %div3A_353 = arith.divsi %squeeze3A_351, %jit3A_352 : i32
          %sign3A_354 = arith.constant 0 : i32
          %sign3A_355 = arith.cmpi sgt, %squeeze3A_351, %sign3A_354 : i32
          %sign3A_356 = arith.extui %sign3A_355 : i1 to i32
          %sign3A_357 = arith.constant 0 : i32
          %sign3A_358 = arith.cmpi slt, %squeeze3A_351, %sign3A_357 : i32
          %sign3A_359 = arith.extui %sign3A_358 : i1 to i32
          %sign3A_360 = arith.subi %sign3A_356, %sign3A_359 : i32
          %sign3A_361 = arith.constant 0 : i32
          %sign3A_362 = arith.cmpi sgt, %jit3A_352, %sign3A_361 : i32
          %sign3A_363 = arith.extui %sign3A_362 : i1 to i32
          %sign3A_364 = arith.constant 0 : i32
          %sign3A_365 = arith.cmpi slt, %jit3A_352, %sign3A_364 : i32
          %sign3A_366 = arith.extui %sign3A_365 : i1 to i32
          %sign3A_367 = arith.subi %sign3A_363, %sign3A_366 : i32
          %ne3A_368 = arith.cmpi ne, %sign3A_360, %sign3A_367 : i32
          %rem3A_369 = arith.remsi %squeeze3A_351, %jit3A_352 : i32
          %ne3A_370 = arith.constant 0 : i32
          %ne3A_371 = arith.cmpi ne, %rem3A_369, %ne3A_370 : i32
          %and3A_372 = arith.andi %ne3A_368, %ne3A_371 : i1
          %sub3A_373 = arith.constant 1 : i32
          %sub3A_374 = arith.subi %div3A_353, %sub3A_373 : i32
          %select_n3A_375 = arith.select %and3A_372, %sub3A_374, %div3A_353 : i32
          %mul3A_376 = arith.constant 16 : i32
          %mul3A_377 = arith.muli %select_n3A_375, %mul3A_376 : i32
          %get3A_378 = arith.index_cast %mul3A_377 : i32 to index
          %get3A_379 = tpu.vector_load %arg11[%get3A_378] {strides = array<i32>} : memref<10016xf32, #tpu.memory_space<vmem>>, vector<16xf32>,
          %sub3A_380 = arith.subi %squeeze3A_351, %mul3A_377 : i32
          %broadcast_in_dim3A_381 = vector.broadcast %sub3A_380 : i32 to vector<16xi32>
          %lt3A_382 = arith.constant 0 : i32
          %lt3A_383 = vector.broadcast %lt3A_382 : i32 to vector<16xi32>
          %lt3A_384 = arith.cmpi slt, %broadcast_in_dim3A_381, %lt3A_383 : vector<16xi32>
          %add3A_385 = arith.constant 16 : i32
          %add3A_386 = vector.broadcast %add3A_385 : i32 to vector<16xi32>
          %add3A_387 = arith.addi %broadcast_in_dim3A_381, %add3A_386 : vector<16xi32>
          %select_n3A_388 = arith.select %lt3A_384, %add3A_387, %broadcast_in_dim3A_381 : vector<16xi1>, vector<16xi32>
          %reshape3A_389 = vector.shape_cast %select_n3A_388 : vector<16xi32> to vector<16x1xi32>
          %gather3A_390 = vector.shape_cast %reshape3A_389 : vector<16x1xi32> to vector<16xi32>
          %gather3A_391 = tpu.dynamic_gather %get3A_379[%gather3A_390] in [0] : vector<16xf32>, vector<16xi32> -> vector<16xf32>
          %slice3A_392 = vector.extract_strided_slice %gather3A_391 {offsets = [0], sizes = [1], strides = [1]} : vector<16xf32> to vector<1xf32>
          %squeeze3A_393 = vector.extract %slice3A_392[0] : f32 from vector<1xf32>
          %broadcast_in_dim3A_394 = vector.broadcast %squeeze3A_393 : f32 to vector<16xf32>
          %jit3A_395 = arith.constant 16 : i32
          %div3A_396 = arith.divsi %squeeze3A_351, %jit3A_395 : i32
          %sign3A_397 = arith.constant 0 : i32
          %sign3A_398 = arith.cmpi sgt, %squeeze3A_351, %sign3A_397 : i32
          %sign3A_399 = arith.extui %sign3A_398 : i1 to i32
          %sign3A_400 = arith.constant 0 : i32
          %sign3A_401 = arith.cmpi slt, %squeeze3A_351, %sign3A_400 : i32
          %sign3A_402 = arith.extui %sign3A_401 : i1 to i32
          %sign3A_403 = arith.subi %sign3A_399, %sign3A_402 : i32
          %sign3A_404 = arith.constant 0 : i32
          %sign3A_405 = arith.cmpi sgt, %jit3A_395, %sign3A_404 : i32
          %sign3A_406 = arith.extui %sign3A_405 : i1 to i32
          %sign3A_407 = arith.constant 0 : i32
          %sign3A_408 = arith.cmpi slt, %jit3A_395, %sign3A_407 : i32
          %sign3A_409 = arith.extui %sign3A_408 : i1 to i32
          %sign3A_410 = arith.subi %sign3A_406, %sign3A_409 : i32
          %ne3A_411 = arith.cmpi ne, %sign3A_403, %sign3A_410 : i32
          %rem3A_412 = arith.remsi %squeeze3A_351, %jit3A_395 : i32
          %ne3A_413 = arith.constant 0 : i32
          %ne3A_414 = arith.cmpi ne, %rem3A_412, %ne3A_413 : i32
          %and3A_415 = arith.andi %ne3A_411, %ne3A_414 : i1
          %sub3A_416 = arith.constant 1 : i32
          %sub3A_417 = arith.subi %div3A_396, %sub3A_416 : i32
          %select_n3A_418 = arith.select %and3A_415, %sub3A_417, %div3A_396 : i32
          %mul3A_419 = arith.constant 16 : i32
          %mul3A_420 = arith.muli %select_n3A_418, %mul3A_419 : i32
          %get3A_421 = arith.index_cast %mul3A_420 : i32 to index
          %get3A_422 = tpu.vector_load %arg12[%get3A_421] {strides = array<i32>} : memref<10016xf32, #tpu.memory_space<vmem>>, vector<16xf32>,
          %sub3A_423 = arith.subi %squeeze3A_351, %mul3A_420 : i32
          %broadcast_in_dim3A_424 = vector.broadcast %sub3A_423 : i32 to vector<16xi32>
          %lt3A_425 = arith.constant 0 : i32
          %lt3A_426 = vector.broadcast %lt3A_425 : i32 to vector<16xi32>
          %lt3A_427 = arith.cmpi slt, %broadcast_in_dim3A_424, %lt3A_426 : vector<16xi32>
          %add3A_428 = arith.constant 16 : i32
          %add3A_429 = vector.broadcast %add3A_428 : i32 to vector<16xi32>
          %add3A_430 = arith.addi %broadcast_in_dim3A_424, %add3A_429 : vector<16xi32>
          %select_n3A_431 = arith.select %lt3A_427, %add3A_430, %broadcast_in_dim3A_424 : vector<16xi1>, vector<16xi32>
          %reshape3A_432 = vector.shape_cast %select_n3A_431 : vector<16xi32> to vector<16x1xi32>
          %gather3A_433 = vector.shape_cast %reshape3A_432 : vector<16x1xi32> to vector<16xi32>
          %gather3A_434 = tpu.dynamic_gather %get3A_422[%gather3A_433] in [0] : vector<16xf32>, vector<16xi32> -> vector<16xf32>
          %slice3A_435 = vector.extract_strided_slice %gather3A_434 {offsets = [0], sizes = [1], strides = [1]} : vector<16xf32> to vector<1xf32>
          %squeeze3A_436 = vector.extract %slice3A_435[0] : f32 from vector<1xf32>
          %broadcast_in_dim3A_437 = vector.broadcast %squeeze3A_436 : f32 to vector<16xf32>
          %jit3A_438 = arith.constant 16 : i32
          %div3A_439 = arith.divsi %squeeze3A_351, %jit3A_438 : i32
          %sign3A_440 = arith.constant 0 : i32
          %sign3A_441 = arith.cmpi sgt, %squeeze3A_351, %sign3A_440 : i32
          %sign3A_442 = arith.extui %sign3A_441 : i1 to i32
          %sign3A_443 = arith.constant 0 : i32
          %sign3A_444 = arith.cmpi slt, %squeeze3A_351, %sign3A_443 : i32
          %sign3A_445 = arith.extui %sign3A_444 : i1 to i32
          %sign3A_446 = arith.subi %sign3A_442, %sign3A_445 : i32
          %sign3A_447 = arith.constant 0 : i32
          %sign3A_448 = arith.cmpi sgt, %jit3A_438, %sign3A_447 : i32
          %sign3A_449 = arith.extui %sign3A_448 : i1 to i32
          %sign3A_450 = arith.constant 0 : i32
          %sign3A_451 = arith.cmpi slt, %jit3A_438, %sign3A_450 : i32
          %sign3A_452 = arith.extui %sign3A_451 : i1 to i32
          %sign3A_453 = arith.subi %sign3A_449, %sign3A_452 : i32
          %ne3A_454 = arith.cmpi ne, %sign3A_446, %sign3A_453 : i32
          %rem3A_455 = arith.remsi %squeeze3A_351, %jit3A_438 : i32
          %ne3A_456 = arith.constant 0 : i32
          %ne3A_457 = arith.cmpi ne, %rem3A_455, %ne3A_456 : i32
          %and3A_458 = arith.andi %ne3A_454, %ne3A_457 : i1
          %sub3A_459 = arith.constant 1 : i32
          %sub3A_460 = arith.subi %div3A_439, %sub3A_459 : i32
          %select_n3A_461 = arith.select %and3A_458, %sub3A_460, %div3A_439 : i32
          %mul3A_462 = arith.constant 16 : i32
          %mul3A_463 = arith.muli %select_n3A_461, %mul3A_462 : i32
          %get3A_464 = arith.index_cast %mul3A_463 : i32 to index
          %get3A_465 = tpu.vector_load %arg13[%get3A_464] {strides = array<i32>} : memref<10016xf32, #tpu.memory_space<vmem>>, vector<16xf32>,
          %sub3A_466 = arith.subi %squeeze3A_351, %mul3A_463 : i32
          %broadcast_in_dim3A_467 = vector.broadcast %sub3A_466 : i32 to vector<16xi32>
          %lt3A_468 = arith.constant 0 : i32
          %lt3A_469 = vector.broadcast %lt3A_468 : i32 to vector<16xi32>
          %lt3A_470 = arith.cmpi slt, %broadcast_in_dim3A_467, %lt3A_469 : vector<16xi32>
          %add3A_471 = arith.constant 16 : i32
          %add3A_472 = vector.broadcast %add3A_471 : i32 to vector<16xi32>
          %add3A_473 = arith.addi %broadcast_in_dim3A_467, %add3A_472 : vector<16xi32>
          %select_n3A_474 = arith.select %lt3A_470, %add3A_473, %broadcast_in_dim3A_467 : vector<16xi1>, vector<16xi32>
          %reshape3A_475 = vector.shape_cast %select_n3A_474 : vector<16xi32> to vector<16x1xi32>
          %gather3A_476 = vector.shape_cast %reshape3A_475 : vector<16x1xi32> to vector<16xi32>
          %gather3A_477 = tpu.dynamic_gather %get3A_465[%gather3A_476] in [0] : vector<16xf32>, vector<16xi32> -> vector<16xf32>
          %slice3A_478 = vector.extract_strided_slice %gather3A_477 {offsets = [0], sizes = [1], strides = [1]} : vector<16xf32> to vector<1xf32>
          %squeeze3A_479 = vector.extract %slice3A_478[0] : f32 from vector<1xf32>
          %broadcast_in_dim3A_480 = vector.broadcast %squeeze3A_479 : f32 to vector<16xf32>
          %jit3A_481 = arith.constant 16 : i32
          %div3A_482 = arith.divsi %squeeze3A_351, %jit3A_481 : i32
          %sign3A_483 = arith.constant 0 : i32
          %sign3A_484 = arith.cmpi sgt, %squeeze3A_351, %sign3A_483 : i32
          %sign3A_485 = arith.extui %sign3A_484 : i1 to i32
          %sign3A_486 = arith.constant 0 : i32
          %sign3A_487 = arith.cmpi slt, %squeeze3A_351, %sign3A_486 : i32
          %sign3A_488 = arith.extui %sign3A_487 : i1 to i32
          %sign3A_489 = arith.subi %sign3A_485, %sign3A_488 : i32
          %sign3A_490 = arith.constant 0 : i32
          %sign3A_491 = arith.cmpi sgt, %jit3A_481, %sign3A_490 : i32
          %sign3A_492 = arith.extui %sign3A_491 : i1 to i32
          %sign3A_493 = arith.constant 0 : i32
          %sign3A_494 = arith.cmpi slt, %jit3A_481, %sign3A_493 : i32
          %sign3A_495 = arith.extui %sign3A_494 : i1 to i32
          %sign3A_496 = arith.subi %sign3A_492, %sign3A_495 : i32
          %ne3A_497 = arith.cmpi ne, %sign3A_489, %sign3A_496 : i32
          %rem3A_498 = arith.remsi %squeeze3A_351, %jit3A_481 : i32
          %ne3A_499 = arith.constant 0 : i32
          %ne3A_500 = arith.cmpi ne, %rem3A_498, %ne3A_499 : i32
          %and3A_501 = arith.andi %ne3A_497, %ne3A_500 : i1
          %sub3A_502 = arith.constant 1 : i32
          %sub3A_503 = arith.subi %div3A_482, %sub3A_502 : i32
          %select_n3A_504 = arith.select %and3A_501, %sub3A_503, %div3A_482 : i32
          %mul3A_505 = arith.constant 16 : i32
          %mul3A_506 = arith.muli %select_n3A_504, %mul3A_505 : i32
          %get3A_507 = arith.index_cast %mul3A_506 : i32 to index
          %get3A_508 = tpu.vector_load %arg14[%get3A_507] {strides = array<i32>} : memref<10016xf32, #tpu.memory_space<vmem>>, vector<16xf32>,
          %sub3A_509 = arith.subi %squeeze3A_351, %mul3A_506 : i32
          %broadcast_in_dim3A_510 = vector.broadcast %sub3A_509 : i32 to vector<16xi32>
          %lt3A_511 = arith.constant 0 : i32
          %lt3A_512 = vector.broadcast %lt3A_511 : i32 to vector<16xi32>
          %lt3A_513 = arith.cmpi slt, %broadcast_in_dim3A_510, %lt3A_512 : vector<16xi32>
          %add3A_514 = arith.constant 16 : i32
          %add3A_515 = vector.broadcast %add3A_514 : i32 to vector<16xi32>
          %add3A_516 = arith.addi %broadcast_in_dim3A_510, %add3A_515 : vector<16xi32>
          %select_n3A_517 = arith.select %lt3A_513, %add3A_516, %broadcast_in_dim3A_510 : vector<16xi1>, vector<16xi32>
          %reshape3A_518 = vector.shape_cast %select_n3A_517 : vector<16xi32> to vector<16x1xi32>
          %gather3A_519 = vector.shape_cast %reshape3A_518 : vector<16x1xi32> to vector<16xi32>
          %gather3A_520 = tpu.dynamic_gather %get3A_508[%gather3A_519] in [0] : vector<16xf32>, vector<16xi32> -> vector<16xf32>
          %slice3A_521 = vector.extract_strided_slice %gather3A_520 {offsets = [0], sizes = [1], strides = [1]} : vector<16xf32> to vector<1xf32>
          %squeeze3A_522 = vector.extract %slice3A_521[0] : f32 from vector<1xf32>
          %broadcast_in_dim3A_523 = vector.broadcast %squeeze3A_522 : f32 to vector<16xf32>
          %bitcast3A = vector.bitcast %broadcast_in_dim3A_394 : vector<16xf32> to vector<16xi32>
          %add3A_524 = arith.constant 32767 : i32
          %add3A_525 = vector.broadcast %add3A_524 : i32 to vector<16xi32>
          %add3A_526 = arith.addi %bitcast3A, %add3A_525 : vector<16xi32>
          %shift_right_arithmetic3A_527 = arith.constant 16 : i32
          %shift_right_arithmetic3A_528 = vector.broadcast %shift_right_arithmetic3A_527 : i32 to vector<16xi32>
          %shift_right_arithmetic3A_529 = arith.shrsi %bitcast3A, %shift_right_arithmetic3A_528 : vector<16xi32>
          %and3A_530 = arith.constant 1 : i32
          %and3A_531 = vector.broadcast %and3A_530 : i32 to vector<16xi32>
          %and3A_532 = arith.andi %shift_right_arithmetic3A_529, %and3A_531 : vector<16xi32>
          %add3A_533 = arith.addi %add3A_526, %and3A_532 : vector<16xi32>
          %and3A_534 = arith.constant -65536 : i32
          %and3A_535 = vector.broadcast %and3A_534 : i32 to vector<16xi32>
          %and3A_536 = arith.andi %add3A_533, %and3A_535 : vector<16xi32>
          %bitcast3A_537 = vector.bitcast %and3A_536 : vector<16xi32> to vector<16xf32>
          %bitcast3A_538 = vector.bitcast %broadcast_in_dim3A_437 : vector<16xf32> to vector<16xi32>
          %add3A_539 = arith.constant 32767 : i32
          %add3A_540 = vector.broadcast %add3A_539 : i32 to vector<16xi32>
          %add3A_541 = arith.addi %bitcast3A_538, %add3A_540 : vector<16xi32>
          %shift_right_arithmetic3A_542 = arith.constant 16 : i32
          %shift_right_arithmetic3A_543 = vector.broadcast %shift_right_arithmetic3A_542 : i32 to vector<16xi32>
          %shift_right_arithmetic3A_544 = arith.shrsi %bitcast3A_538, %shift_right_arithmetic3A_543 : vector<16xi32>
          %and3A_545 = arith.constant 1 : i32
          %and3A_546 = vector.broadcast %and3A_545 : i32 to vector<16xi32>
          %and3A_547 = arith.andi %shift_right_arithmetic3A_544, %and3A_546 : vector<16xi32>
          %add3A_548 = arith.addi %add3A_541, %and3A_547 : vector<16xi32>
          %and3A_549 = arith.constant -65536 : i32
          %and3A_550 = vector.broadcast %and3A_549 : i32 to vector<16xi32>
          %and3A_551 = arith.andi %add3A_548, %and3A_550 : vector<16xi32>
          %bitcast3A_552 = vector.bitcast %and3A_551 : vector<16xi32> to vector<16xf32>
          %bitcast3A_553 = vector.bitcast %broadcast_in_dim3A_480 : vector<16xf32> to vector<16xi32>
          %add3A_554 = arith.constant 32767 : i32
          %add3A_555 = vector.broadcast %add3A_554 : i32 to vector<16xi32>
          %add3A_556 = arith.addi %bitcast3A_553, %add3A_555 : vector<16xi32>
          %shift_right_arithmetic3A_557 = arith.constant 16 : i32
          %shift_right_arithmetic3A_558 = vector.broadcast %shift_right_arithmetic3A_557 : i32 to vector<16xi32>
          %shift_right_arithmetic3A_559 = arith.shrsi %bitcast3A_553, %shift_right_arithmetic3A_558 : vector<16xi32>
          %and3A_560 = arith.constant 1 : i32
          %and3A_561 = vector.broadcast %and3A_560 : i32 to vector<16xi32>
          %and3A_562 = arith.andi %shift_right_arithmetic3A_559, %and3A_561 : vector<16xi32>
          %add3A_563 = arith.addi %add3A_556, %and3A_562 : vector<16xi32>
          %and3A_564 = arith.constant -65536 : i32
          %and3A_565 = vector.broadcast %and3A_564 : i32 to vector<16xi32>
          %and3A_566 = arith.andi %add3A_563, %and3A_565 : vector<16xi32>
          %bitcast3A_567 = vector.bitcast %and3A_566 : vector<16xi32> to vector<16xf32>
          %lt3A_568 = vector.broadcast %squeeze3A_162 : i32 to vector<16xi32>
          %lt3A_569 = arith.cmpi slt, %iota3A, %lt3A_568 : vector<16xi32>
          %gt3A_570 = vector.broadcast %squeeze3A_351 : i32 to vector<16xi32>
          %gt3A_571 = arith.cmpi sgt, %get3A_325, %gt3A_570 : vector<16xi32>
          %and3A_572 = arith.andi %lt3A_569, %gt3A_571 : vector<16xi1>
          %gather3A_573 = tpu.vector_load_idx %arg11[%get3A_325] : memref<10016xf32, #tpu.memory_space<vmem>>[vector<16xi32>], vector<16xf32>,
          %gather3A_574 = tpu.vector_load_idx %arg12[%get3A_325] : memref<10016xf32, #tpu.memory_space<vmem>>[vector<16xi32>], vector<16xf32>,
          %gather3A_575 = tpu.vector_load_idx %arg13[%get3A_325] : memref<10016xf32, #tpu.memory_space<vmem>>[vector<16xi32>], vector<16xf32>,
          %gather3A_576 = tpu.vector_load_idx %arg14[%get3A_325] : memref<10016xf32, #tpu.memory_space<vmem>>[vector<16xi32>], vector<16xf32>,
          %bitcast3A_577 = vector.bitcast %gather3A_573 : vector<16xf32> to vector<16xi32>
          %add3A_578 = arith.constant 32767 : i32
          %add3A_579 = vector.broadcast %add3A_578 : i32 to vector<16xi32>
          %add3A_580 = arith.addi %bitcast3A_577, %add3A_579 : vector<16xi32>
          %shift_right_arithmetic3A_581 = arith.constant 16 : i32
          %shift_right_arithmetic3A_582 = vector.broadcast %shift_right_arithmetic3A_581 : i32 to vector<16xi32>
          %shift_right_arithmetic3A_583 = arith.shrsi %bitcast3A_577, %shift_right_arithmetic3A_582 : vector<16xi32>
          %and3A_584 = arith.constant 1 : i32
          %and3A_585 = vector.broadcast %and3A_584 : i32 to vector<16xi32>
          %and3A_586 = arith.andi %shift_right_arithmetic3A_583, %and3A_585 : vector<16xi32>
          %add3A_587 = arith.addi %add3A_580, %and3A_586 : vector<16xi32>
          %and3A_588 = arith.constant -65536 : i32
          %and3A_589 = vector.broadcast %and3A_588 : i32 to vector<16xi32>
          %and3A_590 = arith.andi %add3A_587, %and3A_589 : vector<16xi32>
          %bitcast3A_591 = vector.bitcast %and3A_590 : vector<16xi32> to vector<16xf32>
          %bitcast3A_592 = vector.bitcast %gather3A_574 : vector<16xf32> to vector<16xi32>
          %add3A_593 = arith.constant 32767 : i32
          %add3A_594 = vector.broadcast %add3A_593 : i32 to vector<16xi32>
          %add3A_595 = arith.addi %bitcast3A_592, %add3A_594 : vector<16xi32>
          %shift_right_arithmetic3A_596 = arith.constant 16 : i32
          %shift_right_arithmetic3A_597 = vector.broadcast %shift_right_arithmetic3A_596 : i32 to vector<16xi32>
          %shift_right_arithmetic3A_598 = arith.shrsi %bitcast3A_592, %shift_right_arithmetic3A_597 : vector<16xi32>
          %and3A_599 = arith.constant 1 : i32
          %and3A_600 = vector.broadcast %and3A_599 : i32 to vector<16xi32>
          %and3A_601 = arith.andi %shift_right_arithmetic3A_598, %and3A_600 : vector<16xi32>
          %add3A_602 = arith.addi %add3A_595, %and3A_601 : vector<16xi32>
          %and3A_603 = arith.constant -65536 : i32
          %and3A_604 = vector.broadcast %and3A_603 : i32 to vector<16xi32>
          %and3A_605 = arith.andi %add3A_602, %and3A_604 : vector<16xi32>
          %bitcast3A_606 = vector.bitcast %and3A_605 : vector<16xi32> to vector<16xf32>
          %bitcast3A_607 = vector.bitcast %gather3A_575 : vector<16xf32> to vector<16xi32>
          %add3A_608 = arith.constant 32767 : i32
          %add3A_609 = vector.broadcast %add3A_608 : i32 to vector<16xi32>
          %add3A_610 = arith.addi %bitcast3A_607, %add3A_609 : vector<16xi32>
          %shift_right_arithmetic3A_611 = arith.constant 16 : i32
          %shift_right_arithmetic3A_612 = vector.broadcast %shift_right_arithmetic3A_611 : i32 to vector<16xi32>
          %shift_right_arithmetic3A_613 = arith.shrsi %bitcast3A_607, %shift_right_arithmetic3A_612 : vector<16xi32>
          %and3A_614 = arith.constant 1 : i32
          %and3A_615 = vector.broadcast %and3A_614 : i32 to vector<16xi32>
          %and3A_616 = arith.andi %shift_right_arithmetic3A_613, %and3A_615 : vector<16xi32>
          %add3A_617 = arith.addi %add3A_610, %and3A_616 : vector<16xi32>
          %and3A_618 = arith.constant -65536 : i32
          %and3A_619 = vector.broadcast %and3A_618 : i32 to vector<16xi32>
          %and3A_620 = arith.andi %add3A_617, %and3A_619 : vector<16xi32>
          %bitcast3A_621 = vector.bitcast %and3A_620 : vector<16xi32> to vector<16xf32>
          %mul3A_622 = arith.mulf %bitcast3A_537, %bitcast3A_591 : vector<16xf32>
          %mul3A_623 = arith.mulf %bitcast3A_552, %bitcast3A_606 : vector<16xf32>
          %add3A_624 = arith.addf %mul3A_622, %mul3A_623 : vector<16xf32>
          %mul3A_625 = arith.mulf %bitcast3A_567, %bitcast3A_621 : vector<16xf32>
          %add3A_626 = arith.addf %add3A_624, %mul3A_625 : vector<16xf32>
          %add3A_627 = arith.addf %broadcast_in_dim3A_523, %gather3A_576 : vector<16xf32>
          %mul3A_628 = arith.constant 2.000000e+00 : f32
          %mul3A_629 = vector.broadcast %mul3A_628 : f32 to vector<16xf32>
          %mul3A_630 = arith.mulf %mul3A_629, %add3A_626 : vector<16xf32>
          %sub3A_631 = arith.subf %add3A_627, %mul3A_630 : vector<16xf32>
          %gt3A_632 = arith.constant 1.0000001E-12 : f32
          %gt3A_633 = vector.broadcast %gt3A_632 : f32 to vector<16xf32>
          %gt3A_634 = arith.cmpf ogt, %sub3A_631, %gt3A_633 : vector<16xf32>
          %and3A_635 = arith.andi %and3A_572, %gt3A_634 : vector<16xi1>
          %lt3A_636 = arith.constant 0.00159999984 : f32
          %lt3A_637 = vector.broadcast %lt3A_636 : f32 to vector<16xf32>
          %lt3A_638 = arith.cmpf olt, %sub3A_631, %lt3A_637 : vector<16xf32>
          %and3A_639 = arith.andi %and3A_635, %lt3A_638 : vector<16xi1>
          %sub3A_640 = arith.subf %broadcast_in_dim3A_394, %gather3A_573 : vector<16xf32>
          %sub3A_641 = arith.subf %broadcast_in_dim3A_437, %gather3A_574 : vector<16xf32>
          %sub3A_642 = arith.subf %broadcast_in_dim3A_480, %gather3A_575 : vector<16xf32>
          %mul3A_643 = arith.mulf %sub3A_640, %sub3A_640 : vector<16xf32>
          %mul3A_644 = arith.mulf %sub3A_641, %sub3A_641 : vector<16xf32>
          %add3A_645 = arith.addf %mul3A_643, %mul3A_644 : vector<16xf32>
          %mul3A_646 = arith.mulf %sub3A_642, %sub3A_642 : vector<16xf32>
          %add3A_647 = arith.addf %add3A_645, %mul3A_646 : vector<16xf32>
          %div3A_648 = arith.constant 1.000000e+00 : f32
          %div3A_649 = vector.broadcast %div3A_648 : f32 to vector<16xf32>
          %div3A_650 = arith.divf %div3A_649, %add3A_647 : vector<16xf32>
          %mul3A_651 = arith.mulf %div3A_650, %div3A_650 : vector<16xf32>
          %mul3A_652 = arith.mulf %mul3A_651, %div3A_650 : vector<16xf32>
          %mul3A_653 = vector.broadcast %squeeze3A : f32 to vector<16xf32>
          %mul3A_654 = arith.mulf %mul3A_653, %mul3A_652 : vector<16xf32>
          %sub3A_655 = vector.broadcast %squeeze3A_107 : f32 to vector<16xf32>
          %sub3A_656 = arith.subf %mul3A_654, %sub3A_655 : vector<16xf32>
          %mul3A_657 = arith.mulf %mul3A_652, %sub3A_656 : vector<16xf32>
          %jit3A_658 = arith.constant 0.000000e+00 : f32
          %broadcast_in_dim3A_659 = vector.broadcast %jit3A_658 : f32 to vector<16xf32>
          %select_n3A_660 = arith.select %and3A_639, %mul3A_657, %broadcast_in_dim3A_659 : vector<16xi1>, vector<16xf32>
          %add3A_661 = arith.addf %while3A_338, %select_n3A_660 : vector<16xf32>
          %while3A_662 = arith.constant 0 : i32
          %while3A_663 = arith.subi %select_n3A_321, %while3A_662 : i32
          %while3A_664 = arith.addi %while3A_662, %while3A_663 : i32
          %while3A_665 = arith.constant 1 : i32
          %while3A_666 = arith.divsi %while3A_663, %while3A_665 : i32
          %while3A_667 = arith.muli %while3A_666, %while3A_665 : i32
          %while3A_668 = arith.addi %while3A_662, %while3A_667 : i32
          %while3A_669 = arith.constant 1 : i32
          %while3A_670 = scf.for %while3A_673 = %while3A_662 to %while3A_668 step %while3A_669 iter_args(%while3A_674 = %add3A_661) -> (vector<16xf32>)  : i32 {
            %mul3A_675 = arith.constant 16 : i32
            %mul3A_676 = arith.muli %while3A_673, %mul3A_675 : i32
            %get3A_677 = arith.index_cast %mul3A_676 : i32 to index
            %get3A_678 = tpu.vector_load %arg21[%get3A_677] {strides = array<i32>} : memref<256xi32, #tpu.memory_space<vmem>>, vector<16xi32>,
            %mul3A_679 = arith.constant 16 : i32
            %mul3A_680 = arith.muli %while3A_673, %mul3A_679 : i32
            %sub3A_681 = arith.subi %while3A_295, %mul3A_680 : i32
            %lt3A_682 = vector.broadcast %sub3A_681 : i32 to vector<16xi32>
            %lt3A_683 = arith.cmpi slt, %iota3A, %lt3A_682 : vector<16xi32>
            %gather3A_684 = tpu.vector_load_idx %arg11[%get3A_678] : memref<10016xf32, #tpu.memory_space<vmem>>[vector<16xi32>], vector<16xf32>,
            %gather3A_685 = tpu.vector_load_idx %arg12[%get3A_678] : memref<10016xf32, #tpu.memory_space<vmem>>[vector<16xi32>], vector<16xf32>,
            %gather3A_686 = tpu.vector_load_idx %arg13[%get3A_678] : memref<10016xf32, #tpu.memory_space<vmem>>[vector<16xi32>], vector<16xf32>,
            %gather3A_687 = tpu.vector_load_idx %arg14[%get3A_678] : memref<10016xf32, #tpu.memory_space<vmem>>[vector<16xi32>], vector<16xf32>,
            %bitcast3A_688 = vector.bitcast %gather3A_684 : vector<16xf32> to vector<16xi32>
            %add3A_689 = arith.constant 32767 : i32
            %add3A_690 = vector.broadcast %add3A_689 : i32 to vector<16xi32>
            %add3A_691 = arith.addi %bitcast3A_688, %add3A_690 : vector<16xi32>
            %shift_right_arithmetic3A_692 = arith.constant 16 : i32
            %shift_right_arithmetic3A_693 = vector.broadcast %shift_right_arithmetic3A_692 : i32 to vector<16xi32>
            %shift_right_arithmetic3A_694 = arith.shrsi %bitcast3A_688, %shift_right_arithmetic3A_693 : vector<16xi32>
            %and3A_695 = arith.constant 1 : i32
            %and3A_696 = vector.broadcast %and3A_695 : i32 to vector<16xi32>
            %and3A_697 = arith.andi %shift_right_arithmetic3A_694, %and3A_696 : vector<16xi32>
            %add3A_698 = arith.addi %add3A_691, %and3A_697 : vector<16xi32>
            %and3A_699 = arith.constant -65536 : i32
            %and3A_700 = vector.broadcast %and3A_699 : i32 to vector<16xi32>
            %and3A_701 = arith.andi %add3A_698, %and3A_700 : vector<16xi32>
            %bitcast3A_702 = vector.bitcast %and3A_701 : vector<16xi32> to vector<16xf32>
            %bitcast3A_703 = vector.bitcast %gather3A_685 : vector<16xf32> to vector<16xi32>
            %add3A_704 = arith.constant 32767 : i32
            %add3A_705 = vector.broadcast %add3A_704 : i32 to vector<16xi32>
            %add3A_706 = arith.addi %bitcast3A_703, %add3A_705 : vector<16xi32>
            %shift_right_arithmetic3A_707 = arith.constant 16 : i32
            %shift_right_arithmetic3A_708 = vector.broadcast %shift_right_arithmetic3A_707 : i32 to vector<16xi32>
            %shift_right_arithmetic3A_709 = arith.shrsi %bitcast3A_703, %shift_right_arithmetic3A_708 : vector<16xi32>
            %and3A_710 = arith.constant 1 : i32
            %and3A_711 = vector.broadcast %and3A_710 : i32 to vector<16xi32>
            %and3A_712 = arith.andi %shift_right_arithmetic3A_709, %and3A_711 : vector<16xi32>
            %add3A_713 = arith.addi %add3A_706, %and3A_712 : vector<16xi32>
            %and3A_714 = arith.constant -65536 : i32
            %and3A_715 = vector.broadcast %and3A_714 : i32 to vector<16xi32>
            %and3A_716 = arith.andi %add3A_713, %and3A_715 : vector<16xi32>
            %bitcast3A_717 = vector.bitcast %and3A_716 : vector<16xi32> to vector<16xf32>
            %bitcast3A_718 = vector.bitcast %gather3A_686 : vector<16xf32> to vector<16xi32>
            %add3A_719 = arith.constant 32767 : i32
            %add3A_720 = vector.broadcast %add3A_719 : i32 to vector<16xi32>
            %add3A_721 = arith.addi %bitcast3A_718, %add3A_720 : vector<16xi32>
            %shift_right_arithmetic3A_722 = arith.constant 16 : i32
            %shift_right_arithmetic3A_723 = vector.broadcast %shift_right_arithmetic3A_722 : i32 to vector<16xi32>
            %shift_right_arithmetic3A_724 = arith.shrsi %bitcast3A_718, %shift_right_arithmetic3A_723 : vector<16xi32>
            %and3A_725 = arith.constant 1 : i32
            %and3A_726 = vector.broadcast %and3A_725 : i32 to vector<16xi32>
            %and3A_727 = arith.andi %shift_right_arithmetic3A_724, %and3A_726 : vector<16xi32>
            %add3A_728 = arith.addi %add3A_721, %and3A_727 : vector<16xi32>
            %and3A_729 = arith.constant -65536 : i32
            %and3A_730 = vector.broadcast %and3A_729 : i32 to vector<16xi32>
            %and3A_731 = arith.andi %add3A_728, %and3A_730 : vector<16xi32>
            %bitcast3A_732 = vector.bitcast %and3A_731 : vector<16xi32> to vector<16xf32>
            %mul3A_733 = arith.mulf %bitcast3A_537, %bitcast3A_702 : vector<16xf32>
            %mul3A_734 = arith.mulf %bitcast3A_552, %bitcast3A_717 : vector<16xf32>
            %add3A_735 = arith.addf %mul3A_733, %mul3A_734 : vector<16xf32>
            %mul3A_736 = arith.mulf %bitcast3A_567, %bitcast3A_732 : vector<16xf32>
            %add3A_737 = arith.addf %add3A_735, %mul3A_736 : vector<16xf32>
            %add3A_738 = arith.addf %broadcast_in_dim3A_523, %gather3A_687 : vector<16xf32>
            %mul3A_739 = arith.constant 2.000000e+00 : f32
            %mul3A_740 = vector.broadcast %mul3A_739 : f32 to vector<16xf32>
            %mul3A_741 = arith.mulf %mul3A_740, %add3A_737 : vector<16xf32>
            %sub3A_742 = arith.subf %add3A_738, %mul3A_741 : vector<16xf32>
            %gt3A_743 = arith.constant 1.0000001E-12 : f32
            %gt3A_744 = vector.broadcast %gt3A_743 : f32 to vector<16xf32>
            %gt3A_745 = arith.cmpf ogt, %sub3A_742, %gt3A_744 : vector<16xf32>
            %and3A_746 = arith.andi %lt3A_683, %gt3A_745 : vector<16xi1>
            %lt3A_747 = arith.constant 0.00159999984 : f32
            %lt3A_748 = vector.broadcast %lt3A_747 : f32 to vector<16xf32>
            %lt3A_749 = arith.cmpf olt, %sub3A_742, %lt3A_748 : vector<16xf32>
            %and3A_750 = arith.andi %and3A_746, %lt3A_749 : vector<16xi1>
            %sub3A_751 = arith.subf %broadcast_in_dim3A_394, %gather3A_684 : vector<16xf32>
            %sub3A_752 = arith.subf %broadcast_in_dim3A_437, %gather3A_685 : vector<16xf32>
            %sub3A_753 = arith.subf %broadcast_in_dim3A_480, %gather3A_686 : vector<16xf32>
            %mul3A_754 = arith.mulf %sub3A_751, %sub3A_751 : vector<16xf32>
            %mul3A_755 = arith.mulf %sub3A_752, %sub3A_752 : vector<16xf32>
            %add3A_756 = arith.addf %mul3A_754, %mul3A_755 : vector<16xf32>
            %mul3A_757 = arith.mulf %sub3A_753, %sub3A_753 : vector<16xf32>
            %add3A_758 = arith.addf %add3A_756, %mul3A_757 : vector<16xf32>
            %div3A_759 = arith.constant 1.000000e+00 : f32
            %div3A_760 = vector.broadcast %div3A_759 : f32 to vector<16xf32>
            %div3A_761 = arith.divf %div3A_760, %add3A_758 : vector<16xf32>
            %mul3A_762 = arith.mulf %div3A_761, %div3A_761 : vector<16xf32>
            %mul3A_763 = arith.mulf %mul3A_762, %div3A_761 : vector<16xf32>
            %mul3A_764 = vector.broadcast %squeeze3A : f32 to vector<16xf32>
            %mul3A_765 = arith.mulf %mul3A_764, %mul3A_763 : vector<16xf32>
            %sub3A_766 = vector.broadcast %squeeze3A_107 : f32 to vector<16xf32>
            %sub3A_767 = arith.subf %mul3A_765, %sub3A_766 : vector<16xf32>
            %mul3A_768 = arith.mulf %mul3A_763, %sub3A_767 : vector<16xf32>
            %jit3A_769 = arith.constant 0.000000e+00 : f32
            %broadcast_in_dim3A_770 = vector.broadcast %jit3A_769 : f32 to vector<16xf32>
            %select_n3A_771 = arith.select %and3A_750, %mul3A_768, %broadcast_in_dim3A_770 : vector<16xi1>, vector<16xf32>
            %add3A_772 = arith.addf %while3A_674, %select_n3A_771 : vector<16xf32>
            scf.yield %add3A_772 : vector<16xf32>
          }
          %while3A_671 = arith.constant 1 : i32
          %while3A_672 = scf.for %while3A_673 = %while3A_668 to %while3A_664 step %while3A_671 iter_args(%while3A_674 = %while3A_670) -> (vector<16xf32>)  : i32 {
            %mul3A_675 = arith.constant 16 : i32
            %mul3A_676 = arith.muli %while3A_673, %mul3A_675 : i32
            %get3A_677 = arith.index_cast %mul3A_676 : i32 to index
            %get3A_678 = tpu.vector_load %arg21[%get3A_677] {strides = array<i32>} : memref<256xi32, #tpu.memory_space<vmem>>, vector<16xi32>,
            %mul3A_679 = arith.constant 16 : i32
            %mul3A_680 = arith.muli %while3A_673, %mul3A_679 : i32
            %sub3A_681 = arith.subi %while3A_295, %mul3A_680 : i32
            %lt3A_682 = vector.broadcast %sub3A_681 : i32 to vector<16xi32>
            %lt3A_683 = arith.cmpi slt, %iota3A, %lt3A_682 : vector<16xi32>
            %gather3A_684 = tpu.vector_load_idx %arg11[%get3A_678] : memref<10016xf32, #tpu.memory_space<vmem>>[vector<16xi32>], vector<16xf32>,
            %gather3A_685 = tpu.vector_load_idx %arg12[%get3A_678] : memref<10016xf32, #tpu.memory_space<vmem>>[vector<16xi32>], vector<16xf32>,
            %gather3A_686 = tpu.vector_load_idx %arg13[%get3A_678] : memref<10016xf32, #tpu.memory_space<vmem>>[vector<16xi32>], vector<16xf32>,
            %gather3A_687 = tpu.vector_load_idx %arg14[%get3A_678] : memref<10016xf32, #tpu.memory_space<vmem>>[vector<16xi32>], vector<16xf32>,
            %bitcast3A_688 = vector.bitcast %gather3A_684 : vector<16xf32> to vector<16xi32>
            %add3A_689 = arith.constant 32767 : i32
            %add3A_690 = vector.broadcast %add3A_689 : i32 to vector<16xi32>
            %add3A_691 = arith.addi %bitcast3A_688, %add3A_690 : vector<16xi32>
            %shift_right_arithmetic3A_692 = arith.constant 16 : i32
            %shift_right_arithmetic3A_693 = vector.broadcast %shift_right_arithmetic3A_692 : i32 to vector<16xi32>
            %shift_right_arithmetic3A_694 = arith.shrsi %bitcast3A_688, %shift_right_arithmetic3A_693 : vector<16xi32>
            %and3A_695 = arith.constant 1 : i32
            %and3A_696 = vector.broadcast %and3A_695 : i32 to vector<16xi32>
            %and3A_697 = arith.andi %shift_right_arithmetic3A_694, %and3A_696 : vector<16xi32>
            %add3A_698 = arith.addi %add3A_691, %and3A_697 : vector<16xi32>
            %and3A_699 = arith.constant -65536 : i32
            %and3A_700 = vector.broadcast %and3A_699 : i32 to vector<16xi32>
            %and3A_701 = arith.andi %add3A_698, %and3A_700 : vector<16xi32>
            %bitcast3A_702 = vector.bitcast %and3A_701 : vector<16xi32> to vector<16xf32>
            %bitcast3A_703 = vector.bitcast %gather3A_685 : vector<16xf32> to vector<16xi32>
            %add3A_704 = arith.constant 32767 : i32
            %add3A_705 = vector.broadcast %add3A_704 : i32 to vector<16xi32>
            %add3A_706 = arith.addi %bitcast3A_703, %add3A_705 : vector<16xi32>
            %shift_right_arithmetic3A_707 = arith.constant 16 : i32
            %shift_right_arithmetic3A_708 = vector.broadcast %shift_right_arithmetic3A_707 : i32 to vector<16xi32>
            %shift_right_arithmetic3A_709 = arith.shrsi %bitcast3A_703, %shift_right_arithmetic3A_708 : vector<16xi32>
            %and3A_710 = arith.constant 1 : i32
            %and3A_711 = vector.broadcast %and3A_710 : i32 to vector<16xi32>
            %and3A_712 = arith.andi %shift_right_arithmetic3A_709, %and3A_711 : vector<16xi32>
            %add3A_713 = arith.addi %add3A_706, %and3A_712 : vector<16xi32>
            %and3A_714 = arith.constant -65536 : i32
            %and3A_715 = vector.broadcast %and3A_714 : i32 to vector<16xi32>
            %and3A_716 = arith.andi %add3A_713, %and3A_715 : vector<16xi32>
            %bitcast3A_717 = vector.bitcast %and3A_716 : vector<16xi32> to vector<16xf32>
            %bitcast3A_718 = vector.bitcast %gather3A_686 : vector<16xf32> to vector<16xi32>
            %add3A_719 = arith.constant 32767 : i32
            %add3A_720 = vector.broadcast %add3A_719 : i32 to vector<16xi32>
            %add3A_721 = arith.addi %bitcast3A_718, %add3A_720 : vector<16xi32>
            %shift_right_arithmetic3A_722 = arith.constant 16 : i32
            %shift_right_arithmetic3A_723 = vector.broadcast %shift_right_arithmetic3A_722 : i32 to vector<16xi32>
            %shift_right_arithmetic3A_724 = arith.shrsi %bitcast3A_718, %shift_right_arithmetic3A_723 : vector<16xi32>
            %and3A_725 = arith.constant 1 : i32
            %and3A_726 = vector.broadcast %and3A_725 : i32 to vector<16xi32>
            %and3A_727 = arith.andi %shift_right_arithmetic3A_724, %and3A_726 : vector<16xi32>
            %add3A_728 = arith.addi %add3A_721, %and3A_727 : vector<16xi32>
            %and3A_729 = arith.constant -65536 : i32
            %and3A_730 = vector.broadcast %and3A_729 : i32 to vector<16xi32>
            %and3A_731 = arith.andi %add3A_728, %and3A_730 : vector<16xi32>
            %bitcast3A_732 = vector.bitcast %and3A_731 : vector<16xi32> to vector<16xf32>
            %mul3A_733 = arith.mulf %bitcast3A_537, %bitcast3A_702 : vector<16xf32>
            %mul3A_734 = arith.mulf %bitcast3A_552, %bitcast3A_717 : vector<16xf32>
            %add3A_735 = arith.addf %mul3A_733, %mul3A_734 : vector<16xf32>
            %mul3A_736 = arith.mulf %bitcast3A_567, %bitcast3A_732 : vector<16xf32>
            %add3A_737 = arith.addf %add3A_735, %mul3A_736 : vector<16xf32>
            %add3A_738 = arith.addf %broadcast_in_dim3A_523, %gather3A_687 : vector<16xf32>
            %mul3A_739 = arith.constant 2.000000e+00 : f32
            %mul3A_740 = vector.broadcast %mul3A_739 : f32 to vector<16xf32>
            %mul3A_741 = arith.mulf %mul3A_740, %add3A_737 : vector<16xf32>
            %sub3A_742 = arith.subf %add3A_738, %mul3A_741 : vector<16xf32>
            %gt3A_743 = arith.constant 1.0000001E-12 : f32
            %gt3A_744 = vector.broadcast %gt3A_743 : f32 to vector<16xf32>
            %gt3A_745 = arith.cmpf ogt, %sub3A_742, %gt3A_744 : vector<16xf32>
            %and3A_746 = arith.andi %lt3A_683, %gt3A_745 : vector<16xi1>
            %lt3A_747 = arith.constant 0.00159999984 : f32
            %lt3A_748 = vector.broadcast %lt3A_747 : f32 to vector<16xf32>
            %lt3A_749 = arith.cmpf olt, %sub3A_742, %lt3A_748 : vector<16xf32>
            %and3A_750 = arith.andi %and3A_746, %lt3A_749 : vector<16xi1>
            %sub3A_751 = arith.subf %broadcast_in_dim3A_394, %gather3A_684 : vector<16xf32>
            %sub3A_752 = arith.subf %broadcast_in_dim3A_437, %gather3A_685 : vector<16xf32>
            %sub3A_753 = arith.subf %broadcast_in_dim3A_480, %gather3A_686 : vector<16xf32>
            %mul3A_754 = arith.mulf %sub3A_751, %sub3A_751 : vector<16xf32>
            %mul3A_755 = arith.mulf %sub3A_752, %sub3A_752 : vector<16xf32>
            %add3A_756 = arith.addf %mul3A_754, %mul3A_755 : vector<16xf32>
            %mul3A_757 = arith.mulf %sub3A_753, %sub3A_753 : vector<16xf32>
            %add3A_758 = arith.addf %add3A_756, %mul3A_757 : vector<16xf32>
            %div3A_759 = arith.constant 1.000000e+00 : f32
            %div3A_760 = vector.broadcast %div3A_759 : f32 to vector<16xf32>
            %div3A_761 = arith.divf %div3A_760, %add3A_758 : vector<16xf32>
            %mul3A_762 = arith.mulf %div3A_761, %div3A_761 : vector<16xf32>
            %mul3A_763 = arith.mulf %mul3A_762, %div3A_761 : vector<16xf32>
            %mul3A_764 = vector.broadcast %squeeze3A : f32 to vector<16xf32>
            %mul3A_765 = arith.mulf %mul3A_764, %mul3A_763 : vector<16xf32>
            %sub3A_766 = vector.broadcast %squeeze3A_107 : f32 to vector<16xf32>
            %sub3A_767 = arith.subf %mul3A_765, %sub3A_766 : vector<16xf32>
            %mul3A_768 = arith.mulf %mul3A_763, %sub3A_767 : vector<16xf32>
            %jit3A_769 = arith.constant 0.000000e+00 : f32
            %broadcast_in_dim3A_770 = vector.broadcast %jit3A_769 : f32 to vector<16xf32>
            %select_n3A_771 = arith.select %and3A_750, %mul3A_768, %broadcast_in_dim3A_770 : vector<16xi1>, vector<16xf32>
            %add3A_772 = arith.addf %while3A_674, %select_n3A_771 : vector<16xf32>
            scf.yield %add3A_772 : vector<16xf32>
          }
          scf.yield %while3A_672 : vector<16xf32>
        }
        %while3A_335 = arith.constant 1 : i32
        %while3A_336 = scf.for %while3A_337 = %while3A_332 to %while3A_328 step %while3A_335 iter_args(%while3A_338 = %while3A_334) -> (vector<16xf32>)  : i32 {
          %broadcast_in_dim3A_339 = vector.broadcast %while3A_337 : i32 to vector<16xi32>
          %lt3A_340 = arith.constant 0 : i32
          %lt3A_341 = vector.broadcast %lt3A_340 : i32 to vector<16xi32>
          %lt3A_342 = arith.cmpi slt, %broadcast_in_dim3A_339, %lt3A_341 : vector<16xi32>
          %add3A_343 = arith.constant 16 : i32
          %add3A_344 = vector.broadcast %add3A_343 : i32 to vector<16xi32>
          %add3A_345 = arith.addi %broadcast_in_dim3A_339, %add3A_344 : vector<16xi32>
          %select_n3A_346 = arith.select %lt3A_342, %add3A_345, %broadcast_in_dim3A_339 : vector<16xi1>, vector<16xi32>
          %reshape3A_347 = vector.shape_cast %select_n3A_346 : vector<16xi32> to vector<16x1xi32>
          %gather3A_348 = vector.shape_cast %reshape3A_347 : vector<16x1xi32> to vector<16xi32>
          %gather3A_349 = tpu.dynamic_gather %get3A_325[%gather3A_348] in [0] : vector<16xi32>, vector<16xi32> -> vector<16xi32>
          %slice3A_350 = vector.extract_strided_slice %gather3A_349 {offsets = [0], sizes = [1], strides = [1]} : vector<16xi32> to vector<1xi32>
          %squeeze3A_351 = vector.extract %slice3A_350[0] : i32 from vector<1xi32>
          %jit3A_352 = arith.constant 16 : i32
          %div3A_353 = arith.divsi %squeeze3A_351, %jit3A_352 : i32
          %sign3A_354 = arith.constant 0 : i32
          %sign3A_355 = arith.cmpi sgt, %squeeze3A_351, %sign3A_354 : i32
          %sign3A_356 = arith.extui %sign3A_355 : i1 to i32
          %sign3A_357 = arith.constant 0 : i32
          %sign3A_358 = arith.cmpi slt, %squeeze3A_351, %sign3A_357 : i32
          %sign3A_359 = arith.extui %sign3A_358 : i1 to i32
          %sign3A_360 = arith.subi %sign3A_356, %sign3A_359 : i32
          %sign3A_361 = arith.constant 0 : i32
          %sign3A_362 = arith.cmpi sgt, %jit3A_352, %sign3A_361 : i32
          %sign3A_363 = arith.extui %sign3A_362 : i1 to i32
          %sign3A_364 = arith.constant 0 : i32
          %sign3A_365 = arith.cmpi slt, %jit3A_352, %sign3A_364 : i32
          %sign3A_366 = arith.extui %sign3A_365 : i1 to i32
          %sign3A_367 = arith.subi %sign3A_363, %sign3A_366 : i32
          %ne3A_368 = arith.cmpi ne, %sign3A_360, %sign3A_367 : i32
          %rem3A_369 = arith.remsi %squeeze3A_351, %jit3A_352 : i32
          %ne3A_370 = arith.constant 0 : i32
          %ne3A_371 = arith.cmpi ne, %rem3A_369, %ne3A_370 : i32
          %and3A_372 = arith.andi %ne3A_368, %ne3A_371 : i1
          %sub3A_373 = arith.constant 1 : i32
          %sub3A_374 = arith.subi %div3A_353, %sub3A_373 : i32
          %select_n3A_375 = arith.select %and3A_372, %sub3A_374, %div3A_353 : i32
          %mul3A_376 = arith.constant 16 : i32
          %mul3A_377 = arith.muli %select_n3A_375, %mul3A_376 : i32
          %get3A_378 = arith.index_cast %mul3A_377 : i32 to index
          %get3A_379 = tpu.vector_load %arg11[%get3A_378] {strides = array<i32>} : memref<10016xf32, #tpu.memory_space<vmem>>, vector<16xf32>,
          %sub3A_380 = arith.subi %squeeze3A_351, %mul3A_377 : i32
          %broadcast_in_dim3A_381 = vector.broadcast %sub3A_380 : i32 to vector<16xi32>
          %lt3A_382 = arith.constant 0 : i32
          %lt3A_383 = vector.broadcast %lt3A_382 : i32 to vector<16xi32>
          %lt3A_384 = arith.cmpi slt, %broadcast_in_dim3A_381, %lt3A_383 : vector<16xi32>
          %add3A_385 = arith.constant 16 : i32
          %add3A_386 = vector.broadcast %add3A_385 : i32 to vector<16xi32>
          %add3A_387 = arith.addi %broadcast_in_dim3A_381, %add3A_386 : vector<16xi32>
          %select_n3A_388 = arith.select %lt3A_384, %add3A_387, %broadcast_in_dim3A_381 : vector<16xi1>, vector<16xi32>
          %reshape3A_389 = vector.shape_cast %select_n3A_388 : vector<16xi32> to vector<16x1xi32>
          %gather3A_390 = vector.shape_cast %reshape3A_389 : vector<16x1xi32> to vector<16xi32>
          %gather3A_391 = tpu.dynamic_gather %get3A_379[%gather3A_390] in [0] : vector<16xf32>, vector<16xi32> -> vector<16xf32>
          %slice3A_392 = vector.extract_strided_slice %gather3A_391 {offsets = [0], sizes = [1], strides = [1]} : vector<16xf32> to vector<1xf32>
          %squeeze3A_393 = vector.extract %slice3A_392[0] : f32 from vector<1xf32>
          %broadcast_in_dim3A_394 = vector.broadcast %squeeze3A_393 : f32 to vector<16xf32>
          %jit3A_395 = arith.constant 16 : i32
          %div3A_396 = arith.divsi %squeeze3A_351, %jit3A_395 : i32
          %sign3A_397 = arith.constant 0 : i32
          %sign3A_398 = arith.cmpi sgt, %squeeze3A_351, %sign3A_397 : i32
          %sign3A_399 = arith.extui %sign3A_398 : i1 to i32
          %sign3A_400 = arith.constant 0 : i32
          %sign3A_401 = arith.cmpi slt, %squeeze3A_351, %sign3A_400 : i32
          %sign3A_402 = arith.extui %sign3A_401 : i1 to i32
          %sign3A_403 = arith.subi %sign3A_399, %sign3A_402 : i32
          %sign3A_404 = arith.constant 0 : i32
          %sign3A_405 = arith.cmpi sgt, %jit3A_395, %sign3A_404 : i32
          %sign3A_406 = arith.extui %sign3A_405 : i1 to i32
          %sign3A_407 = arith.constant 0 : i32
          %sign3A_408 = arith.cmpi slt, %jit3A_395, %sign3A_407 : i32
          %sign3A_409 = arith.extui %sign3A_408 : i1 to i32
          %sign3A_410 = arith.subi %sign3A_406, %sign3A_409 : i32
          %ne3A_411 = arith.cmpi ne, %sign3A_403, %sign3A_410 : i32
          %rem3A_412 = arith.remsi %squeeze3A_351, %jit3A_395 : i32
          %ne3A_413 = arith.constant 0 : i32
          %ne3A_414 = arith.cmpi ne, %rem3A_412, %ne3A_413 : i32
          %and3A_415 = arith.andi %ne3A_411, %ne3A_414 : i1
          %sub3A_416 = arith.constant 1 : i32
          %sub3A_417 = arith.subi %div3A_396, %sub3A_416 : i32
          %select_n3A_418 = arith.select %and3A_415, %sub3A_417, %div3A_396 : i32
          %mul3A_419 = arith.constant 16 : i32
          %mul3A_420 = arith.muli %select_n3A_418, %mul3A_419 : i32
          %get3A_421 = arith.index_cast %mul3A_420 : i32 to index
          %get3A_422 = tpu.vector_load %arg12[%get3A_421] {strides = array<i32>} : memref<10016xf32, #tpu.memory_space<vmem>>, vector<16xf32>,
          %sub3A_423 = arith.subi %squeeze3A_351, %mul3A_420 : i32
          %broadcast_in_dim3A_424 = vector.broadcast %sub3A_423 : i32 to vector<16xi32>
          %lt3A_425 = arith.constant 0 : i32
          %lt3A_426 = vector.broadcast %lt3A_425 : i32 to vector<16xi32>
          %lt3A_427 = arith.cmpi slt, %broadcast_in_dim3A_424, %lt3A_426 : vector<16xi32>
          %add3A_428 = arith.constant 16 : i32
          %add3A_429 = vector.broadcast %add3A_428 : i32 to vector<16xi32>
          %add3A_430 = arith.addi %broadcast_in_dim3A_424, %add3A_429 : vector<16xi32>
          %select_n3A_431 = arith.select %lt3A_427, %add3A_430, %broadcast_in_dim3A_424 : vector<16xi1>, vector<16xi32>
          %reshape3A_432 = vector.shape_cast %select_n3A_431 : vector<16xi32> to vector<16x1xi32>
          %gather3A_433 = vector.shape_cast %reshape3A_432 : vector<16x1xi32> to vector<16xi32>
          %gather3A_434 = tpu.dynamic_gather %get3A_422[%gather3A_433] in [0] : vector<16xf32>, vector<16xi32> -> vector<16xf32>
          %slice3A_435 = vector.extract_strided_slice %gather3A_434 {offsets = [0], sizes = [1], strides = [1]} : vector<16xf32> to vector<1xf32>
          %squeeze3A_436 = vector.extract %slice3A_435[0] : f32 from vector<1xf32>
          %broadcast_in_dim3A_437 = vector.broadcast %squeeze3A_436 : f32 to vector<16xf32>
          %jit3A_438 = arith.constant 16 : i32
          %div3A_439 = arith.divsi %squeeze3A_351, %jit3A_438 : i32
          %sign3A_440 = arith.constant 0 : i32
          %sign3A_441 = arith.cmpi sgt, %squeeze3A_351, %sign3A_440 : i32
          %sign3A_442 = arith.extui %sign3A_441 : i1 to i32
          %sign3A_443 = arith.constant 0 : i32
          %sign3A_444 = arith.cmpi slt, %squeeze3A_351, %sign3A_443 : i32
          %sign3A_445 = arith.extui %sign3A_444 : i1 to i32
          %sign3A_446 = arith.subi %sign3A_442, %sign3A_445 : i32
          %sign3A_447 = arith.constant 0 : i32
          %sign3A_448 = arith.cmpi sgt, %jit3A_438, %sign3A_447 : i32
          %sign3A_449 = arith.extui %sign3A_448 : i1 to i32
          %sign3A_450 = arith.constant 0 : i32
          %sign3A_451 = arith.cmpi slt, %jit3A_438, %sign3A_450 : i32
          %sign3A_452 = arith.extui %sign3A_451 : i1 to i32
          %sign3A_453 = arith.subi %sign3A_449, %sign3A_452 : i32
          %ne3A_454 = arith.cmpi ne, %sign3A_446, %sign3A_453 : i32
          %rem3A_455 = arith.remsi %squeeze3A_351, %jit3A_438 : i32
          %ne3A_456 = arith.constant 0 : i32
          %ne3A_457 = arith.cmpi ne, %rem3A_455, %ne3A_456 : i32
          %and3A_458 = arith.andi %ne3A_454, %ne3A_457 : i1
          %sub3A_459 = arith.constant 1 : i32
          %sub3A_460 = arith.subi %div3A_439, %sub3A_459 : i32
          %select_n3A_461 = arith.select %and3A_458, %sub3A_460, %div3A_439 : i32
          %mul3A_462 = arith.constant 16 : i32
          %mul3A_463 = arith.muli %select_n3A_461, %mul3A_462 : i32
          %get3A_464 = arith.index_cast %mul3A_463 : i32 to index
          %get3A_465 = tpu.vector_load %arg13[%get3A_464] {strides = array<i32>} : memref<10016xf32, #tpu.memory_space<vmem>>, vector<16xf32>,
          %sub3A_466 = arith.subi %squeeze3A_351, %mul3A_463 : i32
          %broadcast_in_dim3A_467 = vector.broadcast %sub3A_466 : i32 to vector<16xi32>
          %lt3A_468 = arith.constant 0 : i32
          %lt3A_469 = vector.broadcast %lt3A_468 : i32 to vector<16xi32>
          %lt3A_470 = arith.cmpi slt, %broadcast_in_dim3A_467, %lt3A_469 : vector<16xi32>
          %add3A_471 = arith.constant 16 : i32
          %add3A_472 = vector.broadcast %add3A_471 : i32 to vector<16xi32>
          %add3A_473 = arith.addi %broadcast_in_dim3A_467, %add3A_472 : vector<16xi32>
          %select_n3A_474 = arith.select %lt3A_470, %add3A_473, %broadcast_in_dim3A_467 : vector<16xi1>, vector<16xi32>
          %reshape3A_475 = vector.shape_cast %select_n3A_474 : vector<16xi32> to vector<16x1xi32>
          %gather3A_476 = vector.shape_cast %reshape3A_475 : vector<16x1xi32> to vector<16xi32>
          %gather3A_477 = tpu.dynamic_gather %get3A_465[%gather3A_476] in [0] : vector<16xf32>, vector<16xi32> -> vector<16xf32>
          %slice3A_478 = vector.extract_strided_slice %gather3A_477 {offsets = [0], sizes = [1], strides = [1]} : vector<16xf32> to vector<1xf32>
          %squeeze3A_479 = vector.extract %slice3A_478[0] : f32 from vector<1xf32>
          %broadcast_in_dim3A_480 = vector.broadcast %squeeze3A_479 : f32 to vector<16xf32>
          %jit3A_481 = arith.constant 16 : i32
          %div3A_482 = arith.divsi %squeeze3A_351, %jit3A_481 : i32
          %sign3A_483 = arith.constant 0 : i32
          %sign3A_484 = arith.cmpi sgt, %squeeze3A_351, %sign3A_483 : i32
          %sign3A_485 = arith.extui %sign3A_484 : i1 to i32
          %sign3A_486 = arith.constant 0 : i32
          %sign3A_487 = arith.cmpi slt, %squeeze3A_351, %sign3A_486 : i32
          %sign3A_488 = arith.extui %sign3A_487 : i1 to i32
          %sign3A_489 = arith.subi %sign3A_485, %sign3A_488 : i32
          %sign3A_490 = arith.constant 0 : i32
          %sign3A_491 = arith.cmpi sgt, %jit3A_481, %sign3A_490 : i32
          %sign3A_492 = arith.extui %sign3A_491 : i1 to i32
          %sign3A_493 = arith.constant 0 : i32
          %sign3A_494 = arith.cmpi slt, %jit3A_481, %sign3A_493 : i32
          %sign3A_495 = arith.extui %sign3A_494 : i1 to i32
          %sign3A_496 = arith.subi %sign3A_492, %sign3A_495 : i32
          %ne3A_497 = arith.cmpi ne, %sign3A_489, %sign3A_496 : i32
          %rem3A_498 = arith.remsi %squeeze3A_351, %jit3A_481 : i32
          %ne3A_499 = arith.constant 0 : i32
          %ne3A_500 = arith.cmpi ne, %rem3A_498, %ne3A_499 : i32
          %and3A_501 = arith.andi %ne3A_497, %ne3A_500 : i1
          %sub3A_502 = arith.constant 1 : i32
          %sub3A_503 = arith.subi %div3A_482, %sub3A_502 : i32
          %select_n3A_504 = arith.select %and3A_501, %sub3A_503, %div3A_482 : i32
          %mul3A_505 = arith.constant 16 : i32
          %mul3A_506 = arith.muli %select_n3A_504, %mul3A_505 : i32
          %get3A_507 = arith.index_cast %mul3A_506 : i32 to index
          %get3A_508 = tpu.vector_load %arg14[%get3A_507] {strides = array<i32>} : memref<10016xf32, #tpu.memory_space<vmem>>, vector<16xf32>,
          %sub3A_509 = arith.subi %squeeze3A_351, %mul3A_506 : i32
          %broadcast_in_dim3A_510 = vector.broadcast %sub3A_509 : i32 to vector<16xi32>
          %lt3A_511 = arith.constant 0 : i32
          %lt3A_512 = vector.broadcast %lt3A_511 : i32 to vector<16xi32>
          %lt3A_513 = arith.cmpi slt, %broadcast_in_dim3A_510, %lt3A_512 : vector<16xi32>
          %add3A_514 = arith.constant 16 : i32
          %add3A_515 = vector.broadcast %add3A_514 : i32 to vector<16xi32>
          %add3A_516 = arith.addi %broadcast_in_dim3A_510, %add3A_515 : vector<16xi32>
          %select_n3A_517 = arith.select %lt3A_513, %add3A_516, %broadcast_in_dim3A_510 : vector<16xi1>, vector<16xi32>
          %reshape3A_518 = vector.shape_cast %select_n3A_517 : vector<16xi32> to vector<16x1xi32>
          %gather3A_519 = vector.shape_cast %reshape3A_518 : vector<16x1xi32> to vector<16xi32>
          %gather3A_520 = tpu.dynamic_gather %get3A_508[%gather3A_519] in [0] : vector<16xf32>, vector<16xi32> -> vector<16xf32>
          %slice3A_521 = vector.extract_strided_slice %gather3A_520 {offsets = [0], sizes = [1], strides = [1]} : vector<16xf32> to vector<1xf32>
          %squeeze3A_522 = vector.extract %slice3A_521[0] : f32 from vector<1xf32>
          %broadcast_in_dim3A_523 = vector.broadcast %squeeze3A_522 : f32 to vector<16xf32>
          %bitcast3A = vector.bitcast %broadcast_in_dim3A_394 : vector<16xf32> to vector<16xi32>
          %add3A_524 = arith.constant 32767 : i32
          %add3A_525 = vector.broadcast %add3A_524 : i32 to vector<16xi32>
          %add3A_526 = arith.addi %bitcast3A, %add3A_525 : vector<16xi32>
          %shift_right_arithmetic3A_527 = arith.constant 16 : i32
          %shift_right_arithmetic3A_528 = vector.broadcast %shift_right_arithmetic3A_527 : i32 to vector<16xi32>
          %shift_right_arithmetic3A_529 = arith.shrsi %bitcast3A, %shift_right_arithmetic3A_528 : vector<16xi32>
          %and3A_530 = arith.constant 1 : i32
          %and3A_531 = vector.broadcast %and3A_530 : i32 to vector<16xi32>
          %and3A_532 = arith.andi %shift_right_arithmetic3A_529, %and3A_531 : vector<16xi32>
          %add3A_533 = arith.addi %add3A_526, %and3A_532 : vector<16xi32>
          %and3A_534 = arith.constant -65536 : i32
          %and3A_535 = vector.broadcast %and3A_534 : i32 to vector<16xi32>
          %and3A_536 = arith.andi %add3A_533, %and3A_535 : vector<16xi32>
          %bitcast3A_537 = vector.bitcast %and3A_536 : vector<16xi32> to vector<16xf32>
          %bitcast3A_538 = vector.bitcast %broadcast_in_dim3A_437 : vector<16xf32> to vector<16xi32>
          %add3A_539 = arith.constant 32767 : i32
          %add3A_540 = vector.broadcast %add3A_539 : i32 to vector<16xi32>
          %add3A_541 = arith.addi %bitcast3A_538, %add3A_540 : vector<16xi32>
          %shift_right_arithmetic3A_542 = arith.constant 16 : i32
          %shift_right_arithmetic3A_543 = vector.broadcast %shift_right_arithmetic3A_542 : i32 to vector<16xi32>
          %shift_right_arithmetic3A_544 = arith.shrsi %bitcast3A_538, %shift_right_arithmetic3A_543 : vector<16xi32>
          %and3A_545 = arith.constant 1 : i32
          %and3A_546 = vector.broadcast %and3A_545 : i32 to vector<16xi32>
          %and3A_547 = arith.andi %shift_right_arithmetic3A_544, %and3A_546 : vector<16xi32>
          %add3A_548 = arith.addi %add3A_541, %and3A_547 : vector<16xi32>
          %and3A_549 = arith.constant -65536 : i32
          %and3A_550 = vector.broadcast %and3A_549 : i32 to vector<16xi32>
          %and3A_551 = arith.andi %add3A_548, %and3A_550 : vector<16xi32>
          %bitcast3A_552 = vector.bitcast %and3A_551 : vector<16xi32> to vector<16xf32>
          %bitcast3A_553 = vector.bitcast %broadcast_in_dim3A_480 : vector<16xf32> to vector<16xi32>
          %add3A_554 = arith.constant 32767 : i32
          %add3A_555 = vector.broadcast %add3A_554 : i32 to vector<16xi32>
          %add3A_556 = arith.addi %bitcast3A_553, %add3A_555 : vector<16xi32>
          %shift_right_arithmetic3A_557 = arith.constant 16 : i32
          %shift_right_arithmetic3A_558 = vector.broadcast %shift_right_arithmetic3A_557 : i32 to vector<16xi32>
          %shift_right_arithmetic3A_559 = arith.shrsi %bitcast3A_553, %shift_right_arithmetic3A_558 : vector<16xi32>
          %and3A_560 = arith.constant 1 : i32
          %and3A_561 = vector.broadcast %and3A_560 : i32 to vector<16xi32>
          %and3A_562 = arith.andi %shift_right_arithmetic3A_559, %and3A_561 : vector<16xi32>
          %add3A_563 = arith.addi %add3A_556, %and3A_562 : vector<16xi32>
          %and3A_564 = arith.constant -65536 : i32
          %and3A_565 = vector.broadcast %and3A_564 : i32 to vector<16xi32>
          %and3A_566 = arith.andi %add3A_563, %and3A_565 : vector<16xi32>
          %bitcast3A_567 = vector.bitcast %and3A_566 : vector<16xi32> to vector<16xf32>
          %lt3A_568 = vector.broadcast %squeeze3A_162 : i32 to vector<16xi32>
          %lt3A_569 = arith.cmpi slt, %iota3A, %lt3A_568 : vector<16xi32>
          %gt3A_570 = vector.broadcast %squeeze3A_351 : i32 to vector<16xi32>
          %gt3A_571 = arith.cmpi sgt, %get3A_325, %gt3A_570 : vector<16xi32>
          %and3A_572 = arith.andi %lt3A_569, %gt3A_571 : vector<16xi1>
          %gather3A_573 = tpu.vector_load_idx %arg11[%get3A_325] : memref<10016xf32, #tpu.memory_space<vmem>>[vector<16xi32>], vector<16xf32>,
          %gather3A_574 = tpu.vector_load_idx %arg12[%get3A_325] : memref<10016xf32, #tpu.memory_space<vmem>>[vector<16xi32>], vector<16xf32>,
          %gather3A_575 = tpu.vector_load_idx %arg13[%get3A_325] : memref<10016xf32, #tpu.memory_space<vmem>>[vector<16xi32>], vector<16xf32>,
          %gather3A_576 = tpu.vector_load_idx %arg14[%get3A_325] : memref<10016xf32, #tpu.memory_space<vmem>>[vector<16xi32>], vector<16xf32>,
          %bitcast3A_577 = vector.bitcast %gather3A_573 : vector<16xf32> to vector<16xi32>
          %add3A_578 = arith.constant 32767 : i32
          %add3A_579 = vector.broadcast %add3A_578 : i32 to vector<16xi32>
          %add3A_580 = arith.addi %bitcast3A_577, %add3A_579 : vector<16xi32>
          %shift_right_arithmetic3A_581 = arith.constant 16 : i32
          %shift_right_arithmetic3A_582 = vector.broadcast %shift_right_arithmetic3A_581 : i32 to vector<16xi32>
          %shift_right_arithmetic3A_583 = arith.shrsi %bitcast3A_577, %shift_right_arithmetic3A_582 : vector<16xi32>
          %and3A_584 = arith.constant 1 : i32
          %and3A_585 = vector.broadcast %and3A_584 : i32 to vector<16xi32>
          %and3A_586 = arith.andi %shift_right_arithmetic3A_583, %and3A_585 : vector<16xi32>
          %add3A_587 = arith.addi %add3A_580, %and3A_586 : vector<16xi32>
          %and3A_588 = arith.constant -65536 : i32
          %and3A_589 = vector.broadcast %and3A_588 : i32 to vector<16xi32>
          %and3A_590 = arith.andi %add3A_587, %and3A_589 : vector<16xi32>
          %bitcast3A_591 = vector.bitcast %and3A_590 : vector<16xi32> to vector<16xf32>
          %bitcast3A_592 = vector.bitcast %gather3A_574 : vector<16xf32> to vector<16xi32>
          %add3A_593 = arith.constant 32767 : i32
          %add3A_594 = vector.broadcast %add3A_593 : i32 to vector<16xi32>
          %add3A_595 = arith.addi %bitcast3A_592, %add3A_594 : vector<16xi32>
          %shift_right_arithmetic3A_596 = arith.constant 16 : i32
          %shift_right_arithmetic3A_597 = vector.broadcast %shift_right_arithmetic3A_596 : i32 to vector<16xi32>
          %shift_right_arithmetic3A_598 = arith.shrsi %bitcast3A_592, %shift_right_arithmetic3A_597 : vector<16xi32>
          %and3A_599 = arith.constant 1 : i32
          %and3A_600 = vector.broadcast %and3A_599 : i32 to vector<16xi32>
          %and3A_601 = arith.andi %shift_right_arithmetic3A_598, %and3A_600 : vector<16xi32>
          %add3A_602 = arith.addi %add3A_595, %and3A_601 : vector<16xi32>
          %and3A_603 = arith.constant -65536 : i32
          %and3A_604 = vector.broadcast %and3A_603 : i32 to vector<16xi32>
          %and3A_605 = arith.andi %add3A_602, %and3A_604 : vector<16xi32>
          %bitcast3A_606 = vector.bitcast %and3A_605 : vector<16xi32> to vector<16xf32>
          %bitcast3A_607 = vector.bitcast %gather3A_575 : vector<16xf32> to vector<16xi32>
          %add3A_608 = arith.constant 32767 : i32
          %add3A_609 = vector.broadcast %add3A_608 : i32 to vector<16xi32>
          %add3A_610 = arith.addi %bitcast3A_607, %add3A_609 : vector<16xi32>
          %shift_right_arithmetic3A_611 = arith.constant 16 : i32
          %shift_right_arithmetic3A_612 = vector.broadcast %shift_right_arithmetic3A_611 : i32 to vector<16xi32>
          %shift_right_arithmetic3A_613 = arith.shrsi %bitcast3A_607, %shift_right_arithmetic3A_612 : vector<16xi32>
          %and3A_614 = arith.constant 1 : i32
          %and3A_615 = vector.broadcast %and3A_614 : i32 to vector<16xi32>
          %and3A_616 = arith.andi %shift_right_arithmetic3A_613, %and3A_615 : vector<16xi32>
          %add3A_617 = arith.addi %add3A_610, %and3A_616 : vector<16xi32>
          %and3A_618 = arith.constant -65536 : i32
          %and3A_619 = vector.broadcast %and3A_618 : i32 to vector<16xi32>
          %and3A_620 = arith.andi %add3A_617, %and3A_619 : vector<16xi32>
          %bitcast3A_621 = vector.bitcast %and3A_620 : vector<16xi32> to vector<16xf32>
          %mul3A_622 = arith.mulf %bitcast3A_537, %bitcast3A_591 : vector<16xf32>
          %mul3A_623 = arith.mulf %bitcast3A_552, %bitcast3A_606 : vector<16xf32>
          %add3A_624 = arith.addf %mul3A_622, %mul3A_623 : vector<16xf32>
          %mul3A_625 = arith.mulf %bitcast3A_567, %bitcast3A_621 : vector<16xf32>
          %add3A_626 = arith.addf %add3A_624, %mul3A_625 : vector<16xf32>
          %add3A_627 = arith.addf %broadcast_in_dim3A_523, %gather3A_576 : vector<16xf32>
          %mul3A_628 = arith.constant 2.000000e+00 : f32
          %mul3A_629 = vector.broadcast %mul3A_628 : f32 to vector<16xf32>
          %mul3A_630 = arith.mulf %mul3A_629, %add3A_626 : vector<16xf32>
          %sub3A_631 = arith.subf %add3A_627, %mul3A_630 : vector<16xf32>
          %gt3A_632 = arith.constant 1.0000001E-12 : f32
          %gt3A_633 = vector.broadcast %gt3A_632 : f32 to vector<16xf32>
          %gt3A_634 = arith.cmpf ogt, %sub3A_631, %gt3A_633 : vector<16xf32>
          %and3A_635 = arith.andi %and3A_572, %gt3A_634 : vector<16xi1>
          %lt3A_636 = arith.constant 0.00159999984 : f32
          %lt3A_637 = vector.broadcast %lt3A_636 : f32 to vector<16xf32>
          %lt3A_638 = arith.cmpf olt, %sub3A_631, %lt3A_637 : vector<16xf32>
          %and3A_639 = arith.andi %and3A_635, %lt3A_638 : vector<16xi1>
          %sub3A_640 = arith.subf %broadcast_in_dim3A_394, %gather3A_573 : vector<16xf32>
          %sub3A_641 = arith.subf %broadcast_in_dim3A_437, %gather3A_574 : vector<16xf32>
          %sub3A_642 = arith.subf %broadcast_in_dim3A_480, %gather3A_575 : vector<16xf32>
          %mul3A_643 = arith.mulf %sub3A_640, %sub3A_640 : vector<16xf32>
          %mul3A_644 = arith.mulf %sub3A_641, %sub3A_641 : vector<16xf32>
          %add3A_645 = arith.addf %mul3A_643, %mul3A_644 : vector<16xf32>
          %mul3A_646 = arith.mulf %sub3A_642, %sub3A_642 : vector<16xf32>
          %add3A_647 = arith.addf %add3A_645, %mul3A_646 : vector<16xf32>
          %div3A_648 = arith.constant 1.000000e+00 : f32
          %div3A_649 = vector.broadcast %div3A_648 : f32 to vector<16xf32>
          %div3A_650 = arith.divf %div3A_649, %add3A_647 : vector<16xf32>
          %mul3A_651 = arith.mulf %div3A_650, %div3A_650 : vector<16xf32>
          %mul3A_652 = arith.mulf %mul3A_651, %div3A_650 : vector<16xf32>
          %mul3A_653 = vector.broadcast %squeeze3A : f32 to vector<16xf32>
          %mul3A_654 = arith.mulf %mul3A_653, %mul3A_652 : vector<16xf32>
          %sub3A_655 = vector.broadcast %squeeze3A_107 : f32 to vector<16xf32>
          %sub3A_656 = arith.subf %mul3A_654, %sub3A_655 : vector<16xf32>
          %mul3A_657 = arith.mulf %mul3A_652, %sub3A_656 : vector<16xf32>
          %jit3A_658 = arith.constant 0.000000e+00 : f32
          %broadcast_in_dim3A_659 = vector.broadcast %jit3A_658 : f32 to vector<16xf32>
          %select_n3A_660 = arith.select %and3A_639, %mul3A_657, %broadcast_in_dim3A_659 : vector<16xi1>, vector<16xf32>
          %add3A_661 = arith.addf %while3A_338, %select_n3A_660 : vector<16xf32>
          %while3A_662 = arith.constant 0 : i32
          %while3A_663 = arith.subi %select_n3A_321, %while3A_662 : i32
          %while3A_664 = arith.addi %while3A_662, %while3A_663 : i32
          %while3A_665 = arith.constant 1 : i32
          %while3A_666 = arith.divsi %while3A_663, %while3A_665 : i32
          %while3A_667 = arith.muli %while3A_666, %while3A_665 : i32
          %while3A_668 = arith.addi %while3A_662, %while3A_667 : i32
          %while3A_669 = arith.constant 1 : i32
          %while3A_670 = scf.for %while3A_673 = %while3A_662 to %while3A_668 step %while3A_669 iter_args(%while3A_674 = %add3A_661) -> (vector<16xf32>)  : i32 {
            %mul3A_675 = arith.constant 16 : i32
            %mul3A_676 = arith.muli %while3A_673, %mul3A_675 : i32
            %get3A_677 = arith.index_cast %mul3A_676 : i32 to index
            %get3A_678 = tpu.vector_load %arg21[%get3A_677] {strides = array<i32>} : memref<256xi32, #tpu.memory_space<vmem>>, vector<16xi32>,
            %mul3A_679 = arith.constant 16 : i32
            %mul3A_680 = arith.muli %while3A_673, %mul3A_679 : i32
            %sub3A_681 = arith.subi %while3A_295, %mul3A_680 : i32
            %lt3A_682 = vector.broadcast %sub3A_681 : i32 to vector<16xi32>
            %lt3A_683 = arith.cmpi slt, %iota3A, %lt3A_682 : vector<16xi32>
            %gather3A_684 = tpu.vector_load_idx %arg11[%get3A_678] : memref<10016xf32, #tpu.memory_space<vmem>>[vector<16xi32>], vector<16xf32>,
            %gather3A_685 = tpu.vector_load_idx %arg12[%get3A_678] : memref<10016xf32, #tpu.memory_space<vmem>>[vector<16xi32>], vector<16xf32>,
            %gather3A_686 = tpu.vector_load_idx %arg13[%get3A_678] : memref<10016xf32, #tpu.memory_space<vmem>>[vector<16xi32>], vector<16xf32>,
            %gather3A_687 = tpu.vector_load_idx %arg14[%get3A_678] : memref<10016xf32, #tpu.memory_space<vmem>>[vector<16xi32>], vector<16xf32>,
            %bitcast3A_688 = vector.bitcast %gather3A_684 : vector<16xf32> to vector<16xi32>
            %add3A_689 = arith.constant 32767 : i32
            %add3A_690 = vector.broadcast %add3A_689 : i32 to vector<16xi32>
            %add3A_691 = arith.addi %bitcast3A_688, %add3A_690 : vector<16xi32>
            %shift_right_arithmetic3A_692 = arith.constant 16 : i32
            %shift_right_arithmetic3A_693 = vector.broadcast %shift_right_arithmetic3A_692 : i32 to vector<16xi32>
            %shift_right_arithmetic3A_694 = arith.shrsi %bitcast3A_688, %shift_right_arithmetic3A_693 : vector<16xi32>
            %and3A_695 = arith.constant 1 : i32
            %and3A_696 = vector.broadcast %and3A_695 : i32 to vector<16xi32>
            %and3A_697 = arith.andi %shift_right_arithmetic3A_694, %and3A_696 : vector<16xi32>
            %add3A_698 = arith.addi %add3A_691, %and3A_697 : vector<16xi32>
            %and3A_699 = arith.constant -65536 : i32
            %and3A_700 = vector.broadcast %and3A_699 : i32 to vector<16xi32>
            %and3A_701 = arith.andi %add3A_698, %and3A_700 : vector<16xi32>
            %bitcast3A_702 = vector.bitcast %and3A_701 : vector<16xi32> to vector<16xf32>
            %bitcast3A_703 = vector.bitcast %gather3A_685 : vector<16xf32> to vector<16xi32>
            %add3A_704 = arith.constant 32767 : i32
            %add3A_705 = vector.broadcast %add3A_704 : i32 to vector<16xi32>
            %add3A_706 = arith.addi %bitcast3A_703, %add3A_705 : vector<16xi32>
            %shift_right_arithmetic3A_707 = arith.constant 16 : i32
            %shift_right_arithmetic3A_708 = vector.broadcast %shift_right_arithmetic3A_707 : i32 to vector<16xi32>
            %shift_right_arithmetic3A_709 = arith.shrsi %bitcast3A_703, %shift_right_arithmetic3A_708 : vector<16xi32>
            %and3A_710 = arith.constant 1 : i32
            %and3A_711 = vector.broadcast %and3A_710 : i32 to vector<16xi32>
            %and3A_712 = arith.andi %shift_right_arithmetic3A_709, %and3A_711 : vector<16xi32>
            %add3A_713 = arith.addi %add3A_706, %and3A_712 : vector<16xi32>
            %and3A_714 = arith.constant -65536 : i32
            %and3A_715 = vector.broadcast %and3A_714 : i32 to vector<16xi32>
            %and3A_716 = arith.andi %add3A_713, %and3A_715 : vector<16xi32>
            %bitcast3A_717 = vector.bitcast %and3A_716 : vector<16xi32> to vector<16xf32>
            %bitcast3A_718 = vector.bitcast %gather3A_686 : vector<16xf32> to vector<16xi32>
            %add3A_719 = arith.constant 32767 : i32
            %add3A_720 = vector.broadcast %add3A_719 : i32 to vector<16xi32>
            %add3A_721 = arith.addi %bitcast3A_718, %add3A_720 : vector<16xi32>
            %shift_right_arithmetic3A_722 = arith.constant 16 : i32
            %shift_right_arithmetic3A_723 = vector.broadcast %shift_right_arithmetic3A_722 : i32 to vector<16xi32>
            %shift_right_arithmetic3A_724 = arith.shrsi %bitcast3A_718, %shift_right_arithmetic3A_723 : vector<16xi32>
            %and3A_725 = arith.constant 1 : i32
            %and3A_726 = vector.broadcast %and3A_725 : i32 to vector<16xi32>
            %and3A_727 = arith.andi %shift_right_arithmetic3A_724, %and3A_726 : vector<16xi32>
            %add3A_728 = arith.addi %add3A_721, %and3A_727 : vector<16xi32>
            %and3A_729 = arith.constant -65536 : i32
            %and3A_730 = vector.broadcast %and3A_729 : i32 to vector<16xi32>
            %and3A_731 = arith.andi %add3A_728, %and3A_730 : vector<16xi32>
            %bitcast3A_732 = vector.bitcast %and3A_731 : vector<16xi32> to vector<16xf32>
            %mul3A_733 = arith.mulf %bitcast3A_537, %bitcast3A_702 : vector<16xf32>
            %mul3A_734 = arith.mulf %bitcast3A_552, %bitcast3A_717 : vector<16xf32>
            %add3A_735 = arith.addf %mul3A_733, %mul3A_734 : vector<16xf32>
            %mul3A_736 = arith.mulf %bitcast3A_567, %bitcast3A_732 : vector<16xf32>
            %add3A_737 = arith.addf %add3A_735, %mul3A_736 : vector<16xf32>
            %add3A_738 = arith.addf %broadcast_in_dim3A_523, %gather3A_687 : vector<16xf32>
            %mul3A_739 = arith.constant 2.000000e+00 : f32
            %mul3A_740 = vector.broadcast %mul3A_739 : f32 to vector<16xf32>
            %mul3A_741 = arith.mulf %mul3A_740, %add3A_737 : vector<16xf32>
            %sub3A_742 = arith.subf %add3A_738, %mul3A_741 : vector<16xf32>
            %gt3A_743 = arith.constant 1.0000001E-12 : f32
            %gt3A_744 = vector.broadcast %gt3A_743 : f32 to vector<16xf32>
            %gt3A_745 = arith.cmpf ogt, %sub3A_742, %gt3A_744 : vector<16xf32>
            %and3A_746 = arith.andi %lt3A_683, %gt3A_745 : vector<16xi1>
            %lt3A_747 = arith.constant 0.00159999984 : f32
            %lt3A_748 = vector.broadcast %lt3A_747 : f32 to vector<16xf32>
            %lt3A_749 = arith.cmpf olt, %sub3A_742, %lt3A_748 : vector<16xf32>
            %and3A_750 = arith.andi %and3A_746, %lt3A_749 : vector<16xi1>
            %sub3A_751 = arith.subf %broadcast_in_dim3A_394, %gather3A_684 : vector<16xf32>
            %sub3A_752 = arith.subf %broadcast_in_dim3A_437, %gather3A_685 : vector<16xf32>
            %sub3A_753 = arith.subf %broadcast_in_dim3A_480, %gather3A_686 : vector<16xf32>
            %mul3A_754 = arith.mulf %sub3A_751, %sub3A_751 : vector<16xf32>
            %mul3A_755 = arith.mulf %sub3A_752, %sub3A_752 : vector<16xf32>
            %add3A_756 = arith.addf %mul3A_754, %mul3A_755 : vector<16xf32>
            %mul3A_757 = arith.mulf %sub3A_753, %sub3A_753 : vector<16xf32>
            %add3A_758 = arith.addf %add3A_756, %mul3A_757 : vector<16xf32>
            %div3A_759 = arith.constant 1.000000e+00 : f32
            %div3A_760 = vector.broadcast %div3A_759 : f32 to vector<16xf32>
            %div3A_761 = arith.divf %div3A_760, %add3A_758 : vector<16xf32>
            %mul3A_762 = arith.mulf %div3A_761, %div3A_761 : vector<16xf32>
            %mul3A_763 = arith.mulf %mul3A_762, %div3A_761 : vector<16xf32>
            %mul3A_764 = vector.broadcast %squeeze3A : f32 to vector<16xf32>
            %mul3A_765 = arith.mulf %mul3A_764, %mul3A_763 : vector<16xf32>
            %sub3A_766 = vector.broadcast %squeeze3A_107 : f32 to vector<16xf32>
            %sub3A_767 = arith.subf %mul3A_765, %sub3A_766 : vector<16xf32>
            %mul3A_768 = arith.mulf %mul3A_763, %sub3A_767 : vector<16xf32>
            %jit3A_769 = arith.constant 0.000000e+00 : f32
            %broadcast_in_dim3A_770 = vector.broadcast %jit3A_769 : f32 to vector<16xf32>
            %select_n3A_771 = arith.select %and3A_750, %mul3A_768, %broadcast_in_dim3A_770 : vector<16xi1>, vector<16xf32>
            %add3A_772 = arith.addf %while3A_674, %select_n3A_771 : vector<16xf32>
            scf.yield %add3A_772 : vector<16xf32>
          }
          %while3A_671 = arith.constant 1 : i32
          %while3A_672 = scf.for %while3A_673 = %while3A_668 to %while3A_664 step %while3A_671 iter_args(%while3A_674 = %while3A_670) -> (vector<16xf32>)  : i32 {
            %mul3A_675 = arith.constant 16 : i32
            %mul3A_676 = arith.muli %while3A_673, %mul3A_675 : i32
            %get3A_677 = arith.index_cast %mul3A_676 : i32 to index
            %get3A_678 = tpu.vector_load %arg21[%get3A_677] {strides = array<i32>} : memref<256xi32, #tpu.memory_space<vmem>>, vector<16xi32>,
            %mul3A_679 = arith.constant 16 : i32
            %mul3A_680 = arith.muli %while3A_673, %mul3A_679 : i32
            %sub3A_681 = arith.subi %while3A_295, %mul3A_680 : i32
            %lt3A_682 = vector.broadcast %sub3A_681 : i32 to vector<16xi32>
            %lt3A_683 = arith.cmpi slt, %iota3A, %lt3A_682 : vector<16xi32>
            %gather3A_684 = tpu.vector_load_idx %arg11[%get3A_678] : memref<10016xf32, #tpu.memory_space<vmem>>[vector<16xi32>], vector<16xf32>,
            %gather3A_685 = tpu.vector_load_idx %arg12[%get3A_678] : memref<10016xf32, #tpu.memory_space<vmem>>[vector<16xi32>], vector<16xf32>,
            %gather3A_686 = tpu.vector_load_idx %arg13[%get3A_678] : memref<10016xf32, #tpu.memory_space<vmem>>[vector<16xi32>], vector<16xf32>,
            %gather3A_687 = tpu.vector_load_idx %arg14[%get3A_678] : memref<10016xf32, #tpu.memory_space<vmem>>[vector<16xi32>], vector<16xf32>,
            %bitcast3A_688 = vector.bitcast %gather3A_684 : vector<16xf32> to vector<16xi32>
            %add3A_689 = arith.constant 32767 : i32
            %add3A_690 = vector.broadcast %add3A_689 : i32 to vector<16xi32>
            %add3A_691 = arith.addi %bitcast3A_688, %add3A_690 : vector<16xi32>
            %shift_right_arithmetic3A_692 = arith.constant 16 : i32
            %shift_right_arithmetic3A_693 = vector.broadcast %shift_right_arithmetic3A_692 : i32 to vector<16xi32>
            %shift_right_arithmetic3A_694 = arith.shrsi %bitcast3A_688, %shift_right_arithmetic3A_693 : vector<16xi32>
            %and3A_695 = arith.constant 1 : i32
            %and3A_696 = vector.broadcast %and3A_695 : i32 to vector<16xi32>
            %and3A_697 = arith.andi %shift_right_arithmetic3A_694, %and3A_696 : vector<16xi32>
            %add3A_698 = arith.addi %add3A_691, %and3A_697 : vector<16xi32>
            %and3A_699 = arith.constant -65536 : i32
            %and3A_700 = vector.broadcast %and3A_699 : i32 to vector<16xi32>
            %and3A_701 = arith.andi %add3A_698, %and3A_700 : vector<16xi32>
            %bitcast3A_702 = vector.bitcast %and3A_701 : vector<16xi32> to vector<16xf32>
            %bitcast3A_703 = vector.bitcast %gather3A_685 : vector<16xf32> to vector<16xi32>
            %add3A_704 = arith.constant 32767 : i32
            %add3A_705 = vector.broadcast %add3A_704 : i32 to vector<16xi32>
            %add3A_706 = arith.addi %bitcast3A_703, %add3A_705 : vector<16xi32>
            %shift_right_arithmetic3A_707 = arith.constant 16 : i32
            %shift_right_arithmetic3A_708 = vector.broadcast %shift_right_arithmetic3A_707 : i32 to vector<16xi32>
            %shift_right_arithmetic3A_709 = arith.shrsi %bitcast3A_703, %shift_right_arithmetic3A_708 : vector<16xi32>
            %and3A_710 = arith.constant 1 : i32
            %and3A_711 = vector.broadcast %and3A_710 : i32 to vector<16xi32>
            %and3A_712 = arith.andi %shift_right_arithmetic3A_709, %and3A_711 : vector<16xi32>
            %add3A_713 = arith.addi %add3A_706, %and3A_712 : vector<16xi32>
            %and3A_714 = arith.constant -65536 : i32
            %and3A_715 = vector.broadcast %and3A_714 : i32 to vector<16xi32>
            %and3A_716 = arith.andi %add3A_713, %and3A_715 : vector<16xi32>
            %bitcast3A_717 = vector.bitcast %and3A_716 : vector<16xi32> to vector<16xf32>
            %bitcast3A_718 = vector.bitcast %gather3A_686 : vector<16xf32> to vector<16xi32>
            %add3A_719 = arith.constant 32767 : i32
            %add3A_720 = vector.broadcast %add3A_719 : i32 to vector<16xi32>
            %add3A_721 = arith.addi %bitcast3A_718, %add3A_720 : vector<16xi32>
            %shift_right_arithmetic3A_722 = arith.constant 16 : i32
            %shift_right_arithmetic3A_723 = vector.broadcast %shift_right_arithmetic3A_722 : i32 to vector<16xi32>
            %shift_right_arithmetic3A_724 = arith.shrsi %bitcast3A_718, %shift_right_arithmetic3A_723 : vector<16xi32>
            %and3A_725 = arith.constant 1 : i32
            %and3A_726 = vector.broadcast %and3A_725 : i32 to vector<16xi32>
            %and3A_727 = arith.andi %shift_right_arithmetic3A_724, %and3A_726 : vector<16xi32>
            %add3A_728 = arith.addi %add3A_721, %and3A_727 : vector<16xi32>
            %and3A_729 = arith.constant -65536 : i32
            %and3A_730 = vector.broadcast %and3A_729 : i32 to vector<16xi32>
            %and3A_731 = arith.andi %add3A_728, %and3A_730 : vector<16xi32>
            %bitcast3A_732 = vector.bitcast %and3A_731 : vector<16xi32> to vector<16xf32>
            %mul3A_733 = arith.mulf %bitcast3A_537, %bitcast3A_702 : vector<16xf32>
            %mul3A_734 = arith.mulf %bitcast3A_552, %bitcast3A_717 : vector<16xf32>
            %add3A_735 = arith.addf %mul3A_733, %mul3A_734 : vector<16xf32>
            %mul3A_736 = arith.mulf %bitcast3A_567, %bitcast3A_732 : vector<16xf32>
            %add3A_737 = arith.addf %add3A_735, %mul3A_736 : vector<16xf32>
            %add3A_738 = arith.addf %broadcast_in_dim3A_523, %gather3A_687 : vector<16xf32>
            %mul3A_739 = arith.constant 2.000000e+00 : f32
            %mul3A_740 = vector.broadcast %mul3A_739 : f32 to vector<16xf32>
            %mul3A_741 = arith.mulf %mul3A_740, %add3A_737 : vector<16xf32>
            %sub3A_742 = arith.subf %add3A_738, %mul3A_741 : vector<16xf32>
            %gt3A_743 = arith.constant 1.0000001E-12 : f32
            %gt3A_744 = vector.broadcast %gt3A_743 : f32 to vector<16xf32>
            %gt3A_745 = arith.cmpf ogt, %sub3A_742, %gt3A_744 : vector<16xf32>
            %and3A_746 = arith.andi %lt3A_683, %gt3A_745 : vector<16xi1>
            %lt3A_747 = arith.constant 0.00159999984 : f32
            %lt3A_748 = vector.broadcast %lt3A_747 : f32 to vector<16xf32>
            %lt3A_749 = arith.cmpf olt, %sub3A_742, %lt3A_748 : vector<16xf32>
            %and3A_750 = arith.andi %and3A_746, %lt3A_749 : vector<16xi1>
            %sub3A_751 = arith.subf %broadcast_in_dim3A_394, %gather3A_684 : vector<16xf32>
            %sub3A_752 = arith.subf %broadcast_in_dim3A_437, %gather3A_685 : vector<16xf32>
            %sub3A_753 = arith.subf %broadcast_in_dim3A_480, %gather3A_686 : vector<16xf32>
            %mul3A_754 = arith.mulf %sub3A_751, %sub3A_751 : vector<16xf32>
            %mul3A_755 = arith.mulf %sub3A_752, %sub3A_752 : vector<16xf32>
            %add3A_756 = arith.addf %mul3A_754, %mul3A_755 : vector<16xf32>
            %mul3A_757 = arith.mulf %sub3A_753, %sub3A_753 : vector<16xf32>
            %add3A_758 = arith.addf %add3A_756, %mul3A_757 : vector<16xf32>
            %div3A_759 = arith.constant 1.000000e+00 : f32
            %div3A_760 = vector.broadcast %div3A_759 : f32 to vector<16xf32>
            %div3A_761 = arith.divf %div3A_760, %add3A_758 : vector<16xf32>
            %mul3A_762 = arith.mulf %div3A_761, %div3A_761 : vector<16xf32>
            %mul3A_763 = arith.mulf %mul3A_762, %div3A_761 : vector<16xf32>
            %mul3A_764 = vector.broadcast %squeeze3A : f32 to vector<16xf32>
            %mul3A_765 = arith.mulf %mul3A_764, %mul3A_763 : vector<16xf32>
            %sub3A_766 = vector.broadcast %squeeze3A_107 : f32 to vector<16xf32>
            %sub3A_767 = arith.subf %mul3A_765, %sub3A_766 : vector<16xf32>
            %mul3A_768 = arith.mulf %mul3A_763, %sub3A_767 : vector<16xf32>
            %jit3A_769 = arith.constant 0.000000e+00 : f32
            %broadcast_in_dim3A_770 = vector.broadcast %jit3A_769 : f32 to vector<16xf32>
            %select_n3A_771 = arith.select %and3A_750, %mul3A_768, %broadcast_in_dim3A_770 : vector<16xi1>, vector<16xf32>
            %add3A_772 = arith.addf %while3A_674, %select_n3A_771 : vector<16xf32>
            scf.yield %add3A_772 : vector<16xf32>
          }
          scf.yield %while3A_672 : vector<16xf32>
        }
        scf.yield %while3A_336 : vector<16xf32>
      } else {
        scf.yield %scan3A_129 : vector<16xf32>
      }
      scf.yield %cond3A_167 : vector<16xf32>
    }
    %scan3A_119 = arith.constant 128 : i32
    %swap3A_120 = arith.constant 0 : index
    %swap3A_121 = tpu.vector_load %arg27[%swap3A_120] {strides = array<i32>} : memref<16xf32, #tpu.memory_space<vmem>>, vector<16xf32>,
    tpu.vector_store %arg27[%swap3A_120], %scan3A_118 {strides = array<i32>} : memref<16xf32, #tpu.memory_space<vmem>>, vector<16xf32>,
    %mul3A_122 = arith.constant 16 : i32
    %mul3A_123 = arith.muli %arg1, %mul3A_122 : i32
    "tpu.region"() ({
      %run_scoped3A = tpu.sem_alloc : memref<!tpu.dma_semaphore, #tpu.memory_space<semaphore_mem>>
      %dma_start3A = tpu.memref_slice %arg31[%mul3A_123] : memref<256xf32, #tpu.memory_space<vmem_shared>> -> memref<16xf32, #tpu.memory_space<vmem_shared>>
      %dma_start3A_128 = tpu.memref_slice %arg31[%mul3A_123] : memref<256xf32, #tpu.memory_space<vmem_shared>> -> memref<16xf32, #tpu.memory_space<vmem_shared>>
      tpu.enqueue_dma source(%arg27 : memref<16xf32, #tpu.memory_space<vmem>>) target(%dma_start3A_128 : memref<16xf32, #tpu.memory_space<vmem_shared>>) target_semaphore(%run_scoped3A : memref<!tpu.dma_semaphore, #tpu.memory_space<semaphore_mem>>)
      %dma_wait3A = tpu.memref_slice %arg31[%mul3A_123] : memref<256xf32, #tpu.memory_space<vmem_shared>> -> memref<16xf32, #tpu.memory_space<vmem_shared>>
      %dma_wait3A_129 = tpu.memref_slice %arg31[%mul3A_123] : memref<256xf32, #tpu.memory_space<vmem_shared>> -> memref<16xf32, #tpu.memory_space<vmem_shared>>
      tpu.wait_dma2 semaphore(%run_scoped3A : memref<!tpu.dma_semaphore, #tpu.memory_space<semaphore_mem>>) src(%arg27 : memref<16xf32, #tpu.memory_space<vmem>>) dst(%dma_wait3A_129 : memref<16xf32, #tpu.memory_space<vmem_shared>>)
      tpu.yield
    }) : () -> ()
    %barrier3A_124 = arith.constant 0 : index
    tpu.barrier barrier_id(%barrier3A_124)
    %eq3A_125 = arith.constant 0 : i32
    %eq3A_126 = arith.cmpi eq, %arg1, %eq3A_125 : i32
    %convert_element_type3A = arith.extui %eq3A_126 : i1 to i32
    %cond3A = arith.constant 0 : i32
    %cond3A_127 = arith.cmpi ne, %convert_element_type3A, %cond3A : i32
    scf.if %cond3A_127 {
      "tpu.region"() ({
        %run_scoped3A = tpu.sem_alloc : memref<!tpu.dma_semaphore, #tpu.memory_space<semaphore_mem>>
        tpu.enqueue_dma source(%arg31 : memref<256xf32, #tpu.memory_space<vmem_shared>>) target(%arg28 : memref<256xf32, #tpu.memory_space<vmem>>) target_semaphore(%run_scoped3A : memref<!tpu.dma_semaphore, #tpu.memory_space<semaphore_mem>>)
        tpu.wait_dma2 semaphore(%run_scoped3A : memref<!tpu.dma_semaphore, #tpu.memory_space<semaphore_mem>>) src(%arg31 : memref<256xf32, #tpu.memory_space<vmem_shared>>) dst(%arg28 : memref<256xf32, #tpu.memory_space<vmem>>)
        tpu.yield
      }) : () -> ()
      %broadcast_in_dim3A_128 = arith.constant 0.000000e+00 : f32
      %broadcast_in_dim3A_129 = vector.broadcast %broadcast_in_dim3A_128 : f32 to vector<16xf32>
      %get3A_130 = arith.constant 0 : index
      %get3A_131 = tpu.vector_load %arg28[%get3A_130] {strides = array<i32>} : memref<256xf32, #tpu.memory_space<vmem>>, vector<16xf32>,
      %add3A_132 = arith.addf %broadcast_in_dim3A_129, %get3A_131 : vector<16xf32>
      %get3A_133 = arith.constant 16 : index
      %get3A_134 = tpu.vector_load %arg28[%get3A_133] {strides = array<i32>} : memref<256xf32, #tpu.memory_space<vmem>>, vector<16xf32>,
      %add3A_135 = arith.addf %add3A_132, %get3A_134 : vector<16xf32>
      %get3A_136 = arith.constant 32 : index
      %get3A_137 = tpu.vector_load %arg28[%get3A_136] {strides = array<i32>} : memref<256xf32, #tpu.memory_space<vmem>>, vector<16xf32>,
      %add3A_138 = arith.addf %add3A_135, %get3A_137 : vector<16xf32>
      %get3A_139 = arith.constant 48 : index
      %get3A_140 = tpu.vector_load %arg28[%get3A_139] {strides = array<i32>} : memref<256xf32, #tpu.memory_space<vmem>>, vector<16xf32>,
      %add3A_141 = arith.addf %add3A_138, %get3A_140 : vector<16xf32>
      %get3A_142 = arith.constant 64 : index
      %get3A_143 = tpu.vector_load %arg28[%get3A_142] {strides = array<i32>} : memref<256xf32, #tpu.memory_space<vmem>>, vector<16xf32>,
      %add3A_144 = arith.addf %add3A_141, %get3A_143 : vector<16xf32>
      %get3A_145 = arith.constant 80 : index
      %get3A_146 = tpu.vector_load %arg28[%get3A_145] {strides = array<i32>} : memref<256xf32, #tpu.memory_space<vmem>>, vector<16xf32>,
      %add3A_147 = arith.addf %add3A_144, %get3A_146 : vector<16xf32>
      %get3A_148 = arith.constant 96 : index
      %get3A_149 = tpu.vector_load %arg28[%get3A_148] {strides = array<i32>} : memref<256xf32, #tpu.memory_space<vmem>>, vector<16xf32>,
      %add3A_150 = arith.addf %add3A_147, %get3A_149 : vector<16xf32>
      %get3A_151 = arith.constant 112 : index
      %get3A_152 = tpu.vector_load %arg28[%get3A_151] {strides = array<i32>} : memref<256xf32, #tpu.memory_space<vmem>>, vector<16xf32>,
      %add3A_153 = arith.addf %add3A_150, %get3A_152 : vector<16xf32>
      %get3A_154 = arith.constant 128 : index
      %get3A_155 = tpu.vector_load %arg28[%get3A_154] {strides = array<i32>} : memref<256xf32, #tpu.memory_space<vmem>>, vector<16xf32>,
      %add3A_156 = arith.addf %add3A_153, %get3A_155 : vector<16xf32>
      %get3A_157 = arith.constant 144 : index
      %get3A_158 = tpu.vector_load %arg28[%get3A_157] {strides = array<i32>} : memref<256xf32, #tpu.memory_space<vmem>>, vector<16xf32>,
      %add3A_159 = arith.addf %add3A_156, %get3A_158 : vector<16xf32>
      %get3A_160 = arith.constant 160 : index
      %get3A_161 = tpu.vector_load %arg28[%get3A_160] {strides = array<i32>} : memref<256xf32, #tpu.memory_space<vmem>>, vector<16xf32>,
      %add3A_162 = arith.addf %add3A_159, %get3A_161 : vector<16xf32>
      %get3A_163 = arith.constant 176 : index
      %get3A_164 = tpu.vector_load %arg28[%get3A_163] {strides = array<i32>} : memref<256xf32, #tpu.memory_space<vmem>>, vector<16xf32>,
      %add3A_165 = arith.addf %add3A_162, %get3A_164 : vector<16xf32>
      %get3A_166 = arith.constant 192 : index
      %get3A_167 = tpu.vector_load %arg28[%get3A_166] {strides = array<i32>} : memref<256xf32, #tpu.memory_space<vmem>>, vector<16xf32>,
      %add3A_168 = arith.addf %add3A_165, %get3A_167 : vector<16xf32>
      %get3A_169 = arith.constant 208 : index
      %get3A_170 = tpu.vector_load %arg28[%get3A_169] {strides = array<i32>} : memref<256xf32, #tpu.memory_space<vmem>>, vector<16xf32>,
      %add3A_171 = arith.addf %add3A_168, %get3A_170 : vector<16xf32>
      %get3A_172 = arith.constant 224 : index
      %get3A_173 = tpu.vector_load %arg28[%get3A_172] {strides = array<i32>} : memref<256xf32, #tpu.memory_space<vmem>>, vector<16xf32>,
      %add3A_174 = arith.addf %add3A_171, %get3A_173 : vector<16xf32>
      %get3A_175 = arith.constant 240 : index
      %get3A_176 = tpu.vector_load %arg28[%get3A_175] {strides = array<i32>} : memref<256xf32, #tpu.memory_space<vmem>>, vector<16xf32>,
      %add3A_177 = arith.addf %add3A_174, %get3A_176 : vector<16xf32>
      %swap3A_178 = arith.constant 0 : index
      %swap3A_179 = tpu.vector_load %arg27[%swap3A_178] {strides = array<i32>} : memref<16xf32, #tpu.memory_space<vmem>>, vector<16xf32>,
      tpu.vector_store %arg27[%swap3A_178], %add3A_177 {strides = array<i32>} : memref<16xf32, #tpu.memory_space<vmem>>, vector<16xf32>,
      %mul3A_180 = arith.constant 16 : i32
      %mul3A_181 = arith.muli %arg0, %mul3A_180 : i32
      "tpu.region"() ({
        %run_scoped3A = tpu.sem_alloc : memref<!tpu.dma_semaphore, #tpu.memory_space<semaphore_mem>>
        %dma_start3A = tpu.memref_slice %arg10[%mul3A_181] : memref<32xf32, #tpu.memory_space<hbm>> -> memref<16xf32, #tpu.memory_space<hbm>>
        %dma_start3A_182 = tpu.memref_slice %arg10[%mul3A_181] : memref<32xf32, #tpu.memory_space<hbm>> -> memref<16xf32, #tpu.memory_space<hbm>>
        tpu.enqueue_dma source(%arg27 : memref<16xf32, #tpu.memory_space<vmem>>) target(%dma_start3A_182 : memref<16xf32, #tpu.memory_space<hbm>>) target_semaphore(%run_scoped3A : memref<!tpu.dma_semaphore, #tpu.memory_space<semaphore_mem>>)
        %dma_wait3A = tpu.memref_slice %arg10[%mul3A_181] : memref<32xf32, #tpu.memory_space<hbm>> -> memref<16xf32, #tpu.memory_space<hbm>>
        %dma_wait3A_183 = tpu.memref_slice %arg10[%mul3A_181] : memref<32xf32, #tpu.memory_space<hbm>> -> memref<16xf32, #tpu.memory_space<hbm>>
        tpu.wait_dma2 semaphore(%run_scoped3A : memref<!tpu.dma_semaphore, #tpu.memory_space<semaphore_mem>>) src(%arg27 : memref<16xf32, #tpu.memory_space<vmem>>) dst(%dma_wait3A_183 : memref<16xf32, #tpu.memory_space<hbm>>)
        tpu.yield
      }) : () -> ()
    } else {
    }
    return
  }
}

</mosaic_0001>

<sc_bundles>
// kernel: kernel.3.cloned.1.call-start
scs
__scs_entry_jumppad:
0x0: {  	(pc) =	sbr.rel $0x88, $3  }
0x1: {  	(tag) =	ssettag $0x0;
	lr =	simm.s32 $0x1  }
0x2: {  	[smem:$0x3F9E] =	sst lr;
	_ =	strace $0xD0000000  }
0x3: {  	_ = 	snop  }
0x4: {  	_ = 	snop  }
0x5: {  	_ = 	snop  }
0x6: {  	_ = 	snop  }
0x7: {  	_ = 	snop  }
__scs_overlays_trampoline_lowered:
0x8: {  	[smem:$0x3FAD] =	sst s0  }
0x9: {  	[smem:$0x3FAE] =	sst s1  }
0xa: {  	[smem:$0x3FAF] =	sst s2  }
0xb: {  	[smem:$0x3FB0] =	sst s3  }
0xc: {  	[smem:$0x3FB1] =	sst s4  }
0xd: {  	[smem:$0x3FB2] =	sst s5  }
0xe: {  	[smem:$0x3FB3] =	sst s6  }
0xf: {  	[smem:$0x3FB4] =	sst s7  }
0x10: {  	[smem:$0x3FB5] =	sst s8  }
0x11: {  	[smem:$0x3FB6] =	sst s9;
	s0 =	simm.s32 @!p0 $0x0  }
0x12: {  	s1 =	sld [smem:$0x3F9C];
	s0 =	simm.s32 @p0 $0x1  }
0x13: {  	[smem:$0x3FB7] =	sst s0;
	s0 =	simm.s32 @!p1 $0x0  }
0x14: {  	s2 =	sld [smem:$0x3F9B];
	s0 =	simm.s32 @p1 $0x1  }
0x15: {  	[smem:$0x3FB8] =	sst s0;
	s0 =	simm.s32 @!p2 $0x0  }
0x16: {  	s3 =	sld [smem:$0x3FDB];
	s0 =	simm.s32 @p2 $0x1  }
0x17: {  	s4 =	simm.s32 $0x1BF5;
	[smem:$0x3FBA] =	sst s0  }
0x18: {  	s0 =	sld [smem:$0x3F9D];
	_ =	swait.ge [sflag:s4], $0x0  }
0x19: {  	s7 =	sld [smem:$0x3F9E]  }
0x1a: {  	s8 =	sadd.s32 $0xFFFFE003, lr  }
0x1b: {  	s9 =	sadd.s32 $0xFFFFFEF7, lr;
	s5 =	simm.s32 $0xFFFFFFFF;
	p2 =	slt.u32 s8, $0xFFFFF086  }
0x1c: {  	p1 =	slt.u32 s9, $0xF7A;
	s5 =	simm.s32 @!p2 $0x0  }
0x1d: {  	s5 =	simm.s32 @p1 $0x1;
	p0 =	seq.s32 s7, s2  }
0x1e: {  	s7 =	smul.u32 @!p0 $0xF7A, s2;
	p2 =	seq.s32 @!p0 s5, $0x0  }
0x1f: {  	s9 =	smul.u32 $0xF7A, s1;
	s8 =	simm.s32 @!p0 $0x1BF5;
	p2 =	por !p2, p0  }
0x20: {  	[sflag:s8] =	ssyncset.s32 @!p0 $0xFFFFF086;
	s6 =	sadd.s32 @!p0 s3, s7;
	s7 =	simm.s32 @!p0 $0x108  }
0x21: {  	s3 =	sadd.s32 s3, s9;
	s6 =	sadd.s32 @!p0 $0x88, s6;
	s7 =	simm.s32 @p2 $0x1082  }
0x22: {  	[simem:s7], [sflag:s8] =	dma.local @!p0 [hbm:s6], $0xF7A  }
0x23: {  	s9 =	sor.u32 $0xD0000000, s2;
	s6 =	simm.s32 $0x108;
	_ =	swait.ge @!p0 [sflag:s8], $0x0  }
0x24: {  	s3 =	sadd.s32 $0x88, s3;
	s6 =	simm.s32 @!p1 $0x1082;
	[sflag:s4] =	ssyncset.s32 $0xFFFFF086  }
0x25: {  	[simem:s6], [sflag:s4] =	dma.local [hbm:s3], $0xF7A  }
0x26: {  	[smem:$0x3F9E] =	sst s1;
	(tag) =	ssettag s2;
	_ =	strace s9  }
0x27: {  	s1 =	sld [smem:$0x3FAE]  }
0x28: {  	s2 =	sld [smem:$0x3FAF]  }
0x29: {  	s4 =	sld [smem:$0x3FB1]  }
0x2a: {  	p0 =	seq.s32 s5, $0x0;
	s5 =	sld [smem:$0x3FB2]  }
0x2b: {  	s6 =	sld [smem:$0x3FB3]  }
0x2c: {  	s7 =	sld [smem:$0x3FB4]  }
0x2d: {  	s3 =	simm.s32 $0x108;
	s8 =	sld [smem:$0x3FB5]  }
0x2e: {  	s3 =	simm.s32 @!p0 $0x1082;
	s9 =	sld [smem:$0x3FB6]  }
0x2f: {  	lr =	sadd.s32 s0, s3;
	s0 =	sld [smem:$0x3FAD]  }
0x30: {  	s3 =	sld [smem:$0x3FB0]  }
0x31: {  	[smem:$0x3FB9] =	sst s10  }
0x32: {  	s10 =	sld [smem:$0x3FB7];
	_ =	sdelay $0x3  }
0x33: {  	p0 =	seq.s32 s10, $0x1;
	s10 =	sld [smem:$0x3FB9];
	_ =	sdelay $0x3  }
0x34: {  	[smem:$0x3FB9] =	sst s10  }
0x35: {  	s10 =	sld [smem:$0x3FB8];
	_ =	sdelay $0x3  }
0x36: {  	p1 =	seq.s32 s10, $0x1;
	s10 =	sld [smem:$0x3FB9];
	_ =	sdelay $0x3  }
0x37: {  	[smem:$0x3FB9] =	sst s10  }
0x38: {  	s10 =	sld [smem:$0x3FBA]  }
0x39: {  	_ = 	snop;
	(pc) =	sbr.ind lr, $3  }
0x3a: {  	_ = 	snop  }
0x3b: {  	_ = 	snop  }
0x3c: {  	p2 =	seq.s32 s10, $0x1;
	s10 =	sld [smem:$0x3FB9]  }
0x3d: {  	_ =	shalt  }
0x3e: {  	_ =	shalt  }
0x3f: {  	_ =	shalt  }
0x40: {  	_ =	shalt  }
0x41: {  	_ =	shalt  }
0x42: {  	_ =	shalt  }
0x43: {  	_ =	shalt  }
0x44: {  	_ =	shalt  }
0x45: {  	_ =	shalt  }
0x46: {  	_ =	shalt  }
0x47: {  	_ =	shalt  }
0x48: {  	_ =	shalt  }
0x49: {  	_ =	shalt  }
0x4a: {  	_ =	shalt  }
0x4b: {  	_ =	shalt  }
0x4c: {  	_ =	shalt  }
0x4d: {  	_ =	shalt  }
0x4e: {  	_ =	shalt  }
0x4f: {  	_ =	shalt  }
0x50: {  	_ =	shalt  }
0x51: {  	_ =	shalt  }
0x52: {  	_ =	shalt  }
0x53: {  	_ =	shalt  }
0x54: {  	_ =	shalt  }
0x55: {  	_ =	shalt  }
0x56: {  	_ =	shalt  }
0x57: {  	_ =	shalt  }
0x58: {  	_ =	shalt  }
0x59: {  	_ =	shalt  }
0x5a: {  	_ =	shalt  }
0x5b: {  	_ =	shalt  }
0x5c: {  	_ =	shalt  }
0x5d: {  	_ =	shalt  }
0x5e: {  	_ =	shalt  }
0x5f: {  	_ =	shalt  }
0x60: {  	_ =	shalt  }
0x61: {  	_ =	shalt  }
0x62: {  	_ =	shalt  }
0x63: {  	_ =	shalt  }
0x64: {  	_ =	shalt  }
0x65: {  	_ =	shalt  }
0x66: {  	_ =	shalt  }
0x67: {  	_ =	shalt  }
0x68: {  	_ =	shalt  }
0x69: {  	_ =	shalt  }
0x6a: {  	_ =	shalt  }
0x6b: {  	_ =	shalt  }
0x6c: {  	_ =	shalt  }
0x6d: {  	_ =	shalt  }
0x6e: {  	_ =	shalt  }
0x6f: {  	_ =	shalt  }
0x70: {  	_ =	shalt  }
0x71: {  	_ =	shalt  }
0x72: {  	_ =	shalt  }
0x73: {  	_ =	shalt  }
0x74: {  	_ =	shalt  }
0x75: {  	_ =	shalt  }
0x76: {  	_ =	shalt  }
0x77: {  	_ =	shalt  }
0x78: {  	_ =	shalt  }
0x79: {  	_ =	shalt  }
0x7a: {  	_ =	shalt  }
0x7b: {  	_ =	shalt  }
0x7c: {  	_ =	shalt  }
0x7d: {  	_ =	shalt  }
0x7e: {  	_ =	shalt  }
0x7f: {  	_ =	shalt  }
0x80: {  	_ =	shalt  }
0x81: {  	_ =	shalt  }
0x82: {  	_ =	shalt  }
0x83: {  	_ =	shalt  }
0x84: {  	_ =	shalt  }
0x85: {  	_ =	shalt  }
0x86: {  	_ =	shalt  }
0x87: {  	_ =	shalt  }
.Lfunc_end0:
.L_simem_size_0:
called_computation_lowered:
.L_overlay_start_0:
0x88: {  	s2 =	sld [smem:$0x3FD9]  }
0x89: {  	s3 =	sld [smem:$0x3FFE];
	_ =	sdelay $0x1  }
0x8a: {  	s1 =	srdreg.scid  }
0x8b: {  	s0 =	sand.u32 $0x1, s1  }
0x8c: {  	s17 =	sshll.u32 s0, $0xA;
	s2 =	sadd.s32 s3, s2  }
0x8d: {  	s2 =	sadd.s32 s2, s17  }
0x8e: {  	[smem:$0x3FC5] =	sst s2  }
0x8f: {  	_ = 	snop  }
0x90: {  	s2 =	sld [smem:$0x3FD0];
	(tm) =	ssettm $0x1  }
0x91: {  	s18 =	sld [smem:$0x3FFB];
	_ =	sdelay $0x3  }
0x92: {  	_ =	strace s18  }
0x93: {  	s3 =	sld [smem:$0x3FFC];
	_ =	sdelay $0x3  }
0x94: {  	_ =	strace s3  }
0x95: {  	s3 =	sld [smem:$0x3FFD];
	_ =	sdelay $0x3  }
0x96: {  	_ =	strace s3  }
0x97: {  	_ =	strace $0x8FFFFFFF  }
0x98: {  	s19 =	sld [smem:$0x3FDB];
	_ =	sdelay $0x1  }
0x99: {  	s4 =	simm.s32 $_scs_section_size  }
0x9a: {  	s5 =	simm.s32 $_size__tile_overlayer_lowered;
	s6 =	simm.s32 $_tile_overlayer_lowered  }
0x9b: {  	s22 =	simm.s32 $0x1BFF;
	s21 =	sshll.u32 s6, $0x1;
	s3 =	sadd.s32 s4, s19  }
0x9c: {  	s7 =	simm.s32 $0x0;
	s20 =	sshll.u32 s5, $0x1;
	s5 =	sadd.s32 s21, s3  }
0x9d: {  	[timem:s7], [sflag:s22] =	dma.local [hbm:s5], s20  }
0x9e: {  	_ =	swait.ge [sflag:s22], s20  }
0x9f: {  	s4 =	ssub.s32 $0x0, s20;
	[sflag:s22] =	ssyncset.done $0x0  }
0xa0: {  	[sflag:s22] =	ssyncadd.s32 s4;
	_ =	sdelay $0x1  }
0xa1: {  	s23 =	simm.s32 $0x1B8B  }
0xa2: {  	_ =	swait.ge [sflag:s23], $0x1  }
0xa3: {  	[sflag:s23] =	ssyncset.done $0x0  }
0xa4: {  	s25 =	simm.s32 $0x1B8E;
	s24 =	sld [smem:$0x3FFE];
	[sflag:s23] =	ssyncadd.s32 $0xFFFFFFFF  }
0xa5: {  	s26 =	simm.s32 $execute0_lowered;
	[smem:$0x3FD2] =	sst s25  }
0xa6: {  	s5 =	sshll.u32 s26, $0x1;
	_ =	strace $0x80000046;
	[dreg:$0x1] =	wrdreg $0xFFFFFFFF  }
0xa7: {  	s28 =	simm.s32 $_size_execute0_lowered;
	s3 =	sadd.s32 s3, s5;
	[dreg:$0x0] =	wrdreg $0x0  }
0xa8: {  	s5 =	sshll.u32 s28, $0x1;
	[dreg:$0x2] =	wrdreg s3  }
0xa9: {  	[dreg:$0x3] =	wrdreg s5  }
0xaa: {  	[dreg:$0x4] =	wrdreg $0xC0  }
0xab: {  	_ =	task [dreg:s7], $0x5FFFF  }
0xac: {  	[dreg:$0x1] =	wrdreg $0xFFFFFFFF  }
0xad: {  	[dreg:$0x0] =	wrdreg $0x60  }
0xae: {  	[dreg:$0x2] =	wrdreg s24  }
0xaf: {  	[dreg:$0x3] =	wrdreg s2  }
0xb0: {  	[dreg:$0x4] =	wrdreg $0x1CD000  }
0xb1: {  	[dreg:$0x5] =	wrdreg $0x1CE000  }
0xb2: {  	[dreg:$0x6] =	wrdreg $0x1DE000  }
0xb3: {  	[dreg:$0x7] =	wrdreg $0x9  }
0xb4: {  	_ =	task.clear_ibuf [dreg:s7], $0x8FFFF;
	_ =	strace $0x90000046  }
0xb5: {  	s29 =	simm.s32 $0x9;
	_ =	strace $0x80000048  }
0xb6: {  	_ =	swait.ge [sflag:s29], $0x1  }
0xb7: {  	[sflag:s29] =	ssyncadd.s32 $0xFFFFFFFF  }
0xb8: {  	_ =	strace $0x90000048  }
0xb9: {  	_ =	sfence  }
0xba: {  	s30 =	sld [smem:$0x0];
	_ =	sdelay $0x2  }
0xbb: {  	s31 =	sshll.u32 s1, $0xD;
	s1 =	sshrl.u32 s1, $0x2  }
0xbc: {  	s3 =	sand.u32 $0x4000, s31;
	s1 =	sadd.s32 s1, s30  }
0xbd: {  	s0 =	sor.u32 s3, s0;
	s1 =	sshll.u32 s1, $0x11  }
0xbe: {  	s0 =	sor.u32 s1, s0  }
0xbf: {  	s0 =	sadd.s32 $0x8F2B, s0  }
0xc0: {  	[sflag:s0] =	ssyncadd.remote.s32 $0x1  }
0xc1: {  	_ =	sfence.sel $0xFFFF  }
0xc2: {  	[dreg:$0x0] =	wrdreg $0xFFFFFFFF;
	(pc) =	sbr.abs _section_cstart, $3  }
0xc3: {  	[dreg:$0x1] =	wrdreg $0xFFFFFFFF  }
0xc4: {  	_ =	task.clear_ibuf [dreg:s7], $0x2FFFF;
	_ =	strace $0x9FFFFFFF  }
0xc5: {  	(tm) =	ssettm $0x7FFFFFFF  }
tec
execute0_lowered:
.L_overlay_start_1:
0x0: {  	(tag) =	ssettag $0x1  }
0x1: {  	s4 =	rddreg [dreg:$0x0];
	v0 =	vimm.s32 $0xEDCBA987;
	v1 =	vimm.s32 $0x6543210F;
	v2 =	vimm.s32 $0xDCBA9876  }
0x2: {  	s5 =	rddreg [dreg:$0x2];
	v3 =	vimm.s32 $0x543210FE;
	v8 =	vimm.s32 $0x3210FEDC;
	v9 =	vimm.s32 $0x10FEDCBA  }
0x3: {  	s0 =	srdreg.scid;
	s9 =	rddreg [dreg:$0x3];
	v10 =	vimm.s32 $0x98765432;
	v0 =	vunpack.c.l.s4.s8 v0;
	v1 =	vunpack.c.l.s4.s8 v1  }
0x4: {  	s12 =	stileid.u32;
	s10 =	rddreg [dreg:$0x4];
	s8 =	simm.s32 $0x0;
	v12 =	vimm.s32 $0x87654321;
	v2 =	vunpack.c.l.s4.s8 v2;
	v3 =	vunpack.c.l.s4.s8 v3  }
0x5: {  	s29 =	simm.s32 $0xB000;
	s30 =	simm.s32 $0xB380;
	vm0 =	vmmov $0x3;
	s1 =	sand.u32 $0x1, s0;
	v4 =	vunpack.c.0.s8.s32 v0;
	v5 =	vunpack.c.0.s8.s32 v1  }
0x6: {  	vm1 =	vmmov $0xf;
	s3 =	sshll.u32 s12, $0x7;
	s6 =	sshll.u32 s12, $0x8;
	[smem:$0x7FF] =	sst s8;
	v6 =	vunpack.c.0.s8.s32 v2;
	v7 =	vunpack.c.0.s8.s32 v3  }
0x7: {  	vm2 =	vmmov $0xff;
	s21 =	sadd.s32 $0xE00, s4;
	s22 =	sadd.s32 $0x800, s4;
	s23 =	sadd.s32 $0x200, s4;
	v3 =	vcombine.low v5, v4;
	v5 =	vimm.s32 $0xFEDCBA98  }
0x8: {  	s24 =	sadd.s32 $0x1800, s4;
	s13 =	sadd.s32 $0x1600, s4;
	s14 =	sadd.s32 $0x1400, s4;
	v4 =	vcombine.low v7, v6;
	v7 =	vimm.s32 $0x76543210;
	v5 =	vunpack.c.l.s4.s8 v5  }
0x9: {  	vm3 =	vmxor vm3, vm3;
	s28 =	sshll.u32 s12, $0xC;
	_ =	strace $0x80000047;
	[dreg:$0x6] =	wrdreg s21;
	v6 =	vimm.s32 $0xBA987654;
	v7 =	vunpack.c.l.s4.s8 v7  }
0xa: {  	vm4 =	vmmov $0x1fff;
	s31 =	sshll.u32 s12, $0x4;
	p0 =	sne.s32 s12, $0x0;
	[dreg:$0x7] =	wrdreg s22;
	v6 =	vunpack.c.l.s4.s8 v6;
	v5 =	vunpack.c.0.s8.s32 v5  }
0xb: {  	v8 =	vunpack.c.l.s4.s8 v8;
	v9 =	vunpack.c.l.s4.s8 v9;
	s2 =	sshll.u32 s1, $0xB;
	s20 =	sadd.s32 $0x100, s6;
	[dreg:$0x8] =	wrdreg s23;
	v7 =	vunpack.c.0.s8.s32 v7  }
0xc: {  	v12 =	vunpack.c.l.s4.s8 v12;
	[dreg:$0x9] =	wrdreg s24;
	s25 =	ssub.s32 $0x2, s1;
	s1 =	sshll.u32 s1, $0x1;
	v11 =	vunpack.c.0.s8.s32 v6;
	v5 =	vand.u32 $0xF, v5  }
0xd: {  	s15 =	sadd.s32 s6, s5;
	s16 =	sadd.s32 s28, s9;
	s17 =	sadd.s32 s31, s10;
	v6 =	vunpack.c.l.s4.s8 v10;
	v5 =	vcombine.low v5, v7;
	v7 =	vimm.s32 $0xFEDCBA9  }
.Ltmp0:
0xe: {  	s21 =	simm.s32 $0x2780;
	s22 =	simm.s32 $0x4F00;
	v1 =	vmov s20;
	v8 =	vunpack.c.0.s8.s32 v8;
	v13 =	vunpack.c.l.s4.s8 v7;
	(pc) =	sbr.rel .LBB2_1-.Ltmp0, $4  }
0xf: {  	s23 =	simm.s32 $0x0;
	s7 =	sor.u32 s3, s2;
	s26 =	sshrl.u32 s25, $0x1;
	v9 =	vunpack.c.0.s8.s32 v9;
	v12 =	vunpack.c.0.s8.s32 v12;
	v10 =	vunpack.c.0.s8.s32 v6  }
0x10: {  	s1 =	sadd.s32 s1, s4;
	s20 =	simm.s32 $0x1;
	s3 =	sshrl.u32 s7, $0x8;
	v6 =	vcombine.low v8, v11;
	v7 =	vcombine.low v11, v8;
	v11 =	vunpack.c.0.s8.s32 v13  }
0x11: {  	v0 =	vmov s6;
	s2 =	ssub.s32 s25, s26;
	s18 =	sadd.s32 $0x1A00, s1;
	s1 =	simm.s32 $0xB700;
	v2 =	vmov s3;
	v8 =	vimm.s32 $0x0  }
0x12: {  	s19 =	smax.u32 s2, $0x1;
	s2 =	simm.s32 $0xC780;
	s3 =	simm.s32 $0x7680;
	v9 =	vcombine.low v10, v9;
	v10 =	vlaneseq.u32;
	v11 =	vcombine.low v12, v11  }
.LBB2_40:
0x13: {  	[tilespmem:$0x1CB80] =	vst v18;
	s0 =	simm.s32 $0x1CB80  }
0x14: {  	[spmem:s17] =	stream.linear.scatter [tilespmem:s0], [sflag:$0x1], $0x10, $0x38;
	[tilespmem:$0x1DE10] =	vst v63  }
0x15: {  	_ =	swait.ge [sflag:s20], $0x10  }
0x16: {  	[sflag:s20] =	ssyncset.done $0x0  }
0x17: {  	[sflag:s20] =	ssyncadd.s32 $0xFFFFFFF0  }
0x18: {  	[bflag:$0x0] =	sbarrier.arrive $0xFFFF  }
0x19: {  	s0 =	simm.s32 @!p0 $0x1CC00;
	s4 =	rddreg [dreg:$0x4]  }
0x1a: {  	[tilespmem:s0], [sflag:$0x1] =	stream.linear.gather @!p0 [spmem:s4], $0x100, $0x38;
	[tilespmem:$0x1DE10] =	vst v63  }
0x1b: {  	s0 =	simm.s32 @!p0 $0x1  }
0x1c: {  	_ =	swait.ge @!p0 [sflag:s0], $0x100  }
0x1d: {  	[sflag:s0] =	ssyncset.done @!p0 $0x0  }
0x1e: {  	[sflag:s0] =	ssyncadd.s32 @!p0 $0xFFFFFF00  }
0x1f: {  	v12 =	vld @!p0 [tilespmem:$0x1CC00];
	_ =	sdelay $0x1  }
0x20: {  	v13 =	vld @!p0 [tilespmem:$0x1CC10];
	_ =	sdelay $0x1  }
0x21: {  	v14 =	vld @!p0 [tilespmem:$0x1CC20]  }
0x22: {  	v12 =	vadd.f32 @!p0 $0.0e+00, v12  }
0x23: {  	v15 =	vld @!p0 [tilespmem:$0x1CC30]  }
0x24: {  	v12 =	vadd.f32 @!p0 v13, v12  }
0x25: {  	v13 =	vld @!p0 [tilespmem:$0x1CC40]  }
0x26: {  	v12 =	vadd.f32 @!p0 v14, v12  }
0x27: {  	v14 =	vld @!p0 [tilespmem:$0x1CC50]  }
0x28: {  	v12 =	vadd.f32 @!p0 v15, v12  }
0x29: {  	v15 =	vld @!p0 [tilespmem:$0x1CC60]  }
0x2a: {  	v12 =	vadd.f32 @!p0 v13, v12  }
0x2b: {  	v13 =	vld @!p0 [tilespmem:$0x1CC70]  }
0x2c: {  	v12 =	vadd.f32 @!p0 v14, v12  }
0x2d: {  	v14 =	vld @!p0 [tilespmem:$0x1CC80]  }
0x2e: {  	v12 =	vadd.f32 @!p0 v15, v12  }
0x2f: {  	v15 =	vld @!p0 [tilespmem:$0x1CC90]  }
0x30: {  	v12 =	vadd.f32 @!p0 v13, v12  }
0x31: {  	v13 =	vld @!p0 [tilespmem:$0x1CCA0]  }
0x32: {  	v12 =	vadd.f32 @!p0 v14, v12  }
0x33: {  	v14 =	vld @!p0 [tilespmem:$0x1CCB0]  }
0x34: {  	v12 =	vadd.f32 @!p0 v15, v12  }
0x35: {  	v15 =	vld @!p0 [tilespmem:$0x1CCC0]  }
0x36: {  	v12 =	vadd.f32 @!p0 v13, v12  }
0x37: {  	v13 =	vld @!p0 [tilespmem:$0x1CCD0]  }
0x38: {  	v12 =	vadd.f32 @!p0 v14, v12  }
0x39: {  	v14 =	vld @!p0 [tilespmem:$0x1CCE0]  }
0x3a: {  	v12 =	vadd.f32 @!p0 v15, v12  }
0x3b: {  	v15 =	vld @!p0 [tilespmem:$0x1CCF0]  }
0x3c: {  	v12 =	vadd.f32 @!p0 v13, v12;
	_ =	sdelay $0x1  }
0x3d: {  	v12 =	vadd.f32 @!p0 v14, v12;
	_ =	sdelay $0x1  }
0x3e: {  	s23 =	sadd.s32 $0x1, s23;
	v12 =	vadd.f32 @!p0 v15, v12  }
0x3f: {  	p1 =	sne.s32 s23, s19  }
.Ltmp1:
0x40: {  	s5 =	simm.s32 @!p0 $0x1CB80;
	s4 =	simm.s32 @!p0 $0x0;
	[tilespmem:$0x1CB80] =	vst @!p0 v12;
	(pc) =	sbr.rel @!p1 .LBB2_41-.Ltmp1, $4  }
0x41: {  	[hbm4b:s18+s4] =	stream.linear.scatter @!p0 [tilespmem:s5], [sflag:$0x1], $0x10, $0x38;
	[tilespmem:$0x1DE10] =	vst v63  }
0x42: {  	_ =	swait.ge @!p0 [sflag:s0], $0x10  }
0x43: {  	[sflag:s0] =	ssyncset.done @!p0 $0x0  }
0x44: {  	[sflag:s0] =	ssyncadd.s32 @!p0 $0xFFFFFFF0  }
.LBB2_1:
0x45: {  	s0 =	rddreg [dreg:$0x6]  }
0x46: {  	[tilespmem:s8], [sflag:$0x1] =	stream.linear.gather [hbm4b:s0+s8], $0x2710, $0x38;
	[tilespmem:$0x1DE10] =	vst v63  }
0x47: {  	_ =	swait.ge [sflag:s20], $0x2710  }
0x48: {  	[sflag:s20] =	ssyncset.done $0x0  }
0x49: {  	s9 =	rddreg [dreg:$0x7];
	[sflag:s20] =	ssyncadd.s32 $0xFFFFD8F0  }
0x4a: {  	[tilespmem:s21], [sflag:$0x1] =	stream.linear.gather [hbm4b:s9+s8], $0x2710, $0x38;
	[tilespmem:$0x1DE10] =	vst v63  }
0x4b: {  	_ =	swait.ge [sflag:s20], $0x2710  }
0x4c: {  	[sflag:s20] =	ssyncset.done $0x0  }
0x4d: {  	s10 =	rddreg [dreg:$0x8];
	[sflag:s20] =	ssyncadd.s32 $0xFFFFD8F0  }
0x4e: {  	[tilespmem:s22], [sflag:$0x1] =	stream.linear.gather [hbm4b:s10+s8], $0x2710, $0x38;
	[tilespmem:$0x1DE10] =	vst v63  }
0x4f: {  	_ =	swait.ge [sflag:s20], $0x2710  }
0x50: {  	[sflag:s20] =	ssyncset.done $0x0  }
0x51: {  	[sflag:s20] =	ssyncadd.s32 $0xFFFFD8F0  }
0x52: {  	s4 =	simm.s32 $0x1C900;
	s11 =	rddreg [dreg:$0x1]  }
0x53: {  	[tilespmem:s4], [sflag:$0x1] =	stream.linear.gather [hbm4b:s11+s8], $0x80, $0x38;
	[tilespmem:$0x1DE10] =	vst v63  }
0x54: {  	_ =	swait.ge [sflag:s20], $0x80  }
0x55: {  	[sflag:s20] =	ssyncset.done $0x0  }
0x56: {  	s24 =	simm.s32 $0x1C980;
	s12 =	rddreg [dreg:$0x9];
	[sflag:s20] =	ssyncadd.s32 $0xFFFFFF80  }
0x57: {  	[tilespmem:s24], [sflag:$0x1] =	stream.linear.gather [hbm4b:s12+s8], $0x80, $0x38;
	[tilespmem:$0x1DE10] =	vst v63  }
0x58: {  	_ =	swait.ge [sflag:s20], $0x80  }
0x59: {  	[sflag:s20] =	ssyncset.done $0x0  }
0x5a: {  	s25 =	simm.s32 $0x1CA00;
	[sflag:s20] =	ssyncadd.s32 $0xFFFFFF80  }
0x5b: {  	[tilespmem:s25], [sflag:$0x1] =	stream.linear.gather [hbm4b:s13+s8], $0x80, $0x38;
	[tilespmem:$0x1DE10] =	vst v63  }
0x5c: {  	_ =	swait.ge [sflag:s20], $0x80  }
0x5d: {  	[sflag:s20] =	ssyncset.done $0x0  }
0x5e: {  	s26 =	simm.s32 $0x1CA80;
	[sflag:s20] =	ssyncadd.s32 $0xFFFFFF80  }
0x5f: {  	[tilespmem:s26], [sflag:$0x1] =	stream.linear.gather [hbm4b:s14+s8], $0x80, $0x38;
	[tilespmem:$0x1DE10] =	vst v63  }
0x60: {  	_ =	swait.ge [sflag:s20], $0x80  }
0x61: {  	[sflag:s20] =	ssyncset.done $0x0  }
0x62: {  	[sflag:s20] =	ssyncadd.s32 $0xFFFFFF80  }
0x63: {  	s31 =	simm.s32 $0x1CB00;
	s28 =	rddreg [dreg:$0x0]  }
0x64: {  	[tilespmem:s31], [sflag:$0x1] =	stream.linear.gather [hbm4b:s28+s8], $0x80, $0x38;
	[tilespmem:$0x1DE10] =	vst v63  }
0x65: {  	_ =	swait.ge [sflag:s20], $0x80  }
0x66: {  	[sflag:s20] =	ssyncset.done $0x0  }
0x67: {  	[sflag:s20] =	ssyncadd.s32 $0xFFFFFF80  }
0x68: {  	[tilespmem:$0x9E00] =	vst v8  }
0x69: {  	[tilespmem:$0x9E10] =	vst v8  }
0x6a: {  	[tilespmem:$0x9E20] =	vst v8  }
0x6b: {  	[tilespmem:$0x9E30] =	vst v8  }
0x6c: {  	[tilespmem:$0x9E40] =	vst v8  }
0x6d: {  	[tilespmem:$0x9E50] =	vst v8  }
0x6e: {  	[tilespmem:$0x9E60] =	vst v8  }
0x6f: {  	[tilespmem:$0x9E70] =	vst v8  }
0x70: {  	[tilespmem:$0x9E80] =	vst v8  }
0x71: {  	[tilespmem:$0x9E90] =	vst v8  }
0x72: {  	[tilespmem:$0x9EA0] =	vst v8  }
0x73: {  	[tilespmem:$0x9EB0] =	vst v8  }
0x74: {  	[tilespmem:$0x9EC0] =	vst v8  }
0x75: {  	[tilespmem:$0x9ED0] =	vst v8  }
0x76: {  	[tilespmem:$0x9EE0] =	vst v8  }
0x77: {  	s0 =	simm.s32 $0x40;
	s4 =	simm.s32 $0x0;
	[tilespmem:$0x9EF0] =	vst v8  }
.LBB2_2:
0x78: {  	p1 =	sne.s32 s0, $0x3FC0;
	[tilespmem:s4+$0x9F80] =	vst v8;
	s4 =	smov.u32 s0;
	s0 =	sadd.s32 $0x40, s0  }
.Ltmp2:
0x79: {  	(pc) =	sbr.rel @p1 .LBB2_2-.Ltmp2, $2  }
0x7a: {  	_ =	sdelay $0x2  }
0x7b: {  	s4 =	sshra.s32 s4, $0x2  }
0x7c: {  	[tilespmem:s4+$0x9F80] =	vst v8  }
0x7d: {  	[tilespmem:$0x1C800] =	vst v8  }
0x7e: {  	[tilespmem:$0x1C810] =	vst v8  }
0x7f: {  	[tilespmem:$0x1C820] =	vst v8  }
0x80: {  	[tilespmem:$0x1C830] =	vst v8  }
0x81: {  	[tilespmem:$0x1C840] =	vst v8  }
0x82: {  	[tilespmem:$0x1C850] =	vst v8  }
0x83: {  	[tilespmem:$0x1C860] =	vst v8  }
0x84: {  	[tilespmem:$0x1C870] =	vst v8  }
0x85: {  	[tilespmem:$0x1C880] =	vst v8  }
0x86: {  	[tilespmem:$0x1C890] =	vst v8  }
0x87: {  	[tilespmem:$0x1C8A0] =	vst v8  }
0x88: {  	[tilespmem:$0x1C8B0] =	vst v8  }
0x89: {  	[tilespmem:$0x1C8C0] =	vst v8  }
0x8a: {  	[tilespmem:$0x1C8D0] =	vst v8  }
0x8b: {  	[tilespmem:$0x1C8E0] =	vst v8  }
0x8c: {  	s25 =	simm.s32 $0x0;
	[tilespmem:$0x1C8F0] =	vst v8  }
0x8d: {  	s26 =	simm.s32 $0x2780;
	v12 =	vld [tilespmem:s25+$0x0]  }
0x8e: {  	s0 =	simm.s32 $0x4F00;
	v13 =	vld [tilespmem:s26+$0x0]  }
0x8f: {  	v14 =	vld [tilespmem:s0+$0x0];
	_ =	sdelay $0x3  }
0x90: {  	v15 =	vmul.f32 $1.600000000e+01, v12;
	v16 =	vmul.f32 $1.600000000e+01, v13  }
0x91: {  	v17 =	vmul.f32 $1.600000000e+01, v14  }
0x92: {  	v15 =	vtrunc.f32 v15;
	v16 =	vtrunc.f32 v16  }
0x93: {  	v17 =	vtrunc.f32 v17;
	v16 =	vcvt.f32.s32 v16  }
0x94: {  	v15 =	vcvt.f32.s32 v15;
	v17 =	vcvt.f32.s32 v17  }
0x95: {  	v16 =	vshll.u32 v16, $0x4  }
0x96: {  	v17 =	vshll.u32 v17, $0x8;
	v15 =	vadd.s32 v15, v16  }
0x97: {  	v15 =	vadd.s32 v17, v15  }
0x98: {  	vm5 =	vge.s32 v15, v0;
	vm6 =	vlt.s32 v15, v1  }
0x99: {  	vm6 =	vmand vm5, vm6  }
0x9a: {  	v16 =	vsel vm6, $0x1, v8  }
0x9b: {  	v17 =	vperm.xlane v16, v3  }
0x9c: {  	vm5 =	veq.s32 v10, $0x0  }
0x9d: {  	v17 =	vsel vm5, $0x0, v17  }
0x9e: {  	v16 =	vadd.s32 v16, v17  }
0x9f: {  	v17 =	vperm.xlane v16, v4;
	_ =	sdelay $0x1  }
0xa0: {  	v17 =	vsel vm0, $0x0, v17  }
0xa1: {  	v16 =	vadd.s32 v17, v16  }
0xa2: {  	v17 =	vperm.xlane v16, v6;
	_ =	sdelay $0x1  }
0xa3: {  	v17 =	vsel vm1, $0x0, v17  }
0xa4: {  	v16 =	vadd.s32 v17, v16  }
0xa5: {  	p1 =	por $0x1, $0x1;
	vm7 =	vmmov vm3;
	v17 =	vperm.xlane v16, v5  }
0xa6: {  	vm7 =	vmneg @p1 vm7  }
0xa7: {  	v13 =	vmul.f32 v13, v13;
	v18 =	vsel vm6, $0xFFFFFFFF, v8;
	v17 =	vsel vm2, $0x0, v17  }
0xa8: {  	v12 =	vmul.f32 v12, v12;
	v16 =	vadd.s32 v17, v16;
	v17 =	vadd.s32 s25, v18  }
0xa9: {  	vm6 =	vmand vm7, vm6;
	v17 =	vadd.s32 v16, v17;
	(v2sf) =	vpush v16, $0xF  }
0xaa: {  	v12 =	vadd.f32 v13, v12;
	v13 =	vmul.f32 v14, v14;
	v14 =	vnsel vm6, $0x340, v17;
	_ =	sdelay $0x1  }
0xab: {  	v12 =	vadd.f32 v13, v12  }
0xac: {  	s24 =	simm.s32 $0x7680  }
0xad: {  	[tilespmem:s24+$0x0] =	vst v12;
	v12 =	vor.u32 s25, v10  }
0xae: {  	[tilespmem:v14+s29+$0x0] =	vst.idx.msk $0xffff, v12  }
0xaf: {  	s26 =	simm.s32 $0x10;
	[tilespmem:v14+s30+$0x0] =	vst.idx.msk $0xffff, v15  }
0xb0: {  	s5 =	simm.s32 $0x2790;
	v13 =	vld [tilespmem:s26+$0x0]  }
0xb1: {  	s28 =	simm.s32 $0x4F10;
	v14 =	vld [tilespmem:s5+$0x0]  }
0xb2: {  	v12 =	vld [tilespmem:s28+$0x0];
	_ =	sdelay $0x2  }
0xb3: {  	v15 =	vmul.f32 $1.600000000e+01, v13  }
0xb4: {  	v16 =	vmul.f32 $1.600000000e+01, v14;
	v14 =	vmul.f32 v14, v14  }
0xb5: {  	s4 =	simm.s32 $0x20;
	s31 =	simm.s32 $0x10;
	v17 =	vmul.f32 $1.600000000e+01, v12;
	v15 =	vtrunc.f32 v15;
	s0 =	spop (v2sf)  }
.LBB2_4:
0xb6: {  	p1 =	seq.s32 s4, $0x2700;
	v16 =	vtrunc.f32 v16;
	s25 =	sadd.s32 s25, s0;
	s24 =	sadd.s32 $0x10, s24  }
0xb7: {  	s0 =	smov.u32 s4;
	s4 =	sadd.s32 $0x10, s4;
	v16 =	vcvt.f32.s32 v16;
	v17 =	vtrunc.f32 v17;
	p2 =	slt.s32 s25, $0x331  }
0xb8: {  	v15 =	vcvt.f32.s32 v15;
	v17 =	vcvt.f32.s32 v17  }
0xb9: {  	v16 =	vshll.u32 v16, $0x4  }
0xba: {  	v17 =	vshll.u32 v17, $0x8;
	v15 =	vadd.s32 v15, v16  }
0xbb: {  	v15 =	vadd.s32 v17, v15  }
0xbc: {  	vm6 =	vge.s32 v15, v0;
	vm7 =	vlt.s32 v15, v1  }
0xbd: {  	vm6 =	vmand vm6, vm7  }
0xbe: {  	v16 =	vsel vm6, $0xFFFFFFFF, v8;
	v17 =	vsel vm6, $0x1, v8  }
0xbf: {  	v18 =	vperm.xlane v17, v3;
	_ =	sdelay $0x1  }
0xc0: {  	v18 =	vsel vm5, $0x0, v18  }
0xc1: {  	v17 =	vadd.s32 v17, v18  }
0xc2: {  	v18 =	vperm.xlane v17, v4;
	_ =	sdelay $0x1  }
0xc3: {  	v18 =	vsel vm0, $0x0, v18  }
0xc4: {  	v17 =	vadd.s32 v18, v17  }
0xc5: {  	v18 =	vperm.xlane v17, v6;
	_ =	sdelay $0x1  }
0xc6: {  	v18 =	vsel vm1, $0x0, v18  }
0xc7: {  	v17 =	vadd.s32 v18, v17  }
0xc8: {  	v18 =	vperm.xlane v17, v5;
	_ =	sdelay $0x1  }
0xc9: {  	v13 =	vmul.f32 v13, v13;
	vm7 =	vmmov vm3;
	v18 =	vsel vm2, $0x0, v18  }
0xca: {  	vm7 =	vmneg @p2 vm7;
	v16 =	vadd.s32 s25, v16;
	v17 =	vadd.s32 v18, v17  }
0xcb: {  	vm6 =	vmand vm7, vm6;
	v16 =	vadd.s32 v17, v16;
	(v2sf) =	vpush v17, $0xF  }
0xcc: {  	v12 =	vmul.f32 v12, v12;
	v13 =	vadd.f32 v14, v13;
	v14 =	vnsel vm6, $0x340, v16;
	_ =	sdelay $0x1  }
0xcd: {  	v12 =	vadd.f32 v12, v13;
	_ =	sdelay $0x1  }
0xce: {  	[tilespmem:s24+$0x0] =	vst v12;
	v12 =	vor.u32 s26, v10;
	s26 =	smov.u32 s0  }
0xcf: {  	[tilespmem:v14+s29+$0x0] =	vst.idx.msk $0xffff, v12  }
0xd0: {  	s31 =	sadd.s32 $0x10, s31;
	[tilespmem:v14+s30+$0x0] =	vst.idx.msk $0xffff, v15  }
0xd1: {  	s5 =	sadd.s32 $0x10, s5;
	v13 =	vld [tilespmem:s31+$0x0]  }
0xd2: {  	s28 =	sadd.s32 $0x10, s28;
	v14 =	vld [tilespmem:s5+$0x0]  }
0xd3: {  	v12 =	vld [tilespmem:s28+$0x0]  }
.Ltmp3:
0xd4: {  	(pc) =	sbr.rel @!p1 .LBB2_4-.Ltmp3, $4  }
0xd5: {  	_ = 	snop  }
0xd6: {  	v15 =	vmul.f32 $1.600000000e+01, v13  }
0xd7: {  	v16 =	vmul.f32 $1.600000000e+01, v14;
	v14 =	vmul.f32 v14, v14  }
0xd8: {  	v15 =	vtrunc.f32 v15;
	v17 =	vmul.f32 $1.600000000e+01, v12;
	s0 =	spop (v2sf)  }
0xd9: {  	v16 =	vtrunc.f32 v16  }
0xda: {  	v16 =	vcvt.f32.s32 v16;
	v17 =	vtrunc.f32 v17  }
0xdb: {  	v15 =	vcvt.f32.s32 v15;
	v17 =	vcvt.f32.s32 v17  }
0xdc: {  	v16 =	vshll.u32 v16, $0x4  }
0xdd: {  	v17 =	vshll.u32 v17, $0x8;
	v15 =	vadd.s32 v15, v16  }
0xde: {  	v15 =	vadd.s32 v17, v15  }
0xdf: {  	vm5 =	vge.s32 v15, v0;
	vm6 =	vlt.s32 v15, v1  }
0xe0: {  	vm5 =	vmand vm5, vm6  }
0xe1: {  	v59 =	vsel vm5, $0x1, v8  }
0xe2: {  	v60 =	vperm.xlane v59, v3  }
0xe3: {  	vm6 =	veq.s32 v10, $0x0  }
0xe4: {  	v17 =	vsel vm6, $0x0, v60  }
0xe5: {  	v16 =	vadd.s32 v59, v17  }
0xe6: {  	v17 =	vperm.xlane v16, v4;
	_ =	sdelay $0x1  }
0xe7: {  	v17 =	vsel vm0, $0x0, v17  }
0xe8: {  	v16 =	vadd.s32 v17, v16  }
0xe9: {  	v17 =	vperm.xlane v16, v6;
	_ =	sdelay $0x1  }
0xea: {  	v17 =	vsel vm1, $0x0, v17  }
0xeb: {  	v16 =	vadd.s32 v17, v16  }
0xec: {  	v17 =	vperm.xlane v16, v5;
	_ =	sdelay $0x1  }
0xed: {  	v17 =	vsel vm2, $0x0, v17  }
0xee: {  	v16 =	vadd.s32 v17, v16  }
0xef: {  	(v2sf) =	vpush v16, $0xF;
	_ =	sdelay $0x8  }
0xf0: {  	v13 =	vmul.f32 v13, v13;
	_ =	sdelay $0x1  }
0xf1: {  	v12 =	vmul.f32 v12, v12;
	v13 =	vadd.f32 v14, v13  }
0xf2: {  	s0 =	sadd.s32 s25, s0  }
0xf3: {  	p1 =	slt.s32 s0, $0x331;
	v12 =	vadd.f32 v12, v13;
	v61 =	vsel vm5, $0xFFFFFFFF, v8;
	vm6 =	vmmov vm3  }
0xf4: {  	s4 =	sadd.s32 $0x10, s24;
	vm6 =	vmneg @p1 vm6;
	v17 =	vadd.s32 s0, v61  }
0xf5: {  	[tilespmem:s4+$0x0] =	vst v12;
	vm5 =	vmand vm6, vm5;
	v16 =	vadd.s32 v16, v17;
	s4 =	spop (v2sf)  }
0xf6: {  	v62 =	vnsel vm5, $0x340, v16;
	s5 =	sadd.s32 s0, s4  }
0xf7: {  	p1 =	slt.s32 s5, $0x1  }
.Ltmp4:
0xf8: {  	_ = 	snop;
	(pc) =	sbr.rel @p1 .LBB2_13-.Ltmp4, $4  }
0xf9: {  	_ = 	snop  }
0xfa: {  	v63 =	vor.u32 s26, v10  }
0xfb: {  	[tilespmem:v62+s29+$0x0] =	vst.idx.msk $0xffff, v63  }
0xfc: {  	[tilespmem:v62+s30+$0x0] =	vst.idx.msk $0xffff, v15  }
0xfd: {  	s24 =	sadd.s32 s0, s4  }
0xfe: {  	p2 =	sne.s32 s24, $0x1  }
.Ltmp5:
0xff: {  	_ = 	snop;
	(pc) =	sbr.rel @!p2 .LBB2_7-.Ltmp5, $2  }
0x100: {  	_ =	sdelay $0x2  }
0x101: {  	s0 =	simm.s32 $0x0;
	s25 =	simm.s32 $0x1;
	p1 =	por $0x0, $0x0  }
0x102: {  	s4 =	sand.u32 $0x7FFFFFF0, s0  }
0x103: {  	v12 =	vld [tilespmem:s4+$0xB380];
	_ =	sdelay $0x2  }
0x104: {  	s26 =	sand.u32 $0xF, s0  }
0x105: {  	v13 =	vmov s26  }
0x106: {  	v12 =	vperm.xlane v12, v13;
	_ =	sdelay $0x1  }
0x107: {  	(v2sf) =	vpush v12, $0x0;
	_ =	sdelay $0xe  }
0x108: {  	s28 =	spop (v2sf)  }
0x109: {  	s9 =	simm.s32 $0x1;
	s5 =	ssub.s32 s28, s6;
	p1 =	sne.s32 s28, s6  }
0x10a: {  	s10 =	sshra.s32 s5, $0x1F;
	s9 =	simm.s32 @!p1 $0x0  }
0x10b: {  	s0 =	sand.u32 $0xF, s28;
	s9 =	sor.u32 s9, s10  }
0x10c: {  	p2 =	sne.s32 s0, $0x0;
	p6 =	sne.s32 s9, $0x1  }
0x10d: {  	s31 =	sshrl.u32 s10, $0x1C;
	p1 =	por !p2, !p6  }
0x10e: {  	s0 =	sadd.s32 s31, s5;
	s9 =	simm.s32 $0x1;
	p1 =	por !p1, !p1  }
0x10f: {  	s0 =	sshrl.u32 s0, $0x4;
	s9 =	simm.s32 @!p1 $0x0  }
0x110: {  	s0 =	ssub.s32 s0, s9  }
0x111: {  	s0 =	sshll.u32 s0, $0x4  }
0x112: {  	v12 =	vld [tilespmem:s0+$0x9E00];
	_ =	sdelay $0x1  }
0x113: {  	s0 =	ssub.s32 s5, s0  }
0x114: {  	v14 =	vmov s0  }
0x115: {  	v14 =	vadd.s32 $0x10, v14  }
0x116: {  	v12 =	vperm.xlane v12, v14;
	_ =	sdelay $0x1  }
0x117: {  	(v2sf) =	vpush v12, $0x0;
	_ =	sdelay $0xe  }
0x118: {  	v12 =	vld [tilespmem:s4+$0xB000];
	s0 =	spop (v2sf)  }
0x119: {  	p3 =	sgt.s32 s0, $0xF  }
0x11a: {  	s4 =	sshll.u32 @!p3 s5, $0x4  }
0x11b: {  	s4 =	sadd.s32 @!p3 s4, s0  }
0x11c: {  	vm5 =	vcmask @!p3 $0x300;
	v14 =	vmov @!p3 s4  }
0x11d: {  	p2 =	sne.s32 s24, $0x2;
	v12 =	vperm.xlane v12, v13;
	v13 =	vmov @!p3 s5;
	v14 =	vnsel @!p3 vm5, $0x1000, v14  }
.Ltmp6:
0x11e: {  	v13 =	vnsel @!p3 vm5, $0x100, v13;
	(pc) =	sbr.rel @!p2 .LBB2_9-.Ltmp6, $4  }
0x11f: {  	_ = 	snop  }
0x120: {  	v15 =	vbroadcast @!p3 v12, $0x0  }
0x121: {  	s0 =	sadd.s32 @!p3 $0x1, s0;
	s4 =	simm.s32 @!p3 $0x9F80  }
0x122: {  	p1 =	por $0x1, $0x1;
	s5 =	simm.s32 $0x2;
	s9 =	simm.s32 @!p3 $0x9E00;
	v12 =	vmov @!p3 s0;
	[tilespmem:v14+s4+$0x0] =	vst.idx.msk @!p3 $0xffff, v15  }
.LBB2_10:
0x123: {  	s4 =	sand.u32 $0x7FFFFFF0, s25;
	[tilespmem:v13+s9+$0x0] =	vst.idx.msk @!p3 $0xffff, v12;
	s0 =	smov.u32 s5;
	s5 =	sadd.s32 $0x1, s5  }
0x124: {  	p2 =	sne.s32 s24, s5;
	v12 =	vld [tilespmem:s4+$0xB380];
	_ =	sdelay $0x2  }
0x125: {  	s9 =	sand.u32 $0xF, s25;
	s25 =	smov.u32 s0  }
0x126: {  	v14 =	vmov s9  }
0x127: {  	v12 =	vperm.xlane v12, v14;
	_ =	sdelay $0x1  }
0x128: {  	(v2sf) =	vpush v12, $0x0;
	_ =	sdelay $0xe  }
0x129: {  	s11 =	simm.s32 $0x1;
	s0 =	spop (v2sf)  }
0x12a: {  	s9 =	ssub.s32 s0, s6;
	p3 =	sne.s32 s0, s6;
	s0 =	sand.u32 $0xF, s0  }
0x12b: {  	s10 =	sshra.s32 s9, $0x1F;
	s11 =	simm.s32 @!p3 $0x0  }
0x12c: {  	s26 =	sshrl.u32 s10, $0x1C;
	s10 =	sor.u32 s11, s10  }
0x12d: {  	p4 =	sne.s32 s0, $0x0;
	s11 =	sadd.s32 s26, s9;
	p3 =	sne.s32 s10, $0x1  }
0x12e: {  	p3 =	por !p4, !p3  }
0x12f: {  	s10 =	simm.s32 $0x1;
	p3 =	por !p3, !p3  }
0x130: {  	s0 =	sshrl.u32 s11, $0x4;
	s10 =	simm.s32 @!p3 $0x0  }
0x131: {  	s0 =	ssub.s32 s0, s10  }
0x132: {  	s0 =	sshll.u32 s0, $0x4  }
0x133: {  	v12 =	vld [tilespmem:s0+$0x9E00];
	s0 =	ssub.s32 s9, s0  }
0x134: {  	v13 =	vmov s0;
	_ =	sdelay $0x2  }
0x135: {  	v13 =	vadd.s32 $0x10, v13  }
0x136: {  	v12 =	vperm.xlane v12, v13;
	_ =	sdelay $0x1  }
0x137: {  	(v2sf) =	vpush v12, $0x0;
	_ =	sdelay $0xe  }
0x138: {  	s0 =	spop (v2sf)  }
0x139: {  	v15 =	vld [tilespmem:s4+$0xB000];
	p3 =	sgt.s32 s0, $0xF  }
0x13a: {  	s4 =	sshll.u32 @!p3 s9, $0x4;
	v13 =	vmov @!p3 s9;
	s9 =	sadd.s32 @!p3 $0x1, s0  }
0x13b: {  	s0 =	sadd.s32 @!p3 s4, s0;
	v12 =	vmov @!p3 s9  }
0x13c: {  	vm5 =	vcmask @!p3 $0x300;
	v16 =	vmov @!p3 s0  }
0x13d: {  	v13 =	vnsel @!p3 vm5, $0x100, v13;
	v16 =	vnsel @!p3 vm5, $0x1000, v16  }
.Ltmp7:
0x13e: {  	v14 =	vperm.xlane v15, v14;
	(pc) =	sbr.rel @p2 .LBB2_10-.Ltmp7, $4  }
0x13f: {  	_ = 	snop  }
0x140: {  	v14 =	vbroadcast @!p3 v14, $0x0  }
0x141: {  	s0 =	simm.s32 @!p3 $0x9F80  }
0x142: {  	s9 =	simm.s32 @!p3 $0x9E00;
	[tilespmem:v16+s0+$0x0] =	vst.idx.msk @!p3 $0xffff, v14  }
0x143: {  	s0 =	smov.u32 s25  }
.LBB2_12:
0x144: {  	_ =	sdelay $0x2  }
0x145: {  	p1 =	por p3, !p1  }
0x146: {  	s4 =	sand.u32 $0x7FFFFFF0, s0;
	[tilespmem:v13+s9+$0x0] =	vst.idx.msk @!p1 $0xffff, v12  }
0x147: {  	v12 =	vld [tilespmem:s4+$0xB380];
	_ =	sdelay $0x2  }
0x148: {  	s26 =	sand.u32 $0xF, s0  }
0x149: {  	v61 =	vmov s26  }
0x14a: {  	v12 =	vperm.xlane v12, v61;
	_ =	sdelay $0x1  }
0x14b: {  	(v2sf) =	vpush v12, $0x0;
	_ =	sdelay $0xe  }
0x14c: {  	s28 =	spop (v2sf)  }
0x14d: {  	s9 =	simm.s32 $0x1;
	s5 =	ssub.s32 s28, s6;
	p1 =	sne.s32 s28, s6  }
0x14e: {  	s10 =	sshra.s32 s5, $0x1F;
	s9 =	simm.s32 @!p1 $0x0  }
0x14f: {  	s0 =	sand.u32 $0xF, s28;
	s9 =	sor.u32 s9, s10  }
0x150: {  	p2 =	sne.s32 s0, $0x0;
	p6 =	sne.s32 s9, $0x1  }
0x151: {  	s31 =	sshrl.u32 s10, $0x1C;
	p1 =	por !p2, !p6  }
0x152: {  	s0 =	sadd.s32 s31, s5;
	s9 =	simm.s32 $0x1;
	p1 =	por !p1, !p1  }
0x153: {  	s0 =	sshrl.u32 s0, $0x4;
	s9 =	simm.s32 @!p1 $0x0  }
0x154: {  	s0 =	ssub.s32 s0, s9  }
0x155: {  	s0 =	sshll.u32 s0, $0x4  }
0x156: {  	v62 =	vld [tilespmem:s0+$0x9E00];
	_ =	sdelay $0x1  }
0x157: {  	s0 =	ssub.s32 s5, s0  }
0x158: {  	v14 =	vmov s0  }
0x159: {  	v14 =	vadd.s32 $0x10, v14  }
0x15a: {  	v12 =	vperm.xlane v62, v14;
	_ =	sdelay $0x1  }
0x15b: {  	(v2sf) =	vpush v12, $0x0;
	_ =	sdelay $0xe  }
0x15c: {  	s0 =	spop (v2sf)  }
0x15d: {  	v63 =	vld [tilespmem:s4+$0xB000];
	p1 =	sgt.s32 s0, $0xF  }
0x15e: {  	s4 =	sshll.u32 @!p1 s5, $0x4  }
0x15f: {  	s4 =	sadd.s32 @!p1 s4, s0  }
0x160: {  	vm5 =	vcmask @!p1 $0x300;
	v14 =	vmov @!p1 s4  }
0x161: {  	v15 =	vmov @!p1 s5;
	v14 =	vnsel @!p1 vm5, $0x1000, v14  }
0x162: {  	v12 =	vperm.xlane v63, v61;
	v15 =	vnsel @!p1 vm5, $0x100, v15;
	_ =	sdelay $0x1  }
0x163: {  	v12 =	vbroadcast @!p1 v12, $0x0  }
0x164: {  	s0 =	sadd.s32 @!p1 $0x1, s0;
	s4 =	simm.s32 @!p1 $0x9F80  }
0x165: {  	v13 =	vmov @!p1 s0;
	s0 =	simm.s32 @!p1 $0x9E00;
	[tilespmem:v14+s4+$0x0] =	vst.idx.msk @!p1 $0xffff, v12  }
0x166: {  	[tilespmem:v15+s0+$0x0] =	vst.idx.msk @!p1 $0xffff, v13  }
.LBB2_13:
0x167: {  	s0 =	simm.s32 $0x9E00  }
0x168: {  	[spmem:s15] =	stream.linear.scatter [tilespmem:s0], [sflag:$0x1], $0x100, $0x38;
	[tilespmem:$0x1DE10] =	vst v63  }
0x169: {  	_ =	swait.ge [sflag:s20], $0x100  }
0x16a: {  	[sflag:s20] =	ssyncset.done $0x0  }
0x16b: {  	s26 =	simm.s32 $0x9F80;
	[sflag:s20] =	ssyncadd.s32 $0xFFFFFF00  }
0x16c: {  	[spmem:s16] =	stream.linear.scatter [tilespmem:s26], [sflag:$0x1], $0x1000, $0x38;
	[tilespmem:$0x1DE10] =	vst v63  }
0x16d: {  	_ =	swait.ge [sflag:s20], $0x1000  }
0x16e: {  	[sflag:s20] =	ssyncset.done $0x0  }
0x16f: {  	[sflag:s20] =	ssyncadd.s32 $0xFFFFF000  }
0x170: {  	[bflag:$0x0] =	sbarrier.arrive $0xFFFF  }
0x171: {  	s28 =	rddreg [dreg:$0x2]  }
0x172: {  	[tilespmem:s1], [sflag:$0x1] =	stream.linear.gather [spmem:s28], $0x1000, $0x38;
	[tilespmem:$0x1DE10] =	vst v63  }
0x173: {  	_ =	swait.ge [sflag:s20], $0x1000  }
0x174: {  	[sflag:s20] =	ssyncset.done $0x0  }
0x175: {  	[sflag:s20] =	ssyncadd.s32 $0xFFFFF000  }
0x176: {  	s31 =	rddreg [dreg:$0x3]  }
0x177: {  	[tilespmem:s2], [sflag:$0x1] =	stream.linear.gather [spmem:s31], $0x10000, $0x38;
	[tilespmem:$0x1DE10] =	vst v63  }
0x178: {  	_ =	swait.ge [sflag:s20], $0x10000  }
0x179: {  	[sflag:s20] =	ssyncset.done $0x0  }
0x17a: {  	[sflag:s20] =	ssyncadd.s32 $0xFFFF0000  }
0x17b: {  	v14 =	vld [tilespmem:$0x1CA00]  }
0x17c: {  	v17 =	vld [tilespmem:$0x1CB00]  }
.Ltmp8:
0x17d: {  	_ = 	snop;
	(pc) =	sbr.rel .LBB2_14-.Ltmp8, $4  }
0x17e: {  	_ = 	snop  }
0x17f: {  	v12 =	vld [tilespmem:$0x1C900]  }
0x180: {  	v18 =	vimm.f32 $0.0e+00;
	v13 =	vld [tilespmem:$0x1C980]  }
0x181: {  	s24 =	simm.s32 $0x0;
	v15 =	vld [tilespmem:$0x1CA80];
	v14 =	vadd.s32 v2, v14;
	v16 =	vbroadcast v17, $0x0;
	v17 =	vbroadcast v17, $0x1  }
.LBB2_39:
0x182: {  	s24 =	sadd.s32 $0x1, s24  }
0x183: {  	p1 =	sne.s32 s24, $0x80  }
.Ltmp9:
0x184: {  	_ = 	snop;
	(pc) =	sbr.rel @!p1 .LBB2_40-.Ltmp9, $1  }
0x185: {  	_ =	sdelay $0x3  }
.LBB2_14:
0x186: {  	s31 =	sor.u32 s7, s24;
	s0 =	sand.u32 $0xF, s24  }
0x187: {  	p1 =	seq.s32 s31, $0x0;
	p2 =	sne.s32 s0, $0x0  }
0x188: {  	p1 =	por !p1, !p2  }
0x189: {  	s4 =	simm.s32 $0xFFFFFFFF;
	p1 =	por !p1, !p1  }
0x18a: {  	s4 =	simm.s32 @!p1 $0x0  }
0x18b: {  	s4 =	sshll.u32 s4, $0x4  }
0x18c: {  	s4 =	sadd.s32 s31, s4  }
0x18d: {  	s4 =	sand.u32 $0xFFFFFFF0, s4  }
0x18e: {  	v19 =	vld [tilespmem:s4+$0xB700];
	_ =	sdelay $0x2  }
0x18f: {  	s28 =	sadd.s32 $0x10, s31  }
0x190: {  	v20 =	vmov s28  }
0x191: {  	v19 =	vperm.xlane v19, v20;
	_ =	sdelay $0x1  }
0x192: {  	(v2sf) =	vpush v19, $0x0;
	_ =	sdelay $0xe  }
0x193: {  	s25 =	spop (v2sf)  }
0x194: {  	p1 =	slt.s32 s25, $0x1  }
.Ltmp10:
0x195: {  	_ = 	snop;
	(pc) =	sbr.rel @p1 .LBB2_39-.Ltmp10, $1  }
0x196: {  	_ =	sdelay $0x3  }
0x197: {  	v20 =	vadd.s32 s31, v15  }
0x198: {  	vm5 =	vgt.s32 v20, $0x0  }
0x199: {  	v20 =	vnsel vm5, $0x0, v20  }
0x19a: {  	v20 =	vmin.u32 v20, $0xFFF;
	_ =	sdelay $0x3  }
0x19b: {  	s4 =	sshrl.u32 s31, $0x4  }
0x19c: {  	v21 =	vadd.s32 s0, v12;
	s4 =	sand.u32 $0xF, s4;
	v22 =	vld.idx.msk [tilespmem:v20+s1+$0x0], $0xffff  }
0x19d: {  	v21 =	vor.u32 v14, v21;
	v23 =	vadd.s32 s4, v13  }
0x19e: {  	v21 =	vor.u32 v23, v21  }
0x19f: {  	vm5 =	vlt.u32 v21, $0x10  }
0x1a0: {  	vm5 =	vmand vm5, vm4  }
0x1a1: {  	v21 =	vnsel vm5, $0x0, v22  }
0x1a2: {  	v22 =	vperm.xlane v21, v5;
	_ =	sdelay $0x1  }
0x1a3: {  	vm6 =	vgt.s32 v21, v22  }
0x1a4: {  	v22 =	vsel vm6, v21, v22  }
0x1a5: {  	v23 =	vperm.xlane v22, v7;
	_ =	sdelay $0x1  }
0x1a6: {  	vm6 =	vgt.s32 v22, v23  }
0x1a7: {  	v22 =	vsel vm6, v22, v23  }
0x1a8: {  	v23 =	vperm.xlane v22, v9;
	_ =	sdelay $0x1  }
0x1a9: {  	vm6 =	vgt.s32 v22, v23  }
0x1aa: {  	v22 =	vsel vm6, v22, v23  }
0x1ab: {  	v23 =	vperm.xlane v22, v11;
	_ =	sdelay $0x1  }
0x1ac: {  	vm6 =	vgt.s32 v22, v23  }
0x1ad: {  	v22 =	vsel vm6, v22, v23  }
0x1ae: {  	(v2sf) =	vpush v22, $0x0;
	_ =	sdelay $0xe  }
0x1af: {  	s0 =	spop (v2sf)  }
0x1b0: {  	p1 =	slt.s32 s0, $0x1  }
.Ltmp11:
0x1b1: {  	_ = 	snop;
	(pc) =	sbr.rel @p1 .LBB2_27-.Ltmp11, $2  }
0x1b2: {  	_ =	sdelay $0x2  }
0x1b3: {  	s26 =	simm.s32 $0x0;
	s4 =	simm.s32 $0x0  }
0x1b4: {  	p4 =	sne.s32 s0, $0x1  }
.Ltmp12:
0x1b5: {  	_ = 	snop;
	(pc) =	sbr.rel @!p4 .LBB2_17-.Ltmp12, $3  }
0x1b6: {  	_ =	sdelay $0x1  }
0x1b7: {  	v20 =	vshll.u32 v20, $0x4;
	s28 =	simm.s32 $0x0;
	s5 =	simm.s32 $0x1  }
0x1b8: {  	p1 =	por $0x0, $0x0;
	p2 =	por $0x0, $0x0;
	p3 =	por $0x0, $0x0;
	v22 =	vor.u32 $0x1, v20;
	v23 =	vmov s28  }
0x1b9: {  	p4 =	sne.s32 s0, $0x2  }
.Ltmp13:
0x1ba: {  	_ = 	snop;
	(pc) =	sbr.rel @!p4 .LBB2_19-.Ltmp13, $4  }
0x1bb: {  	vm6 =	vlt.s32 v23, v21  }
0x1bc: {  	vm7 =	vmand vm5, vm6  }
0x1bd: {  	v23 =	vsel vm7, $0x1, v8  }
0x1be: {  	s4 =	simm.s32 $0x2;
	p1 =	por $0x1, $0x1;
	vm6 =	vmmov vm7;
	(xrf0) =	vadd.scan.msk.s32 $0xffff, v23;
	v23 =	vmov s5  }
0x1bf: {  	_ =	sdelay $0x4  }
0x1c0: {  	vm7 =	vlt.s32 v23, v21;
	v23, _, _ =	vpop (xrf0)  }
0x1c1: {  	(v2sf) =	vpush v23, $0xF;
	_ =	sdelay $0x3  }
0x1c2: {  	vm7 =	vmand vm5, vm7  }
0x1c3: {  	p4 =	sne.s32 s0, $0x3;
	vm9 =	vmmov vm7  }
.Ltmp14:
0x1c4: {  	_ = 	snop;
	(pc) =	sbr.rel @!p4 .LBB2_21-.Ltmp14, $3  }
0x1c5: {  	_ =	sdelay $0x1  }
0x1c6: {  	v24 =	vsel vm7, $0x1, v8  }
0x1c7: {  	s10 =	simm.s32 $0x3;
	vm8 =	vmmov vm6;
	p2 =	por $0x1, $0x1;
	(xrf0) =	vadd.scan.msk.s32 $0xffff, v24;
	v23 =	vmov s4  }
0x1c8: {  	_ =	sdelay $0x4  }
0x1c9: {  	v26, _, _ =	vpop (xrf0)  }
0x1ca: {  	(v2sf) =	vpush v26, $0xF;
	_ =	sdelay $0x1  }
0x1cb: {  	vm7 =	vlt.s32 v23, v21  }
0x1cc: {  	v25 =	vld.idx.msk [tilespmem:v20+s2+$0x0], vm6;
	p4 =	sne.s32 s0, $0x4;
	vm7 =	vmand vm5, vm7  }
.Ltmp15:
0x1cd: {  	v24 =	vadd.s32 s28, v22;
	v23 =	vsel vm7, $0x1, v8;
	(pc) =	sbr.rel @!p4 .LBB2_23-.Ltmp15, $2  }
0x1ce: {  	(xrf0) =	vadd.scan.msk.s32 $0xffff, v23;
	_ =	sdelay $0x2  }
0x1cf: {  	s11 =	simm.s32 $0x4;
	vm10 =	vmmov vm9;
	p3 =	por $0x1, $0x1;
	s9 =	simm.s32 $0x0;
	vm12 =	vmmov vm7;
	v23 =	vmov s10;
	[tilespmem:s28+$0x1C800] =	vst.msk vm8, v25  }
.LBB2_24:
0x1d0: {  	vm11 =	vlt.s32 v23, v21;
	v25 =	vld.idx.msk [tilespmem:v24+s2+$0x0], vm9;
	vm9 =	vmmov vm7;
	s12 =	smov.u32 s11;
	s11 =	sadd.s32 $0x1, s11  }
0x1d1: {  	p4 =	sne.s32 s0, s11;
	vm7 =	vmand vm5, vm11  }
.Ltmp16:
0x1d2: {  	v24 =	vadd.s32 s5, v22;
	s5 =	smov.u32 s4;
	s4 =	smov.u32 s10;
	v23 =	vsel vm7, $0x1, v8;
	v26, _, _ =	vpop (xrf0);
	(pc) =	sbr.rel @p4 .LBB2_24-.Ltmp16, $4  }
0x1d3: {  	s10 =	smov.u32 s12;
	(xrf0) =	vadd.scan.msk.s32 $0xffff, v23;
	(v2sf) =	vpush v26, $0xF  }
0x1d4: {  	s12 =	spop (v2sf)  }
0x1d5: {  	s9 =	sadd.s32 s9, s12  }
0x1d6: {  	v23 =	vmov s10;
	[tilespmem:s9+$0x1C800] =	vst.msk vm10, v25;
	vm10 =	vmmov vm12;
	vm12 =	vmmov vm7  }
0x1d7: {  	vm11 =	vmmov vm9;
	s0 =	smov.u32 s5;
	s5 =	smov.u32 s4;
	vm9 =	vmmov vm12  }
.LBB2_26:
0x1d8: {  	vm12 =	vlt.s32 v23, v21  }
0x1d9: {  	vm5 =	vmand vm5, vm12  }
0x1da: {  	v62 =	vsel vm5, $0x1, v8  }
0x1db: {  	(xrf0) =	vadd.scan.msk.s32 $0xffff, v62;
	_ =	sdelay $0x3  }
0x1dc: {  	v21, _, _ =	vpop @p1 (xrf0)  }
0x1dd: {  	vm7 =	vmmov @p1 vm7;
	(v2sf) =	vpush @p1 v21, $0xF  }
0x1de: {  	v23 =	vadd.s32 @p2 s0, v22;
	vm6 =	vmmov @p1 vm7;
	v21 =	vld.idx.msk @p2 [tilespmem:v24+s2+$0x0], vm11;
	v63, _, _ =	vpop (xrf0)  }
0x1df: {  	v23 =	vpsel p2, v23, v20;
	(v2sf) =	vpush v63, $0xF  }
0x1e0: {  	s0 =	spop @p3 (v2sf)  }
0x1e1: {  	s4 =	smov.u32 s28;
	s0 =	sadd.s32 @p3 s9, s0  }
0x1e2: {  	s4 =	smov.u32 @p3 s0;
	s0 =	smov.u32 s28  }
0x1e3: {  	s0 =	smov.u32 @p1 s5;
	[tilespmem:s4+$0x1C800] =	vst.msk @p2 vm10, v21  }
0x1e4: {  	vm5 =	vmmov vm5;
	v22 =	vadd.s32 @p1 s0, v22;
	v21 =	vld.idx.msk @p1 [tilespmem:v23+s2+$0x0], vm6  }
0x1e5: {  	v20 =	vpsel p1, v22, v20  }
0x1e6: {  	s0 =	spop @p2 (v2sf)  }
0x1e7: {  	vm6 =	vmmov @p1 vm9;
	s0 =	sadd.s32 @p2 s4, s0;
	s4 =	smov.u32 s28  }
0x1e8: {  	vm8 =	vmmov @p1 vm6;
	s4 =	smov.u32 @p2 s0  }
0x1e9: {  	[tilespmem:s4+$0x1C800] =	vst.msk @p1 vm8, v21  }
0x1ea: {  	v20 =	vld.idx.msk [tilespmem:v20+s2+$0x0], vm5;
	_ =	sdelay $0x1  }
0x1eb: {  	s0 =	spop @p1 (v2sf)  }
0x1ec: {  	s0 =	sadd.s32 @p1 s4, s0  }
0x1ed: {  	vm5 =	vmmov vm5;
	s28 =	smov.u32 @p1 s0;
	s12 =	spop (v2sf)  }
0x1ee: {  	[tilespmem:s28+$0x1C800] =	vst.msk vm5, v20;
	s4 =	sadd.s32 s28, s12  }
.LBB2_27:
0x1ef: {  	s0 =	sadd.s32 $0xF, s4  }
0x1f0: {  	s5 =	sand.u32 $0xF, s0  }
0x1f1: {  	s12 =	sshra.s32 s0, $0x1F;
	p2 =	slt.s32 s0, $0x1;
	p1 =	sne.s32 s5, $0x0  }
.Ltmp17:
0x1f2: {  	s5 =	sshrl.u32 s12, $0x1C;
	p1 =	por !p2, !p1;
	(pc) =	sbr.rel .LBB2_28-.Ltmp17, $4  }
0x1f3: {  	s0 =	sadd.s32 s5, s0;
	s5 =	simm.s32 $0x1;
	p1 =	por !p1, !p1  }
0x1f4: {  	s9 =	sshll.u32 s31, $0x4;
	v20 =	vbroadcast v19, $0x0;
	s0 =	sshra.s32 s0, $0x4;
	s5 =	simm.s32 @!p1 $0x0  }
0x1f5: {  	s28 =	sand.u32 $0x3FFFFFF0, s9;
	s31 =	ssub.s32 s0, s5  }
0x1f6: {  	v19 =	vld [tilespmem:s28+$0xC780];
	vm5 =	vgt.s32 v20, v10;
	p1 =	slt.s32 s31, $0x1  }
.LBB2_30:
0x1f7: {  	v33 =	vmov v36;
	v28 =	vmov v36;
	s28 =	smov.u32 s4;
	v29 =	vmov v18  }
.LBB2_37:
0x1f8: {  	_ =	sdelay $0x3  }
0x1f9: {  	v31 =	vmul.f32 @p2 v34, v34;
	v32 =	vadd.f32 @p3 v44, v43;
	v34 =	vmul.f32 @p3 v45, v23;
	v33 =	vld.idx.msk [tilespmem:v33+s21+$0x0], $0xffff;
	v35 =	vpop @p3 (erf)  }
0x1fa: {  	vm6 =	vgt.s32 @p3 v30, v10;
	v49 =	vld.idx.msk [tilespmem:v28+s22+$0x0], $0xffff;
	v30 =	vmul.f32 @p3 v35, v35;
	v40 =	vadd.f32 @p3 v40, v22  }
0x1fb: {  	v31 =	vadd.f32 @p2 v31, v42;
	v32 =	vadd.f32 @p3 v34, v32;
	v34 =	vmul.f32 @p2 v41, v41  }
0x1fc: {  	v41 =	vshrl.u32 @p2 v38, $0x10;
	v30 =	vmul.f32 @p3 v30, v35;
	v26 =	vsub.f32 v26, v27  }
0x1fd: {  	v35 =	vshrl.u32 @p2 v37, $0x10;
	v32 =	vadd.f32 @p3 v32, v32;
	v31 =	vadd.f32 @p2 v34, v31  }
0x1fe: {  	v34 =	vshrl.u32 @p2 v39, $0x10;
	v42 =	vmul.f32 @p3 v30, v16;
	v25 =	vsub.f32 v25, v33  }
0x1ff: {  	v34 =	vand.u32 @p2 $0x1, v34;
	v24 =	vsub.f32 v24, v49;
	v32 =	vsub.f32 @p3 v40, v32  }
0x200: {  	v26 =	vmul.f32 v26, v26;
	(erf) = vrcp.f32 @p2 v31;
	v31 =	vand.u32 @p2 $0x1, v35  }
0x201: {  	v35 =	vand.u32 @p2 $0x1, v41;
	v31 =	vadd.s32 @p2 v31, v37;
	vm7 =	vgt.f32 @p3 v32, $1.000000100e-12  }
0x202: {  	vm6 =	vmand @p3 vm6, vm7;
	vm7 =	vlt.f32 @p3 v32, $1.599999840e-03;
	v32 =	vadd.s32 @p2 v34, v39  }
0x203: {  	v25 =	vmul.f32 v25, v25;
	v31 =	vadd.s32 @p2 $0x7FFF, v31;
	v32 =	vadd.s32 @p2 $0x7FFF, v32  }
0x204: {  	v24 =	vmul.f32 v24, v24;
	v31 =	vand.u32 @p2 $0xFFFF0000, v31;
	v32 =	vand.u32 @p2 $0xFFFF0000, v32  }
0x205: {  	v25 =	vadd.f32 v25, v26;
	v31 =	vmul.f32 @p2 v31, v20;
	v32 =	vmul.f32 @p2 v32, v21  }
0x206: {  	s0 =	sadd.s32 @p3 $0xFFFFFFF0, s28;
	s5 =	smov.u32 s4;
	v41 =	vsub.f32 @p3 v42, v17;
	v35 =	vadd.s32 @p2 v35, v38  }
0x207: {  	s5 =	smov.u32 @p3 s0;
	v34 =	vld.idx.msk @p2 [tilespmem:v36+s3+$0x0], $0xffff;
	v24 =	vadd.f32 v24, v25;
	v25 =	vpsel p2, v31, v0;
	v31 =	vpsel p2, v32, v0  }
0x208: {  	v43 =	vmov @p2 s5;
	v50 =	vshrl.u32 v27, $0x10;
	v26 =	vadd.s32 @p2 $0x7FFF, v35  }
0x209: {  	v51 =	vshrl.u32 v33, $0x10;
	v30 =	vmul.f32 @p3 v41, v30;
	v26 =	vand.u32 @p2 $0xFFFF0000, v26  }
0x20a: {  	v26 =	vpsel p2, v26, v0;
	v25 =	vadd.f32 @p2 v31, v25;
	v31 =	vpop @p2 (erf);
	(erf) = vrcp.f32 v24  }
0x20b: {  	v52 =	vshrl.u32 v49, $0x10;
	vm6 =	vmand @p3 vm7, vm6;
	v26 =	vmul.f32 @p2 v26, v23  }
0x20c: {  	v54 =	vand.u32 $0x1, v52;
	v24 =	vnsel @p3 vm6, $0x0, v30;
	v30 =	vpsel p2, v34, v0  }
0x20d: {  	v25 =	vadd.f32 @p2 v26, v25;
	v26 =	vand.u32 $0x1, v50;
	v34 =	vand.u32 $0x1, v51  }
0x20e: {  	v32 =	vmul.f32 @p2 v31, v31;
	v26 =	vadd.s32 v26, v27;
	v53 =	vadd.s32 v34, v33  }
0x20f: {  	v30 =	vadd.f32 @p2 v30, v22;
	v26 =	vadd.s32 $0x7FFF, v26;
	v27 =	vadd.s32 $0x7FFF, v53  }
0x210: {  	v56 =	vld.idx.msk [tilespmem:v28+s3+$0x0], $0xffff;
	v33 =	vadd.s32 v54, v49;
	v26 =	vand.u32 $0xFFFF0000, v26;
	v27 =	vand.u32 $0xFFFF0000, v27  }
0x211: {  	v33 =	vadd.s32 $0x7FFF, v33;
	v20 =	vmul.f32 v26, v20;
	v55 =	vmul.f32 v27, v21  }
0x212: {  	v25 =	vadd.f32 @p2 v25, v25;
	v57 =	vand.u32 $0xFFFF0000, v33;
	v26 =	vmul.f32 @p2 v32, v31  }
0x213: {  	v31 =	vpsel p2, v43, v0;
	v58 =	vmul.f32 v57, v23;
	v20 =	vadd.f32 v55, v20;
	v59 =	vpop (erf)  }
0x214: {  	v25 =	vsub.f32 @p2 v30, v25;
	v28 =	vmul.f32 @p2 v26, v16;
	v60 =	vmul.f32 v59, v59  }
0x215: {  	v61 =	vadd.f32 v56, v22;
	vm6 =	vgt.s32 @p2 v31, v10;
	v20 =	vadd.f32 v58, v20  }
0x216: {  	vm7 =	vgt.f32 @p2 v25, $1.000000100e-12;
	v21 =	vsub.f32 @p2 v28, v17;
	v23 =	vmul.f32 v60, v59  }
0x217: {  	s0 =	sadd.s32 @p2 $0xFFFFFFF0, s5;
	s5 =	smov.u32 s4;
	v24 =	vadd.f32 @p3 v24, v29;
	vm6 =	vmand @p2 vm6, vm7;
	v20 =	vadd.f32 v20, v20  }
0x218: {  	s5 =	smov.u32 @p2 s0;
	vm7 =	vlt.f32 @p2 v25, $1.599999840e-03;
	v21 =	vmul.f32 @p2 v21, v26;
	v62 =	vmul.f32 v23, v16  }
0x219: {  	v63 =	vmov s5;
	vm6 =	vmand @p2 vm7, vm6;
	v20 =	vsub.f32 v61, v20  }
0x21a: {  	v24 =	vpsel p3, v24, v18;
	v21 =	vnsel @p2 vm6, $0x0, v21;
	v25 =	vsub.f32 v62, v17  }
0x21b: {  	vm6 =	vgt.s32 v63, v10;
	v21 =	vadd.f32 @p2 v21, v24;
	vm7 =	vgt.f32 v20, $1.000000100e-12  }
0x21c: {  	vm6 =	vmand vm6, vm7;
	vm7 =	vlt.f32 v20, $1.599999840e-03;
	v20 =	vmul.f32 v25, v23  }
0x21d: {  	vm6 =	vmand vm7, vm6  }
0x21e: {  	v18 =	vpsel p2, v21, v18;
	v20 =	vnsel vm6, $0x0, v20  }
0x21f: {  	v18 =	vadd.f32 v20, v18  }
.LBB2_38:
0x220: {  	s26 =	sadd.s32 $0x1, s26  }
0x221: {  	p2 =	sne.s32 s26, s25  }
.Ltmp18:
0x222: {  	_ = 	snop;
	(pc) =	sbr.rel @!p2 .LBB2_39-.Ltmp18, $1  }
0x223: {  	_ =	sdelay $0x3  }
.LBB2_28:
0x224: {  	_ =	sdelay $0x2  }
0x225: {  	v20 =	vmov s26  }
0x226: {  	v27 =	vperm.xlane v19, v20;
	_ =	sdelay $0x1  }
0x227: {  	(v2sf) =	vpush v27, $0x0;
	_ =	sdelay $0xe  }
0x228: {  	s0 =	spop (v2sf)  }
0x229: {  	s5 =	sand.u32 $0xF, s0  }
0x22a: {  	s9 =	sshra.s32 s0, $0x1F;
	p2 =	slt.s32 s0, $0x1;
	p3 =	sne.s32 s5, $0x0  }
0x22b: {  	s28 =	sshrl.u32 s9, $0x1C;
	p2 =	por !p2, !p3  }
0x22c: {  	s9 =	simm.s32 $0x1;
	s5 =	sadd.s32 s28, s0;
	p2 =	por !p2, !p2  }
0x22d: {  	s5 =	sshrl.u32 s5, $0x4;
	s9 =	simm.s32 @!p2 $0x0  }
0x22e: {  	s5 =	ssub.s32 s5, s9  }
0x22f: {  	s5 =	sshll.u32 s5, $0x4  }
0x230: {  	v20 =	vld [tilespmem:s5+$0x0];
	s0 =	ssub.s32 s0, s5  }
0x231: {  	v22 =	vld [tilespmem:s5+$0x2780];
	v21 =	vmov s0  }
0x232: {  	v21 =	vshrl.u32 v21, $0x1B  }
0x233: {  	v23 =	vld [tilespmem:s5+$0x4F00];
	v21 =	vand.u32 $0x10, v21  }
0x234: {  	v29 =	vld.idx.msk [tilespmem:v19+s8+$0x0], $0xffff;
	v28 =	vadd.s32 s0, v21  }
0x235: {  	v30 =	vld.idx.msk [tilespmem:v19+s21+$0x0], $0xffff;
	v20 =	vperm.xlane v20, v28  }
0x236: {  	v21 =	vperm.xlane v22, v28  }
0x237: {  	v22 =	vld.idx.msk [tilespmem:v19+s22+$0x0], $0xffff;
	v26 =	vbroadcast v20, $0x0  }
0x238: {  	v25 =	vbroadcast v21, $0x0;
	v20 =	vperm.xlane v23, v28;
	_ =	sdelay $0x1  }
0x239: {  	v24 =	vbroadcast v20, $0x0;
	v20 =	vsub.f32 v26, v29;
	v21 =	vsub.f32 v25, v30;
	_ =	sdelay $0x1  }
0x23a: {  	v23 =	vsub.f32 v24, v22;
	v20 =	vmul.f32 v20, v20;
	v21 =	vmul.f32 v21, v21;
	_ =	sdelay $0x1  }
0x23b: {  	v20 =	vadd.f32 v21, v20;
	v21 =	vmul.f32 v23, v23  }
0x23c: {  	v54 =	vshrl.u32 v29, $0x10;
	v32 =	vshrl.u32 v30, $0x10  }
0x23d: {  	v32 =	vand.u32 $0x1, v32;
	v31 =	vshrl.u32 v26, $0x10;
	v20 =	vadd.f32 v21, v20  }
0x23e: {  	v52 =	vshrl.u32 v25, $0x10;
	v30 =	vadd.s32 v32, v30;
	v55 =	vshrl.u32 v22, $0x10  }
0x23f: {  	v30 =	vadd.s32 $0x7FFF, v30;
	v23 =	vand.u32 $0x1, v31;
	(erf) = vrcp.f32 v20  }
0x240: {  	v53 =	vshrl.u32 v24, $0x10;
	v31 =	vand.u32 $0x1, v52;
	v23 =	vadd.s32 v23, v26  }
0x241: {  	v21 =	vadd.s32 $0x7FFF, v23;
	v23 =	vadd.s32 v31, v25;
	v31 =	vand.u32 $0x1, v54  }
0x242: {  	v30 =	vand.u32 $0xFFFF0000, v30;
	v23 =	vadd.s32 $0x7FFF, v23;
	v29 =	vadd.s32 v31, v29  }
0x243: {  	v33 =	vld [tilespmem:s5+$0x7680];
	v31 =	vand.u32 $0x1, v55;
	v20 =	vand.u32 $0xFFFF0000, v21;
	v21 =	vand.u32 $0xFFFF0000, v23  }
0x244: {  	v23 =	vand.u32 $0x1, v53;
	v29 =	vadd.s32 $0x7FFF, v29;
	v22 =	vadd.s32 v31, v22  }
0x245: {  	v23 =	vadd.s32 v23, v24;
	v29 =	vand.u32 $0xFFFF0000, v29;
	v22 =	vadd.s32 $0x7FFF, v22  }
0x246: {  	v30 =	vmul.f32 v30, v21;
	v23 =	vadd.s32 $0x7FFF, v23;
	v29 =	vmul.f32 v29, v20  }
0x247: {  	v56 =	vld.idx.msk [tilespmem:v19+s3+$0x0], $0xffff;
	v22 =	vand.u32 $0xFFFF0000, v22;
	v23 =	vand.u32 $0xFFFF0000, v23  }
0x248: {  	v28 =	vperm.xlane v33, v28;
	v29 =	vadd.f32 v30, v29;
	v57 =	vmul.f32 v22, v23;
	v58 =	vpop (erf)  }
0x249: {  	v59 =	vmul.f32 v58, v58  }
0x24a: {  	v22 =	vbroadcast v28, $0x0;
	v60 =	vadd.f32 v57, v29  }
0x24b: {  	v61 =	vmul.f32 v59, v58  }
0x24c: {  	v62 =	vadd.f32 v56, v22;
	v28 =	vadd.f32 v60, v60  }
0x24d: {  	v27 =	vbroadcast v27, $0x0;
	v63 =	vmul.f32 v61, v16  }
0x24e: {  	v28 =	vsub.f32 v62, v28  }
0x24f: {  	vm6 =	vgt.s32 v19, v27;
	v27 =	vsub.f32 v63, v17  }
0x250: {  	vm6 =	vmand vm5, vm6;
	vm7 =	vgt.f32 v28, $1.000000100e-12  }
.Ltmp19:
0x251: {  	vm6 =	vmand vm6, vm7;
	vm7 =	vlt.f32 v28, $1.599999840e-03;
	v27 =	vmul.f32 v27, v61;
	(pc) =	sbr.rel @p1 .LBB2_38-.Ltmp19, $4  }
0x252: {  	vm6 =	vmand vm7, vm6  }
0x253: {  	v27 =	vnsel vm6, $0x0, v27  }
0x254: {  	v18 =	vadd.f32 v27, v18  }
0x255: {  	s0 =	simm.s32 $0x1C800  }
0x256: {  	v36 =	vld [tilespmem:s0+$0x0];
	_ =	sdelay $0x2  }
0x257: {  	p4 =	sne.s32 s31, $0x1  }
.Ltmp20:
0x258: {  	_ = 	snop;
	(pc) =	sbr.rel @!p4 .LBB2_30-.Ltmp20, $2  }
0x259: {  	_ =	sdelay $0x2  }
0x25a: {  	s0 =	sadd.s32 $0xFFFFFFFF, s31;
	p2 =	por $0x0, $0x0;
	p3 =	por $0x0, $0x0;
	v27 =	vld.idx.msk [tilespmem:v36+s8+$0x0], $0xffff  }
0x25b: {  	_ = 	snop  }
0x25c: {  	s5 =	simm.s32 $0x1C810  }
0x25d: {  	v31 =	vld [tilespmem:s5+$0x0];
	_ =	sdelay $0x1  }
0x25e: {  	v39 =	vld.idx.msk [tilespmem:v36+s21+$0x0], $0xffff  }
0x25f: {  	v38 =	vld.idx.msk [tilespmem:v36+s22+$0x0], $0xffff;
	p4 =	sne.s32 s0, $0x1  }
.Ltmp21:
0x260: {  	_ = 	snop;
	(pc) =	sbr.rel @!p4 .LBB2_32-.Ltmp21, $3  }
0x261: {  	_ = 	snop  }
0x262: {  	v28 =	vsub.f32 v26, v27;
	_ =	sdelay $0x1  }
0x263: {  	s0 =	sadd.s32 $0xFFFFFFFF, s0;
	p2 =	por $0x1, $0x1;
	v34 =	vsub.f32 v25, v39;
	v41 =	vsub.f32 v24, v38;
	v42 =	vmul.f32 v28, v28;
	v32 =	vld.idx.msk [tilespmem:v31+s8+$0x0], $0xffff  }
0x264: {  	_ = 	snop  }
0x265: {  	v28 =	vmul.f32 v34, v34;
	_ =	sdelay $0x1  }
0x266: {  	v29 =	vmul.f32 v41, v41;
	v28 =	vadd.f32 v28, v42;
	_ =	sdelay $0x1  }
0x267: {  	v28 =	vadd.f32 v29, v28  }
0x268: {  	s5 =	simm.s32 $0x1C820  }
0x269: {  	v33 =	vld [tilespmem:s5+$0x0];
	(erf) = vrcp.f32 v28  }
0x26a: {  	v37 =	vshrl.u32 v27, $0x10;
	v59 =	vshrl.u32 v39, $0x10  }
0x26b: {  	v35 =	vld.idx.msk [tilespmem:v31+s21+$0x0], $0xffff;
	v40 =	vshrl.u32 v38, $0x10;
	v60 =	vand.u32 $0x1, v37;
	v41 =	vand.u32 $0x1, v59  }
0x26c: {  	p4 =	sne.s32 s0, $0x1;
	v37 =	vld.idx.msk [tilespmem:v31+s22+$0x0], $0xffff;
	v61 =	vand.u32 $0x1, v40;
	v27 =	vadd.s32 v60, v27;
	v28 =	vadd.s32 v41, v39  }
.Ltmp22:
0x26d: {  	v62 =	vadd.s32 v61, v38;
	v29 =	vsub.f32 v26, v32;
	v28 =	vadd.s32 $0x7FFF, v28;
	(pc) =	sbr.rel @!p4 .LBB2_34-.Ltmp22, $4  }
0x26e: {  	v27 =	vadd.s32 $0x7FFF, v27;
	v63 =	vadd.s32 $0x7FFF, v62;
	v28 =	vand.u32 $0xFFFF0000, v28  }
0x26f: {  	v27 =	vand.u32 $0xFFFF0000, v27;
	v45 =	vand.u32 $0xFFFF0000, v63  }
0x270: {  	v40 =	vld.idx.msk [tilespmem:v36+s3+$0x0], $0xffff;
	v34 =	vsub.f32 v25, v35;
	v43 =	vmul.f32 v27, v20;
	v44 =	vmul.f32 v28, v21  }
0x271: {  	v30 =	vmov s4;
	s0 =	sadd.s32 $0xFFFFFFFF, s0;
	p3 =	por $0x1, $0x1;
	s28 =	smov.u32 s4;
	v41 =	vsub.f32 v24, v37;
	v42 =	vmul.f32 v29, v29;
	v27 =	vld.idx.msk [tilespmem:v33+s8+$0x0], $0xffff;
	v29 =	vmovc v18;
	v28 =	vmovc v33  }
.LBB2_35:
0x272: {  	p4 =	sne.s32 s0, $0x1;
	v36 =	vld.idx.msk [tilespmem:v33+s21+$0x0], $0xffff;
	v33 =	vmul.f32 v34, v34;
	v34 =	vadd.f32 v44, v43;
	v38 =	vmul.f32 v45, v23;
	s28 =	sadd.s32 $0xFFFFFFF0, s28;
	v39 =	vpop (erf)  }
0x273: {  	vm6 =	vgt.s32 v30, v10;
	v30 =	vmov s28;
	v43 =	vmul.f32 v39, v39  }
0x274: {  	v41 =	vmul.f32 v41, v41;
	v33 =	vadd.f32 v33, v42;
	v34 =	vadd.f32 v38, v34  }
0x275: {  	v38 =	vshrl.u32 v37, $0x10;
	v40 =	vadd.f32 v40, v22;
	v39 =	vmul.f32 v43, v39  }
0x276: {  	v42 =	vshrl.u32 v32, $0x10;
	v41 =	vadd.f32 v41, v33;
	v43 =	vadd.f32 v34, v34  }
0x277: {  	s5 =	sadd.s32 $0x10, s5;
	v44 =	vshrl.u32 v35, $0x10;
	v45 =	vsub.f32 v26, v27;
	v46 =	vmul.f32 v39, v16  }
0x278: {  	v34 =	vsub.f32 v25, v36;
	v33 =	vld [tilespmem:s5+$0x0];
	(erf) = vrcp.f32 v41;
	v40 =	vsub.f32 v40, v43  }
0x279: {  	v38 =	vand.u32 $0x1, v38;
	v41 =	vand.u32 $0x1, v42;
	v42 =	vsub.f32 v46, v17  }
0x27a: {  	v38 =	vadd.s32 v38, v37;
	v43 =	vand.u32 $0x1, v44;
	v37 =	vld.idx.msk [tilespmem:v28+s22+$0x0], $0xffff;
	vm7 =	vgt.f32 v40, $1.000000100e-12  }
0x27b: {  	vm6 =	vmand vm6, vm7;
	vm7 =	vlt.f32 v40, $1.599999840e-03;
	v39 =	vmul.f32 v42, v39  }
.Ltmp23:
0x27c: {  	v40 =	vadd.s32 v41, v32;
	v41 =	vadd.s32 v43, v35;
	v35 =	vmovc v36;
	v32 =	vmovc v27;
	vm6 =	vmand vm7, vm6;
	(pc) =	sbr.rel @p4 .LBB2_35-.Ltmp23, $4  }
0x27d: {  	v27 =	vadd.s32 $0x7FFF, v40;
	v36 =	vadd.s32 $0x7FFF, v41;
	v39 =	vnsel vm6, $0x0, v39  }
0x27e: {  	v27 =	vand.u32 $0xFFFF0000, v27;
	v36 =	vand.u32 $0xFFFF0000, v36;
	v40 =	vld.idx.msk [tilespmem:v31+s3+$0x0], $0xffff;
	v29 =	vadd.f32 v39, v29;
	v31 =	vmovc v28;
	v28 =	vmovc v33  }
0x27f: {  	v38 =	vadd.s32 $0x7FFF, v38;
	v43 =	vmul.f32 v27, v20;
	v44 =	vmul.f32 v36, v21  }
0x280: {  	s0 =	sadd.s32 $0xFFFFFFFF, s0;
	v42 =	vmul.f32 v45, v45;
	v45 =	vand.u32 $0xFFFF0000, v38;
	v41 =	vsub.f32 v24, v37;
	v27 =	vld.idx.msk [tilespmem:v33+s8+$0x0], $0xffff  }
.Ltmp24:
0x281: {  	(pc) =	sbr.rel .LBB2_37-.Ltmp24, $2  }
0x282: {  	_ =	sdelay $0x2  }
0x283: {  	v38 =	vmovc v37;
	v37 =	vmov v32;
	v39 =	vmov v35;
	v36 =	vmov v31  }
.LBB2_32:
.Ltmp25:
0x284: {  	_ = 	snop;
	(pc) =	sbr.rel .LBB2_37-.Ltmp25, $2  }
0x285: {  	_ =	sdelay $0x2  }
0x286: {  	v37 =	vmovc v27;
	v33 =	vmovc v31;
	s28 =	smov.u32 s4;
	v28 =	vmov v31;
	v29 =	vmov v18;
	v27 =	vmov v32  }
.LBB2_34:
.Ltmp26:
0x287: {  	(pc) =	sbr.rel .LBB2_37-.Ltmp26, $3  }
0x288: {  	_ =	sdelay $0x1  }
0x289: {  	v38 =	vmov v37  }
0x28a: {  	s28 =	smov.u32 s4;
	v37 =	vmovc v32;
	v39 =	vmovc v35;
	v28 =	vmov v33;
	v36 =	vmov v31;
	v29 =	vmov v18  }
.LBB2_17:
.Ltmp27:
0x28b: {  	(pc) =	sbr.rel .LBB2_26-.Ltmp27, $2  }
0x28c: {  	_ =	sdelay $0x2  }
0x28d: {  	v24 =	vmov v20;
	s9 =	simm.s32 $0x0  }
.LBB2_19:
.Ltmp28:
0x28e: {  	(pc) =	sbr.rel .LBB2_26-.Ltmp28, $2  }
0x28f: {  	_ =	sdelay $0x2  }
0x290: {  	vm9 =	vmmov vm6;
	v24 =	vmov v20;
	s5 =	simm.s32 $0x0;
	s9 =	simm.s32 $0x0  }
.LBB2_21:
.Ltmp29:
0x291: {  	(pc) =	sbr.rel .LBB2_26-.Ltmp29, $2  }
0x292: {  	_ =	sdelay $0x2  }
0x293: {  	vm11 =	vmmov vm6;
	v24 =	vmov v20;
	s0 =	simm.s32 $0x0;
	s9 =	simm.s32 $0x0;
	vm10 =	vmmov vm8  }
.LBB2_23:
.Ltmp30:
0x294: {  	(pc) =	sbr.rel .LBB2_26-.Ltmp30, $2  }
0x295: {  	_ =	sdelay $0x2  }
0x296: {  	vm11 =	vmmov vm9;
	s0 =	simm.s32 $0x1;
	s5 =	simm.s32 $0x2;
	s9 =	simm.s32 $0x0;
	vm9 =	vmmov vm12  }
.LBB2_7:
.Ltmp31:
0x297: {  	(pc) =	sbr.rel .LBB2_12-.Ltmp31, $2  }
0x298: {  	_ =	sdelay $0x2  }
0x299: {  	_ = 	snop  }
.LBB2_9:
.Ltmp32:
0x29a: {  	(pc) =	sbr.rel .LBB2_12-.Ltmp32, $2  }
0x29b: {  	_ =	sdelay $0x2  }
0x29c: {  	s0 =	simm.s32 $0x1  }
.LBB2_41:
0x29d: {  	_ =	sfence.sel $0x180000  }
0x29e: {  	[bflag:$0x0] =	sbarrier.arrive $0xFFFF  }
0x29f: {  	_ =	strace $0x90000047  }
0x2a0: {  	[bflag:$0x2] =	sbarrier.arrive $0xFFFF  }
0x2a1: {  	s0 =	rddreg [dreg:$0x5]  }
0x2a2: {  	s0 =	sadd.s32 @!p0 $0x100000, s0  }
0x2a3: {  	[sflag:s0] =	ssyncadd.tile.s32 @!p0 $0x1;
	_ =	shalt  }
.Lfunc_end2:
_tile_overlayer_lowered:
.L_overlay_start_2:
0x2a4: {  	(tag) =	ssettag $0x2  }
0x2a5: {  	s0 =	rddreg [dreg:$0x0];
	s2 =	stileid.u32  }
0x2a6: {  	s1 =	rddreg [dreg:$0x1];
	p0 =	sne.s32 s2, $0x0  }
0x2a7: {  	s3 =	rddreg [dreg:$0x2];
	[bflag:$0x3] =	sbarrier.arrive $0xFFFF;
	s2 =	simm.s32 @!p0 $0x1C01  }
0x2a8: {  	[timem:s3], [sflag:s2] =	dma.local @!p0 [hbm:s0], s1  }
0x2a9: {  	s0 =	simm.s32 @!p0 $0x1  }
0x2aa: {  	_ =	swait.ge @!p0 [sflag:s0], s1  }
0x2ab: {  	s1 =	ssub.s32 @!p0 $0x0, s1;
	[sflag:s0] =	ssyncset.done @!p0 $0x0  }
0x2ac: {  	[sflag:s0] =	ssyncadd.s32 @!p0 s1  }
0x2ad: {  	[bflag:$0x3] =	sbarrier.arrive $0xFFFF  }
0x2ae: {  	_ =	shalt  }

</sc_bundles>
